<compile_context>
chip_gen: v7x
topology: tpu7x:2x2x1
jax: 0.10.2.dev20260603
libtpu: 0.0.44.dev20260713+nightly
codegen_flags: <defaults>
</compile_context>

<pallas_src>
import functools

import jax
import jax.numpy as jnp
from jax import lax
from jax.experimental import pallas as pl
from jax.experimental.pallas import tpu as pltpu
from jax.experimental.pallas import tpu_sc as plsc

N = 10000
E = 320000
D = 128
G = 64
NC = 2
NS = 16
NW = NC * NS
K = 80
NITER = 128
EPT = K * NITER
EPAD = NW * EPT - E
NPAD = 10240
RPT = NPAD // NS
f32 = jnp.float32
_mesh = plsc.VectorSubcoreMesh(core_axis_name="c", subcore_axis_name="s")



@functools.partial(
    pl.kernel,
    out_type=jax.ShapeDtypeStruct((NC, NPAD, D), f32),
    mesh=_mesh,
    scratch_types=[
        pltpu.VMEM((K,), jnp.int32),
        pltpu.VMEM((K,), jnp.int32),
        pltpu.VMEM((K,), jnp.int32),
        pltpu.VMEM((K,), jnp.int32),
        pltpu.VMEM((2, K, D), f32),
        pltpu.VMEM_SHARED((NPAD, D), f32),
        [pltpu.SemaphoreType.DMA] * 2,
    ],
)
def _agg_kernel(g_hbm, src_hbm, dst_hbm, zeros_hbm, out_hbm,
                sA, sB, dA, dB, rows_v, acc, semg):
    c = lax.axis_index("c")
    s = lax.axis_index("s")
    wid = c * NS + s

    pltpu.sync_copy(zeros_hbm.at[s], acc.at[pl.ds(s * RPT, RPT)])

    plsc.subcore_barrier()

    def body(p, _):
        i0 = 2 * p
        pltpu.sync_copy(src_hbm.at[wid, i0], sA)
        pltpu.sync_copy(dst_hbm.at[wid, i0], dA)
        ga = pltpu.async_copy(g_hbm.at[sA], rows_v.at[0], semg[0])
        pltpu.sync_copy(src_hbm.at[wid, i0 + 1], sB)
        pltpu.sync_copy(dst_hbm.at[wid, i0 + 1], dB)
        gb = pltpu.async_copy(g_hbm.at[sB], rows_v.at[1], semg[1])
        ga.wait()
        pltpu.sync_copy(rows_v.at[0], acc.at[dA], add=True)
        gb.wait()
        pltpu.sync_copy(rows_v.at[1], acc.at[dB], add=True)
        return 0

    lax.fori_loop(0, NITER // 2, body, 0)

    plsc.subcore_barrier()
    pltpu.sync_copy(acc.at[pl.ds(s * RPT, RPT)],
                    out_hbm.at[c, pl.ds(s * RPT, RPT)])



BN = 2000
NB = N // BN

def _dot(a, b):
    return jnp.dot(a, b, precision=lax.Precision.HIGHEST,
                   preferred_element_type=f32)


def _dis_col(deg_ref):
    p = deg_ref[0] + deg_ref[1]
    deg = jnp.sum(p, axis=1, keepdims=True) * (1.0 / D) + 1.0
    return lax.rsqrt(deg)


def _tc_first_body(deg_ref, x_ref, w_ref, u_ref, g_ref):
    dis = _dis_col(deg_ref)
    u = _dot(x_ref[...], w_ref[...])
    u_ref[...] = u
    g_ref[...] = u * dis


def _tc_mid_body(deg_ref, s_ref, u_ref, b_ref, w_ref, u2_ref, g2_ref):
    dis = _dis_col(deg_ref)
    ssum = s_ref[0] + s_ref[1]
    h = jnp.maximum(ssum * dis + u_ref[...] * (dis * dis) + b_ref[...], 0.0)
    u2 = _dot(h, w_ref[...])
    u2_ref[...] = u2
    g2_ref[...] = u2 * dis


def _tc_final_body(deg_ref, s_ref, u_ref, b_ref, batch_ref, wfc_ref, bfc_ref,
                   o_ref, psum_acc, cnt_acc):
    i = pl.program_id(0)
    dis = _dis_col(deg_ref)
    ssum = s_ref[0] + s_ref[1]
    h = jnp.maximum(ssum * dis + u_ref[...] * (dis * dis) + b_ref[...], 0.0)
    seg = batch_ref[0]
    sel = (seg == lax.broadcasted_iota(jnp.int32, (G, BN), 0)).astype(f32)
    psum = _dot(sel, h)
    cnt = jnp.sum(sel, axis=1, keepdims=True) * jnp.ones((1, 128), f32)

    @pl.when(i == 0)
    def _():
        psum_acc[...] = psum
        cnt_acc[...] = cnt

    @pl.when(i > 0)
    def _():
        psum_acc[...] += psum
        cnt_acc[...] += cnt

    @pl.when(i == NB - 1)
    def _():
        pooled = psum_acc[...] / jnp.maximum(cnt_acc[...], 1.0)
        o_ref[...] = _dot(pooled, wfc_ref[...]) + bfc_ref[...]


_deg_spec = pl.BlockSpec((NC, BN, D), lambda i: (0, i, 0))
_s_spec = pl.BlockSpec((NC, BN, D), lambda i: (0, i, 0))
_row_spec = pl.BlockSpec((BN, D), lambda i: (i, 0))
_w_spec = pl.BlockSpec((D, D), lambda i: (0, 0))
_b_spec = pl.BlockSpec((1, D), lambda i: (0, 0))

_tc_first = pl.pallas_call(
    _tc_first_body,
    grid=(NB,),
    in_specs=[_deg_spec, _row_spec, _w_spec],
    out_specs=(_row_spec, _row_spec),
    out_shape=(jax.ShapeDtypeStruct((N, D), f32),
               jax.ShapeDtypeStruct((N, D), f32)),
)

_tc_mid = pl.pallas_call(
    _tc_mid_body,
    grid=(NB,),
    in_specs=[_deg_spec, _s_spec, _row_spec, _b_spec, _w_spec],
    out_specs=(_row_spec, _row_spec),
    out_shape=(jax.ShapeDtypeStruct((N, D), f32),
               jax.ShapeDtypeStruct((N, D), f32)),
)

_tc_final = pl.pallas_call(
    _tc_final_body,
    grid=(NB,),
    in_specs=[_deg_spec, _s_spec, _row_spec, _b_spec,
              pl.BlockSpec((1, 1, BN), lambda i: (i, 0, 0)),
              pl.BlockSpec((D, 4), lambda i: (0, 0)),
              pl.BlockSpec((1, 4), lambda i: (0, 0))],
    out_specs=pl.BlockSpec((G, 4), lambda i: (0, 0)),
    out_shape=jax.ShapeDtypeStruct((G, 4), f32),
    scratch_shapes=[pltpu.VMEM((G, D), f32), pltpu.VMEM((G, D), f32)],
)



def kernel(x, edge_index, batch, W1, b1, W2, b2, W3, b3, W4, b4, Wfc, bfc):
    ppt = EPT - E // NW
    pad_s = jnp.zeros((NW, ppt), jnp.int32)
    pad_d = jnp.broadcast_to(
        N + jnp.arange(ppt, dtype=jnp.int32) % (NPAD - N), (NW, ppt))
    src = jnp.concatenate(
        [edge_index[0].reshape(NW, E // NW), pad_s], axis=1
    ).reshape(NW, NITER, K)
    dst = jnp.concatenate(
        [edge_index[1].reshape(NW, E // NW), pad_d], axis=1
    ).reshape(NW, NITER, K)
    batch2 = batch.reshape(NB, 1, BN)
    b1r, b2r, b3r, b4r = (b.reshape(1, D) for b in (b1, b2, b3, b4))
    bfcr = bfc.reshape(1, 4)

    zrow = jnp.zeros((NS, RPT, D), f32)

    degp = _agg_kernel(jnp.ones((N, D), f32), src, dst, zrow)
    u1, g1 = _tc_first(degp, x, W1)
    s1 = _agg_kernel(g1, src, dst, zrow)
    u2, g2 = _tc_mid(degp, s1, u1, b1r, W2)
    s2 = _agg_kernel(g2, src, dst, zrow)
    u3, g3 = _tc_mid(degp, s2, u2, b2r, W3)
    s3 = _agg_kernel(g3, src, dst, zrow)
    u4, g4 = _tc_mid(degp, s3, u3, b3r, W4)
    s4 = _agg_kernel(g4, src, dst, zrow)
    return _tc_final(degp, s4, u4, b4r, batch2, Wfc, bfcr)

# --- scband reference (transcript-rebuilt; emitter-appended) ---
"""Pipeline reference for scband-yoga-gcn-51711406244070 (READ-ONLY COPY).

The authoritative reference and input builder live on the scoring server;
editing this copy changes nothing except your own understanding.
"""

import jax, jax.numpy as jnp
import numpy as np

N = 10000
E = 320000
D = 128
H = 128
C = 4
G = 64


def setup_inputs(seed: int = 0) -> dict:
    key = jax.random.key(seed)
    ks = jax.random.split(key, 14)
    x = jax.random.normal(ks[0], (N, D), dtype=jnp.float32)
    edge_index = jax.random.randint(ks[1], (2, E), 0, N, dtype=jnp.int32)
    batch = jnp.sort(jax.random.randint(ks[2], (N,), 0, G, dtype=jnp.int32))
    s = 0.05
    W1 = jax.random.normal(ks[3], (D, H), dtype=jnp.float32) * s
    b1 = jnp.zeros((H,), dtype=jnp.float32)
    W2 = jax.random.normal(ks[4], (H, H), dtype=jnp.float32) * s
    b2 = jnp.zeros((H,), dtype=jnp.float32)
    W3 = jax.random.normal(ks[5], (H, H), dtype=jnp.float32) * s
    b3 = jnp.zeros((H,), dtype=jnp.float32)
    W4 = jax.random.normal(ks[6], (H, H), dtype=jnp.float32) * s
    b4 = jnp.zeros((H,), dtype=jnp.float32)
    Wfc = jax.random.normal(ks[7], (H, C), dtype=jnp.float32) * s
    bfc = jnp.zeros((C,), dtype=jnp.float32)
    return {"x": x, "edge_index": edge_index, "batch": batch,
            "W1": W1, "b1": b1, "W2": W2, "b2": b2,
            "W3": W3, "b3": b3, "W4": W4, "b4": b4,
            "Wfc": Wfc, "bfc": bfc}


def reference(x, edge_index, batch, W1, b1, W2, b2, W3, b3, W4, b4, Wfc, bfc):
    n = x.shape[0]
    loop = jnp.arange(n, dtype=edge_index.dtype)
    src = jnp.concatenate([edge_index[0], loop])
    dst = jnp.concatenate([edge_index[1], loop])
    # symmetric GCN normalization with self-loops (PyG GCNConv default)
    deg = jax.ops.segment_sum(jnp.ones(src.shape, dtype=x.dtype), dst, num_segments=n)
    dis = jnp.where(deg > 0, 1.0 / jnp.sqrt(deg), 0.0)
    norm = dis[src] * dis[dst]

    def conv(h, W, b):
        h = h @ W
        msg = h[src] * norm[:, None]
        agg = jax.ops.segment_sum(msg, dst, num_segments=n)
        return agg + b

    h = jax.nn.relu(conv(x, W1, b1))
    h = jax.nn.relu(conv(h, W2, b2))
    h = jax.nn.relu(conv(h, W3, b3))
    h = jax.nn.relu(conv(h, W4, b4))
    # global mean pool over graphs
    ssum = jax.ops.segment_sum(h, batch, num_segments=G)
    cnt = jax.ops.segment_sum(jnp.ones((n,), dtype=x.dtype), batch, num_segments=G)
    pooled = ssum / jnp.maximum(cnt, 1.0)[:, None]
    return pooled @ Wfc + bfc

if __name__ == "__main__":
    import jax
    _d = setup_inputs()
    print(jax.jit(kernel)(*tuple(_d.values())))

</pallas_src>

<mosaic_0001>
#map = affine_map<(d0, d1) -> (0, 0)>
#map1 = affine_map<(d0, d1) -> (0, 0, 0)>
module attributes {stable_mosaic.version = 14 : i64} {
  func.func @_agg_kernel(%arg0: i32, %arg1: i32, %arg2: memref<10000x128xf32, #tpu.memory_space<hbm>>, %arg3: memref<32x128x80xi32, #tpu.memory_space<hbm>>, %arg4: memref<32x128x80xi32, #tpu.memory_space<hbm>>, %arg5: memref<16x640x128xf32, #tpu.memory_space<hbm>>, %arg6: memref<2x10240x128xf32, #tpu.memory_space<hbm>>, %arg7: memref<80xi32, #tpu.memory_space<vmem>>, %arg8: memref<80xi32, #tpu.memory_space<vmem>>, %arg9: memref<80xi32, #tpu.memory_space<vmem>>, %arg10: memref<80xi32, #tpu.memory_space<vmem>>, %arg11: memref<2x80x128xf32, #tpu.memory_space<vmem>>, %arg12: memref<10240x128xf32, #tpu.memory_space<vmem_shared>>, %arg13: memref<!tpu.dma_semaphore, #tpu.memory_space<semaphore_mem>>, %arg14: memref<!tpu.dma_semaphore, #tpu.memory_space<semaphore_mem>>) attributes {dimension_semantics = [#tpu.dimension_semantics<core_parallel>, #tpu.dimension_semantics<subcore_parallel>], iteration_bounds = array<i64: 2, 16>, scalar_prefetch = 0 : i64, scratch_operands = 8 : i64, tpu.core_type = #tpu.core_type<sc_vector_subcore>, window_params = [{transform_indices = #map}, {transform_indices = #map1}, {transform_indices = #map1}, {transform_indices = #map1}, {transform_indices = #map1}]} {
    %mul3A = arith.constant 16 : i32
    %mul3A_0 = arith.muli %arg0, %mul3A : i32
    %add3A = arith.addi %mul3A_0, %arg1 : i32
    %mul3A_1 = arith.constant 640 : i32
    %mul3A_2 = arith.muli %arg1, %mul3A_1 : i32
    "tpu.region"() ({
      %run_scoped3A = tpu.sem_alloc : memref<!tpu.dma_semaphore, #tpu.memory_space<semaphore_mem>>
      %dma_start3A = arith.constant 0 : i32
      %dma_start3A_14 = tpu.memref_slice %arg12[%mul3A_2, %dma_start3A] : memref<10240x128xf32, #tpu.memory_space<vmem_shared>> -> memref<640x128xf32, #tpu.memory_space<vmem_shared>>
      %dma_start3A_15 = arith.constant 0 : i32
      %dma_start3A_16 = arith.constant 0 : i32
      %dma_start3A_17 = tpu.memref_slice %arg5[%arg1, %dma_start3A_15, %dma_start3A_16] : memref<16x640x128xf32, #tpu.memory_space<hbm>> -> memref<1x640x128xf32, #tpu.memory_space<hbm>>
      %dma_start3A_18 = tpu.memref_squeeze %dma_start3A_17 : memref<1x640x128xf32, #tpu.memory_space<hbm>> -> memref<640x128xf32, #tpu.memory_space<hbm>>
      tpu.enqueue_dma source(%dma_start3A_18 : memref<640x128xf32, #tpu.memory_space<hbm>>) target(%dma_start3A_14 : memref<640x128xf32, #tpu.memory_space<vmem_shared>>) target_semaphore(%run_scoped3A : memref<!tpu.dma_semaphore, #tpu.memory_space<semaphore_mem>>)
      %dma_wait3A = arith.constant 0 : i32
      %dma_wait3A_19 = tpu.memref_slice %arg12[%mul3A_2, %dma_wait3A] : memref<10240x128xf32, #tpu.memory_space<vmem_shared>> -> memref<640x128xf32, #tpu.memory_space<vmem_shared>>
      %dma_wait3A_20 = arith.constant 0 : i32
      %dma_wait3A_21 = arith.constant 0 : i32
      %dma_wait3A_22 = tpu.memref_slice %arg5[%arg1, %dma_wait3A_20, %dma_wait3A_21] : memref<16x640x128xf32, #tpu.memory_space<hbm>> -> memref<1x640x128xf32, #tpu.memory_space<hbm>>
      %dma_wait3A_23 = tpu.memref_squeeze %dma_wait3A_22 : memref<1x640x128xf32, #tpu.memory_space<hbm>> -> memref<640x128xf32, #tpu.memory_space<hbm>>
      tpu.wait_dma2 semaphore(%run_scoped3A : memref<!tpu.dma_semaphore, #tpu.memory_space<semaphore_mem>>) src(%dma_wait3A_23 : memref<640x128xf32, #tpu.memory_space<hbm>>) dst(%dma_wait3A_19 : memref<640x128xf32, #tpu.memory_space<vmem_shared>>)
      tpu.yield
    }) : () -> ()
    %barrier3A = arith.constant 0 : index
    tpu.barrier barrier_id(%barrier3A)
    %scan3A = arith.constant 0 : i32
    %scan3A_3 = arith.constant 0 : i32
    %scan3A_4 = arith.constant 64 : i32
    %scan3A_5 = arith.addi %scan3A_3, %scan3A_4 : i32
    %scan3A_6 = arith.constant 1 : i32
    %scan3A_7 = scf.for %scan3A_14 = %scan3A_3 to %scan3A_5 step %scan3A_6 iter_args(%scan3A_15 = %scan3A) -> (i32)  : i32 {
      %mul3A_16 = arith.constant 2 : i32
      %mul3A_17 = arith.muli %mul3A_16, %scan3A_14 : i32
      "tpu.region"() ({
        %run_scoped3A_54 = tpu.sem_alloc : memref<!tpu.dma_semaphore, #tpu.memory_space<semaphore_mem>>
        %dma_start3A_55 = arith.constant 0 : i32
        %dma_start3A_56 = tpu.memref_slice %arg3[%add3A, %mul3A_17, %dma_start3A_55] : memref<32x128x80xi32, #tpu.memory_space<hbm>> -> memref<1x1x80xi32, #tpu.memory_space<hbm>>
        %dma_start3A_57 = tpu.memref_squeeze %dma_start3A_56 : memref<1x1x80xi32, #tpu.memory_space<hbm>> -> memref<80xi32, #tpu.memory_space<hbm>>
        %dma_start3A_58 = arith.constant 0 : i32
        %dma_start3A_59 = tpu.memref_slice %arg3[%add3A, %mul3A_17, %dma_start3A_58] : memref<32x128x80xi32, #tpu.memory_space<hbm>> -> memref<1x1x80xi32, #tpu.memory_space<hbm>>
        %dma_start3A_60 = tpu.memref_squeeze %dma_start3A_59 : memref<1x1x80xi32, #tpu.memory_space<hbm>> -> memref<80xi32, #tpu.memory_space<hbm>>
        tpu.enqueue_dma source(%dma_start3A_60 : memref<80xi32, #tpu.memory_space<hbm>>) target(%arg7 : memref<80xi32, #tpu.memory_space<vmem>>) target_semaphore(%run_scoped3A_54 : memref<!tpu.dma_semaphore, #tpu.memory_space<semaphore_mem>>)
        %dma_wait3A_61 = arith.constant 0 : i32
        %dma_wait3A_62 = tpu.memref_slice %arg3[%add3A, %mul3A_17, %dma_wait3A_61] : memref<32x128x80xi32, #tpu.memory_space<hbm>> -> memref<1x1x80xi32, #tpu.memory_space<hbm>>
        %dma_wait3A_63 = tpu.memref_squeeze %dma_wait3A_62 : memref<1x1x80xi32, #tpu.memory_space<hbm>> -> memref<80xi32, #tpu.memory_space<hbm>>
        %dma_wait3A_64 = arith.constant 0 : i32
        %dma_wait3A_65 = tpu.memref_slice %arg3[%add3A, %mul3A_17, %dma_wait3A_64] : memref<32x128x80xi32, #tpu.memory_space<hbm>> -> memref<1x1x80xi32, #tpu.memory_space<hbm>>
        %dma_wait3A_66 = tpu.memref_squeeze %dma_wait3A_65 : memref<1x1x80xi32, #tpu.memory_space<hbm>> -> memref<80xi32, #tpu.memory_space<hbm>>
        tpu.wait_dma2 semaphore(%run_scoped3A_54 : memref<!tpu.dma_semaphore, #tpu.memory_space<semaphore_mem>>) src(%dma_wait3A_66 : memref<80xi32, #tpu.memory_space<hbm>>) dst(%arg7 : memref<80xi32, #tpu.memory_space<vmem>>)
        tpu.yield
      }) : () -> ()
      "tpu.region"() ({
        %run_scoped3A_54 = tpu.sem_alloc : memref<!tpu.dma_semaphore, #tpu.memory_space<semaphore_mem>>
        %dma_start3A_55 = arith.constant 0 : i32
        %dma_start3A_56 = tpu.memref_slice %arg4[%add3A, %mul3A_17, %dma_start3A_55] : memref<32x128x80xi32, #tpu.memory_space<hbm>> -> memref<1x1x80xi32, #tpu.memory_space<hbm>>
        %dma_start3A_57 = tpu.memref_squeeze %dma_start3A_56 : memref<1x1x80xi32, #tpu.memory_space<hbm>> -> memref<80xi32, #tpu.memory_space<hbm>>
        %dma_start3A_58 = arith.constant 0 : i32
        %dma_start3A_59 = tpu.memref_slice %arg4[%add3A, %mul3A_17, %dma_start3A_58] : memref<32x128x80xi32, #tpu.memory_space<hbm>> -> memref<1x1x80xi32, #tpu.memory_space<hbm>>
        %dma_start3A_60 = tpu.memref_squeeze %dma_start3A_59 : memref<1x1x80xi32, #tpu.memory_space<hbm>> -> memref<80xi32, #tpu.memory_space<hbm>>
        tpu.enqueue_dma source(%dma_start3A_60 : memref<80xi32, #tpu.memory_space<hbm>>) target(%arg9 : memref<80xi32, #tpu.memory_space<vmem>>) target_semaphore(%run_scoped3A_54 : memref<!tpu.dma_semaphore, #tpu.memory_space<semaphore_mem>>)
        %dma_wait3A_61 = arith.constant 0 : i32
        %dma_wait3A_62 = tpu.memref_slice %arg4[%add3A, %mul3A_17, %dma_wait3A_61] : memref<32x128x80xi32, #tpu.memory_space<hbm>> -> memref<1x1x80xi32, #tpu.memory_space<hbm>>
        %dma_wait3A_63 = tpu.memref_squeeze %dma_wait3A_62 : memref<1x1x80xi32, #tpu.memory_space<hbm>> -> memref<80xi32, #tpu.memory_space<hbm>>
        %dma_wait3A_64 = arith.constant 0 : i32
        %dma_wait3A_65 = tpu.memref_slice %arg4[%add3A, %mul3A_17, %dma_wait3A_64] : memref<32x128x80xi32, #tpu.memory_space<hbm>> -> memref<1x1x80xi32, #tpu.memory_space<hbm>>
        %dma_wait3A_66 = tpu.memref_squeeze %dma_wait3A_65 : memref<1x1x80xi32, #tpu.memory_space<hbm>> -> memref<80xi32, #tpu.memory_space<hbm>>
        tpu.wait_dma2 semaphore(%run_scoped3A_54 : memref<!tpu.dma_semaphore, #tpu.memory_space<semaphore_mem>>) src(%dma_wait3A_66 : memref<80xi32, #tpu.memory_space<hbm>>) dst(%arg9 : memref<80xi32, #tpu.memory_space<vmem>>)
        tpu.yield
      }) : () -> ()
      %dma_start3A = arith.constant 0 : i32
      %dma_start3A_18 = arith.constant 0 : i32
      %dma_start3A_19 = arith.constant 0 : i32
      %dma_start3A_20 = tpu.memref_slice %arg11[%dma_start3A, %dma_start3A_18, %dma_start3A_19] : memref<2x80x128xf32, #tpu.memory_space<vmem>> -> memref<1x80x128xf32, #tpu.memory_space<vmem>>
      %dma_start3A_21 = tpu.memref_squeeze %dma_start3A_20 : memref<1x80x128xf32, #tpu.memory_space<vmem>> -> memref<80x128xf32, #tpu.memory_space<vmem>>
      %dma_start3A_22 = arith.constant 0 : i32
      %dma_start3A_23 = arith.constant 0 : i32
      %dma_start3A_24 = tpu.memref_slice %arg2[%dma_start3A_22, %dma_start3A_23] : memref<10000x128xf32, #tpu.memory_space<hbm>> -> memref<10000x128xf32, #tpu.memory_space<hbm>>
      tpu.enqueue_indirect_dma source(%dma_start3A_24 : memref<10000x128xf32, #tpu.memory_space<hbm>>) target(%dma_start3A_21 : memref<80x128xf32, #tpu.memory_space<vmem>>) offsets(%arg7 : memref<80xi32, #tpu.memory_space<vmem>>) semaphore(%arg13 : memref<!tpu.dma_semaphore, #tpu.memory_space<semaphore_mem>>)
      %add3A_25 = arith.constant 1 : i32
      %add3A_26 = arith.addi %mul3A_17, %add3A_25 : i32
      "tpu.region"() ({
        %run_scoped3A_54 = tpu.sem_alloc : memref<!tpu.dma_semaphore, #tpu.memory_space<semaphore_mem>>
        %dma_start3A_55 = arith.constant 0 : i32
        %dma_start3A_56 = tpu.memref_slice %arg3[%add3A, %add3A_26, %dma_start3A_55] : memref<32x128x80xi32, #tpu.memory_space<hbm>> -> memref<1x1x80xi32, #tpu.memory_space<hbm>>
        %dma_start3A_57 = tpu.memref_squeeze %dma_start3A_56 : memref<1x1x80xi32, #tpu.memory_space<hbm>> -> memref<80xi32, #tpu.memory_space<hbm>>
        %dma_start3A_58 = arith.constant 0 : i32
        %dma_start3A_59 = tpu.memref_slice %arg3[%add3A, %add3A_26, %dma_start3A_58] : memref<32x128x80xi32, #tpu.memory_space<hbm>> -> memref<1x1x80xi32, #tpu.memory_space<hbm>>
        %dma_start3A_60 = tpu.memref_squeeze %dma_start3A_59 : memref<1x1x80xi32, #tpu.memory_space<hbm>> -> memref<80xi32, #tpu.memory_space<hbm>>
        tpu.enqueue_dma source(%dma_start3A_60 : memref<80xi32, #tpu.memory_space<hbm>>) target(%arg8 : memref<80xi32, #tpu.memory_space<vmem>>) target_semaphore(%run_scoped3A_54 : memref<!tpu.dma_semaphore, #tpu.memory_space<semaphore_mem>>)
        %dma_wait3A_61 = arith.constant 0 : i32
        %dma_wait3A_62 = tpu.memref_slice %arg3[%add3A, %add3A_26, %dma_wait3A_61] : memref<32x128x80xi32, #tpu.memory_space<hbm>> -> memref<1x1x80xi32, #tpu.memory_space<hbm>>
        %dma_wait3A_63 = tpu.memref_squeeze %dma_wait3A_62 : memref<1x1x80xi32, #tpu.memory_space<hbm>> -> memref<80xi32, #tpu.memory_space<hbm>>
        %dma_wait3A_64 = arith.constant 0 : i32
        %dma_wait3A_65 = tpu.memref_slice %arg3[%add3A, %add3A_26, %dma_wait3A_64] : memref<32x128x80xi32, #tpu.memory_space<hbm>> -> memref<1x1x80xi32, #tpu.memory_space<hbm>>
        %dma_wait3A_66 = tpu.memref_squeeze %dma_wait3A_65 : memref<1x1x80xi32, #tpu.memory_space<hbm>> -> memref<80xi32, #tpu.memory_space<hbm>>
        tpu.wait_dma2 semaphore(%run_scoped3A_54 : memref<!tpu.dma_semaphore, #tpu.memory_space<semaphore_mem>>) src(%dma_wait3A_66 : memref<80xi32, #tpu.memory_space<hbm>>) dst(%arg8 : memref<80xi32, #tpu.memory_space<vmem>>)
        tpu.yield
      }) : () -> ()
      %add3A_27 = arith.constant 1 : i32
      %add3A_28 = arith.addi %mul3A_17, %add3A_27 : i32
      "tpu.region"() ({
        %run_scoped3A_54 = tpu.sem_alloc : memref<!tpu.dma_semaphore, #tpu.memory_space<semaphore_mem>>
        %dma_start3A_55 = arith.constant 0 : i32
        %dma_start3A_56 = tpu.memref_slice %arg4[%add3A, %add3A_28, %dma_start3A_55] : memref<32x128x80xi32, #tpu.memory_space<hbm>> -> memref<1x1x80xi32, #tpu.memory_space<hbm>>
        %dma_start3A_57 = tpu.memref_squeeze %dma_start3A_56 : memref<1x1x80xi32, #tpu.memory_space<hbm>> -> memref<80xi32, #tpu.memory_space<hbm>>
        %dma_start3A_58 = arith.constant 0 : i32
        %dma_start3A_59 = tpu.memref_slice %arg4[%add3A, %add3A_28, %dma_start3A_58] : memref<32x128x80xi32, #tpu.memory_space<hbm>> -> memref<1x1x80xi32, #tpu.memory_space<hbm>>
        %dma_start3A_60 = tpu.memref_squeeze %dma_start3A_59 : memref<1x1x80xi32, #tpu.memory_space<hbm>> -> memref<80xi32, #tpu.memory_space<hbm>>
        tpu.enqueue_dma source(%dma_start3A_60 : memref<80xi32, #tpu.memory_space<hbm>>) target(%arg10 : memref<80xi32, #tpu.memory_space<vmem>>) target_semaphore(%run_scoped3A_54 : memref<!tpu.dma_semaphore, #tpu.memory_space<semaphore_mem>>)
        %dma_wait3A_61 = arith.constant 0 : i32
        %dma_wait3A_62 = tpu.memref_slice %arg4[%add3A, %add3A_28, %dma_wait3A_61] : memref<32x128x80xi32, #tpu.memory_space<hbm>> -> memref<1x1x80xi32, #tpu.memory_space<hbm>>
        %dma_wait3A_63 = tpu.memref_squeeze %dma_wait3A_62 : memref<1x1x80xi32, #tpu.memory_space<hbm>> -> memref<80xi32, #tpu.memory_space<hbm>>
        %dma_wait3A_64 = arith.constant 0 : i32
        %dma_wait3A_65 = tpu.memref_slice %arg4[%add3A, %add3A_28, %dma_wait3A_64] : memref<32x128x80xi32, #tpu.memory_space<hbm>> -> memref<1x1x80xi32, #tpu.memory_space<hbm>>
        %dma_wait3A_66 = tpu.memref_squeeze %dma_wait3A_65 : memref<1x1x80xi32, #tpu.memory_space<hbm>> -> memref<80xi32, #tpu.memory_space<hbm>>
        tpu.wait_dma2 semaphore(%run_scoped3A_54 : memref<!tpu.dma_semaphore, #tpu.memory_space<semaphore_mem>>) src(%dma_wait3A_66 : memref<80xi32, #tpu.memory_space<hbm>>) dst(%arg10 : memref<80xi32, #tpu.memory_space<vmem>>)
        tpu.yield
      }) : () -> ()
      %dma_start3A_29 = arith.constant 1 : i32
      %dma_start3A_30 = arith.constant 0 : i32
      %dma_start3A_31 = arith.constant 0 : i32
      %dma_start3A_32 = tpu.memref_slice %arg11[%dma_start3A_29, %dma_start3A_30, %dma_start3A_31] : memref<2x80x128xf32, #tpu.memory_space<vmem>> -> memref<1x80x128xf32, #tpu.memory_space<vmem>>
      %dma_start3A_33 = tpu.memref_squeeze %dma_start3A_32 : memref<1x80x128xf32, #tpu.memory_space<vmem>> -> memref<80x128xf32, #tpu.memory_space<vmem>>
      %dma_start3A_34 = arith.constant 0 : i32
      %dma_start3A_35 = arith.constant 0 : i32
      %dma_start3A_36 = tpu.memref_slice %arg2[%dma_start3A_34, %dma_start3A_35] : memref<10000x128xf32, #tpu.memory_space<hbm>> -> memref<10000x128xf32, #tpu.memory_space<hbm>>
      tpu.enqueue_indirect_dma source(%dma_start3A_36 : memref<10000x128xf32, #tpu.memory_space<hbm>>) target(%dma_start3A_33 : memref<80x128xf32, #tpu.memory_space<vmem>>) offsets(%arg8 : memref<80xi32, #tpu.memory_space<vmem>>) semaphore(%arg14 : memref<!tpu.dma_semaphore, #tpu.memory_space<semaphore_mem>>)
      %dma_wait3A = arith.constant 0 : i32
      %dma_wait3A_37 = arith.constant 0 : i32
      %dma_wait3A_38 = arith.constant 0 : i32
      %dma_wait3A_39 = tpu.memref_slice %arg11[%dma_wait3A, %dma_wait3A_37, %dma_wait3A_38] : memref<2x80x128xf32, #tpu.memory_space<vmem>> -> memref<1x80x128xf32, #tpu.memory_space<vmem>>
      %dma_wait3A_40 = tpu.memref_squeeze %dma_wait3A_39 : memref<1x80x128xf32, #tpu.memory_space<vmem>> -> memref<80x128xf32, #tpu.memory_space<vmem>>
      %dma_wait3A_41 = arith.constant 0 : i32
      %dma_wait3A_42 = arith.constant 0 : i32
      %dma_wait3A_43 = tpu.memref_slice %arg2[%dma_wait3A_41, %dma_wait3A_42] : memref<10000x128xf32, #tpu.memory_space<hbm>> -> memref<10000x128xf32, #tpu.memory_space<hbm>>
      tpu.wait_indirect_dma semaphore(%arg13 : memref<!tpu.dma_semaphore, #tpu.memory_space<semaphore_mem>>) src(%dma_wait3A_43 : memref<10000x128xf32, #tpu.memory_space<hbm>>) dst(%dma_wait3A_40 : memref<80x128xf32, #tpu.memory_space<vmem>>)
      %run_scoped3A = arith.constant 0 : i32
      "tpu.region"() ({
        %run_scoped3A_54 = tpu.sem_alloc : memref<!tpu.dma_semaphore, #tpu.memory_space<semaphore_mem>>
        %dma_start3A_55 = arith.constant 0 : i32
        %dma_start3A_56 = arith.constant 0 : i32
        %dma_start3A_57 = tpu.memref_slice %arg11[%run_scoped3A, %dma_start3A_55, %dma_start3A_56] : memref<2x80x128xf32, #tpu.memory_space<vmem>> -> memref<1x80x128xf32, #tpu.memory_space<vmem>>
        %dma_start3A_58 = tpu.memref_squeeze %dma_start3A_57 : memref<1x80x128xf32, #tpu.memory_space<vmem>> -> memref<80x128xf32, #tpu.memory_space<vmem>>
        %dma_start3A_59 = arith.constant 0 : i32
        %dma_start3A_60 = arith.constant 0 : i32
        %dma_start3A_61 = tpu.memref_slice %arg12[%dma_start3A_59, %dma_start3A_60] : memref<10240x128xf32, #tpu.memory_space<vmem_shared>> -> memref<10240x128xf32, #tpu.memory_space<vmem_shared>>
        tpu.enqueue_indirect_dma source(%dma_start3A_58 : memref<80x128xf32, #tpu.memory_space<vmem>>) target(%dma_start3A_61 : memref<10240x128xf32, #tpu.memory_space<vmem_shared>>) offsets(%arg9 : memref<80xi32, #tpu.memory_space<vmem>>) semaphore(%run_scoped3A_54 : memref<!tpu.dma_semaphore, #tpu.memory_space<semaphore_mem>>) {add = true}
        %dma_wait3A_62 = arith.constant 0 : i32
        %dma_wait3A_63 = arith.constant 0 : i32
        %dma_wait3A_64 = tpu.memref_slice %arg11[%run_scoped3A, %dma_wait3A_62, %dma_wait3A_63] : memref<2x80x128xf32, #tpu.memory_space<vmem>> -> memref<1x80x128xf32, #tpu.memory_space<vmem>>
        %dma_wait3A_65 = tpu.memref_squeeze %dma_wait3A_64 : memref<1x80x128xf32, #tpu.memory_space<vmem>> -> memref<80x128xf32, #tpu.memory_space<vmem>>
        %dma_wait3A_66 = arith.constant 0 : i32
        %dma_wait3A_67 = arith.constant 0 : i32
        %dma_wait3A_68 = tpu.memref_slice %arg12[%dma_wait3A_66, %dma_wait3A_67] : memref<10240x128xf32, #tpu.memory_space<vmem_shared>> -> memref<10240x128xf32, #tpu.memory_space<vmem_shared>>
        tpu.wait_indirect_dma semaphore(%run_scoped3A_54 : memref<!tpu.dma_semaphore, #tpu.memory_space<semaphore_mem>>) src(%dma_wait3A_65 : memref<80x128xf32, #tpu.memory_space<vmem>>) dst(%dma_wait3A_68 : memref<10240x128xf32, #tpu.memory_space<vmem_shared>>)
        tpu.yield
      }) : () -> ()
      %dma_wait3A_44 = arith.constant 1 : i32
      %dma_wait3A_45 = arith.constant 0 : i32
      %dma_wait3A_46 = arith.constant 0 : i32
      %dma_wait3A_47 = tpu.memref_slice %arg11[%dma_wait3A_44, %dma_wait3A_45, %dma_wait3A_46] : memref<2x80x128xf32, #tpu.memory_space<vmem>> -> memref<1x80x128xf32, #tpu.memory_space<vmem>>
      %dma_wait3A_48 = tpu.memref_squeeze %dma_wait3A_47 : memref<1x80x128xf32, #tpu.memory_space<vmem>> -> memref<80x128xf32, #tpu.memory_space<vmem>>
      %dma_wait3A_49 = arith.constant 0 : i32
      %dma_wait3A_50 = arith.constant 0 : i32
      %dma_wait3A_51 = tpu.memref_slice %arg2[%dma_wait3A_49, %dma_wait3A_50] : memref<10000x128xf32, #tpu.memory_space<hbm>> -> memref<10000x128xf32, #tpu.memory_space<hbm>>
      tpu.wait_indirect_dma semaphore(%arg14 : memref<!tpu.dma_semaphore, #tpu.memory_space<semaphore_mem>>) src(%dma_wait3A_51 : memref<10000x128xf32, #tpu.memory_space<hbm>>) dst(%dma_wait3A_48 : memref<80x128xf32, #tpu.memory_space<vmem>>)
      %run_scoped3A_52 = arith.constant 1 : i32
      "tpu.region"() ({
        %run_scoped3A_54 = tpu.sem_alloc : memref<!tpu.dma_semaphore, #tpu.memory_space<semaphore_mem>>
        %dma_start3A_55 = arith.constant 0 : i32
        %dma_start3A_56 = arith.constant 0 : i32
        %dma_start3A_57 = tpu.memref_slice %arg11[%run_scoped3A_52, %dma_start3A_55, %dma_start3A_56] : memref<2x80x128xf32, #tpu.memory_space<vmem>> -> memref<1x80x128xf32, #tpu.memory_space<vmem>>
        %dma_start3A_58 = tpu.memref_squeeze %dma_start3A_57 : memref<1x80x128xf32, #tpu.memory_space<vmem>> -> memref<80x128xf32, #tpu.memory_space<vmem>>
        %dma_start3A_59 = arith.constant 0 : i32
        %dma_start3A_60 = arith.constant 0 : i32
        %dma_start3A_61 = tpu.memref_slice %arg12[%dma_start3A_59, %dma_start3A_60] : memref<10240x128xf32, #tpu.memory_space<vmem_shared>> -> memref<10240x128xf32, #tpu.memory_space<vmem_shared>>
        tpu.enqueue_indirect_dma source(%dma_start3A_58 : memref<80x128xf32, #tpu.memory_space<vmem>>) target(%dma_start3A_61 : memref<10240x128xf32, #tpu.memory_space<vmem_shared>>) offsets(%arg10 : memref<80xi32, #tpu.memory_space<vmem>>) semaphore(%run_scoped3A_54 : memref<!tpu.dma_semaphore, #tpu.memory_space<semaphore_mem>>) {add = true}
        %dma_wait3A_62 = arith.constant 0 : i32
        %dma_wait3A_63 = arith.constant 0 : i32
        %dma_wait3A_64 = tpu.memref_slice %arg11[%run_scoped3A_52, %dma_wait3A_62, %dma_wait3A_63] : memref<2x80x128xf32, #tpu.memory_space<vmem>> -> memref<1x80x128xf32, #tpu.memory_space<vmem>>
        %dma_wait3A_65 = tpu.memref_squeeze %dma_wait3A_64 : memref<1x80x128xf32, #tpu.memory_space<vmem>> -> memref<80x128xf32, #tpu.memory_space<vmem>>
        %dma_wait3A_66 = arith.constant 0 : i32
        %dma_wait3A_67 = arith.constant 0 : i32
        %dma_wait3A_68 = tpu.memref_slice %arg12[%dma_wait3A_66, %dma_wait3A_67] : memref<10240x128xf32, #tpu.memory_space<vmem_shared>> -> memref<10240x128xf32, #tpu.memory_space<vmem_shared>>
        tpu.wait_indirect_dma semaphore(%run_scoped3A_54 : memref<!tpu.dma_semaphore, #tpu.memory_space<semaphore_mem>>) src(%dma_wait3A_65 : memref<80x128xf32, #tpu.memory_space<vmem>>) dst(%dma_wait3A_68 : memref<10240x128xf32, #tpu.memory_space<vmem_shared>>)
        tpu.yield
      }) : () -> ()
      %scan3A_53 = arith.constant 0 : i32
      scf.yield %scan3A_53 : i32
    }
    %scan3A_8 = arith.constant 64 : i32
    %barrier3A_9 = arith.constant 0 : index
    tpu.barrier barrier_id(%barrier3A_9)
    %mul3A_10 = arith.constant 640 : i32
    %mul3A_11 = arith.muli %arg1, %mul3A_10 : i32
    %mul3A_12 = arith.constant 640 : i32
    %mul3A_13 = arith.muli %arg1, %mul3A_12 : i32
    "tpu.region"() ({
      %run_scoped3A = tpu.sem_alloc : memref<!tpu.dma_semaphore, #tpu.memory_space<semaphore_mem>>
      %dma_start3A = arith.constant 0 : i32
      %dma_start3A_14 = tpu.memref_slice %arg6[%arg0, %mul3A_13, %dma_start3A] : memref<2x10240x128xf32, #tpu.memory_space<hbm>> -> memref<1x640x128xf32, #tpu.memory_space<hbm>>
      %dma_start3A_15 = tpu.memref_squeeze %dma_start3A_14 : memref<1x640x128xf32, #tpu.memory_space<hbm>> -> memref<640x128xf32, #tpu.memory_space<hbm>>
      %dma_start3A_16 = arith.constant 0 : i32
      %dma_start3A_17 = tpu.memref_slice %arg12[%mul3A_11, %dma_start3A_16] : memref<10240x128xf32, #tpu.memory_space<vmem_shared>> -> memref<640x128xf32, #tpu.memory_space<vmem_shared>>
      tpu.enqueue_dma source(%dma_start3A_17 : memref<640x128xf32, #tpu.memory_space<vmem_shared>>) target(%dma_start3A_15 : memref<640x128xf32, #tpu.memory_space<hbm>>) target_semaphore(%run_scoped3A : memref<!tpu.dma_semaphore, #tpu.memory_space<semaphore_mem>>)
      %dma_wait3A = arith.constant 0 : i32
      %dma_wait3A_18 = tpu.memref_slice %arg6[%arg0, %mul3A_13, %dma_wait3A] : memref<2x10240x128xf32, #tpu.memory_space<hbm>> -> memref<1x640x128xf32, #tpu.memory_space<hbm>>
      %dma_wait3A_19 = tpu.memref_squeeze %dma_wait3A_18 : memref<1x640x128xf32, #tpu.memory_space<hbm>> -> memref<640x128xf32, #tpu.memory_space<hbm>>
      %dma_wait3A_20 = arith.constant 0 : i32
      %dma_wait3A_21 = tpu.memref_slice %arg12[%mul3A_11, %dma_wait3A_20] : memref<10240x128xf32, #tpu.memory_space<vmem_shared>> -> memref<640x128xf32, #tpu.memory_space<vmem_shared>>
      tpu.wait_dma2 semaphore(%run_scoped3A : memref<!tpu.dma_semaphore, #tpu.memory_space<semaphore_mem>>) src(%dma_wait3A_21 : memref<640x128xf32, #tpu.memory_space<vmem_shared>>) dst(%dma_wait3A_19 : memref<640x128xf32, #tpu.memory_space<hbm>>)
      tpu.yield
    }) : () -> ()
    return
  }
}

#map = affine_map<(d0, d1) -> (0, 0)>
#map1 = affine_map<(d0, d1) -> (0, 0, 0)>
module attributes {stable_mosaic.version = 14 : i64} {
  func.func @_agg_kernel(%arg0: i32, %arg1: i32, %arg2: memref<10000x128xf32, #tpu.memory_space<hbm>>, %arg3: memref<32x128x80xi32, #tpu.memory_space<hbm>>, %arg4: memref<32x128x80xi32, #tpu.memory_space<hbm>>, %arg5: memref<16x640x128xf32, #tpu.memory_space<hbm>>, %arg6: memref<2x10240x128xf32, #tpu.memory_space<hbm>>, %arg7: memref<80xi32, #tpu.memory_space<vmem>>, %arg8: memref<80xi32, #tpu.memory_space<vmem>>, %arg9: memref<80xi32, #tpu.memory_space<vmem>>, %arg10: memref<80xi32, #tpu.memory_space<vmem>>, %arg11: memref<2x80x128xf32, #tpu.memory_space<vmem>>, %arg12: memref<10240x128xf32, #tpu.memory_space<vmem_shared>>, %arg13: memref<!tpu.dma_semaphore, #tpu.memory_space<semaphore_mem>>, %arg14: memref<!tpu.dma_semaphore, #tpu.memory_space<semaphore_mem>>) attributes {dimension_semantics = [#tpu.dimension_semantics<core_parallel>, #tpu.dimension_semantics<subcore_parallel>], iteration_bounds = array<i64: 2, 16>, scalar_prefetch = 0 : i64, scratch_operands = 8 : i64, tpu.core_type = #tpu.core_type<sc_vector_subcore>, window_params = [{transform_indices = #map}, {transform_indices = #map1}, {transform_indices = #map1}, {transform_indices = #map1}, {transform_indices = #map1}]} {
    %mul3A = arith.constant 16 : i32
    %mul3A_0 = arith.muli %arg0, %mul3A : i32
    %add3A = arith.addi %mul3A_0, %arg1 : i32
    %mul3A_1 = arith.constant 640 : i32
    %mul3A_2 = arith.muli %arg1, %mul3A_1 : i32
    "tpu.region"() ({
      %run_scoped3A = tpu.sem_alloc : memref<!tpu.dma_semaphore, #tpu.memory_space<semaphore_mem>>
      %dma_start3A = arith.constant 0 : i32
      %dma_start3A_14 = tpu.memref_slice %arg12[%mul3A_2, %dma_start3A] : memref<10240x128xf32, #tpu.memory_space<vmem_shared>> -> memref<640x128xf32, #tpu.memory_space<vmem_shared>>
      %dma_start3A_15 = arith.constant 0 : i32
      %dma_start3A_16 = arith.constant 0 : i32
      %dma_start3A_17 = tpu.memref_slice %arg5[%arg1, %dma_start3A_15, %dma_start3A_16] : memref<16x640x128xf32, #tpu.memory_space<hbm>> -> memref<1x640x128xf32, #tpu.memory_space<hbm>>
      %dma_start3A_18 = tpu.memref_squeeze %dma_start3A_17 : memref<1x640x128xf32, #tpu.memory_space<hbm>> -> memref<640x128xf32, #tpu.memory_space<hbm>>
      tpu.enqueue_dma source(%dma_start3A_18 : memref<640x128xf32, #tpu.memory_space<hbm>>) target(%dma_start3A_14 : memref<640x128xf32, #tpu.memory_space<vmem_shared>>) target_semaphore(%run_scoped3A : memref<!tpu.dma_semaphore, #tpu.memory_space<semaphore_mem>>)
      %dma_wait3A = arith.constant 0 : i32
      %dma_wait3A_19 = tpu.memref_slice %arg12[%mul3A_2, %dma_wait3A] : memref<10240x128xf32, #tpu.memory_space<vmem_shared>> -> memref<640x128xf32, #tpu.memory_space<vmem_shared>>
      %dma_wait3A_20 = arith.constant 0 : i32
      %dma_wait3A_21 = arith.constant 0 : i32
      %dma_wait3A_22 = tpu.memref_slice %arg5[%arg1, %dma_wait3A_20, %dma_wait3A_21] : memref<16x640x128xf32, #tpu.memory_space<hbm>> -> memref<1x640x128xf32, #tpu.memory_space<hbm>>
      %dma_wait3A_23 = tpu.memref_squeeze %dma_wait3A_22 : memref<1x640x128xf32, #tpu.memory_space<hbm>> -> memref<640x128xf32, #tpu.memory_space<hbm>>
      tpu.wait_dma2 semaphore(%run_scoped3A : memref<!tpu.dma_semaphore, #tpu.memory_space<semaphore_mem>>) src(%dma_wait3A_23 : memref<640x128xf32, #tpu.memory_space<hbm>>) dst(%dma_wait3A_19 : memref<640x128xf32, #tpu.memory_space<vmem_shared>>)
      tpu.yield
    }) : () -> ()
    %barrier3A = arith.constant 0 : index
    tpu.barrier barrier_id(%barrier3A)
    %scan3A = arith.constant 0 : i32
    %scan3A_3 = arith.constant 0 : i32
    %scan3A_4 = arith.constant 64 : i32
    %scan3A_5 = arith.addi %scan3A_3, %scan3A_4 : i32
    %scan3A_6 = arith.constant 1 : i32
    %scan3A_7 = scf.for %scan3A_14 = %scan3A_3 to %scan3A_5 step %scan3A_6 iter_args(%scan3A_15 = %scan3A) -> (i32)  : i32 {
      %mul3A_16 = arith.constant 2 : i32
      %mul3A_17 = arith.muli %mul3A_16, %scan3A_14 : i32
      "tpu.region"() ({
        %run_scoped3A_54 = tpu.sem_alloc : memref<!tpu.dma_semaphore, #tpu.memory_space<semaphore_mem>>
        %dma_start3A_55 = arith.constant 0 : i32
        %dma_start3A_56 = tpu.memref_slice %arg3[%add3A, %mul3A_17, %dma_start3A_55] : memref<32x128x80xi32, #tpu.memory_space<hbm>> -> memref<1x1x80xi32, #tpu.memory_space<hbm>>
        %dma_start3A_57 = tpu.memref_squeeze %dma_start3A_56 : memref<1x1x80xi32, #tpu.memory_space<hbm>> -> memref<80xi32, #tpu.memory_space<hbm>>
        %dma_start3A_58 = arith.constant 0 : i32
        %dma_start3A_59 = tpu.memref_slice %arg3[%add3A, %mul3A_17, %dma_start3A_58] : memref<32x128x80xi32, #tpu.memory_space<hbm>> -> memref<1x1x80xi32, #tpu.memory_space<hbm>>
        %dma_start3A_60 = tpu.memref_squeeze %dma_start3A_59 : memref<1x1x80xi32, #tpu.memory_space<hbm>> -> memref<80xi32, #tpu.memory_space<hbm>>
        tpu.enqueue_dma source(%dma_start3A_60 : memref<80xi32, #tpu.memory_space<hbm>>) target(%arg7 : memref<80xi32, #tpu.memory_space<vmem>>) target_semaphore(%run_scoped3A_54 : memref<!tpu.dma_semaphore, #tpu.memory_space<semaphore_mem>>)
        %dma_wait3A_61 = arith.constant 0 : i32
        %dma_wait3A_62 = tpu.memref_slice %arg3[%add3A, %mul3A_17, %dma_wait3A_61] : memref<32x128x80xi32, #tpu.memory_space<hbm>> -> memref<1x1x80xi32, #tpu.memory_space<hbm>>
        %dma_wait3A_63 = tpu.memref_squeeze %dma_wait3A_62 : memref<1x1x80xi32, #tpu.memory_space<hbm>> -> memref<80xi32, #tpu.memory_space<hbm>>
        %dma_wait3A_64 = arith.constant 0 : i32
        %dma_wait3A_65 = tpu.memref_slice %arg3[%add3A, %mul3A_17, %dma_wait3A_64] : memref<32x128x80xi32, #tpu.memory_space<hbm>> -> memref<1x1x80xi32, #tpu.memory_space<hbm>>
        %dma_wait3A_66 = tpu.memref_squeeze %dma_wait3A_65 : memref<1x1x80xi32, #tpu.memory_space<hbm>> -> memref<80xi32, #tpu.memory_space<hbm>>
        tpu.wait_dma2 semaphore(%run_scoped3A_54 : memref<!tpu.dma_semaphore, #tpu.memory_space<semaphore_mem>>) src(%dma_wait3A_66 : memref<80xi32, #tpu.memory_space<hbm>>) dst(%arg7 : memref<80xi32, #tpu.memory_space<vmem>>)
        tpu.yield
      }) : () -> ()
      "tpu.region"() ({
        %run_scoped3A_54 = tpu.sem_alloc : memref<!tpu.dma_semaphore, #tpu.memory_space<semaphore_mem>>
        %dma_start3A_55 = arith.constant 0 : i32
        %dma_start3A_56 = tpu.memref_slice %arg4[%add3A, %mul3A_17, %dma_start3A_55] : memref<32x128x80xi32, #tpu.memory_space<hbm>> -> memref<1x1x80xi32, #tpu.memory_space<hbm>>
        %dma_start3A_57 = tpu.memref_squeeze %dma_start3A_56 : memref<1x1x80xi32, #tpu.memory_space<hbm>> -> memref<80xi32, #tpu.memory_space<hbm>>
        %dma_start3A_58 = arith.constant 0 : i32
        %dma_start3A_59 = tpu.memref_slice %arg4[%add3A, %mul3A_17, %dma_start3A_58] : memref<32x128x80xi32, #tpu.memory_space<hbm>> -> memref<1x1x80xi32, #tpu.memory_space<hbm>>
        %dma_start3A_60 = tpu.memref_squeeze %dma_start3A_59 : memref<1x1x80xi32, #tpu.memory_space<hbm>> -> memref<80xi32, #tpu.memory_space<hbm>>
        tpu.enqueue_dma source(%dma_start3A_60 : memref<80xi32, #tpu.memory_space<hbm>>) target(%arg9 : memref<80xi32, #tpu.memory_space<vmem>>) target_semaphore(%run_scoped3A_54 : memref<!tpu.dma_semaphore, #tpu.memory_space<semaphore_mem>>)
        %dma_wait3A_61 = arith.constant 0 : i32
        %dma_wait3A_62 = tpu.memref_slice %arg4[%add3A, %mul3A_17, %dma_wait3A_61] : memref<32x128x80xi32, #tpu.memory_space<hbm>> -> memref<1x1x80xi32, #tpu.memory_space<hbm>>
        %dma_wait3A_63 = tpu.memref_squeeze %dma_wait3A_62 : memref<1x1x80xi32, #tpu.memory_space<hbm>> -> memref<80xi32, #tpu.memory_space<hbm>>
        %dma_wait3A_64 = arith.constant 0 : i32
        %dma_wait3A_65 = tpu.memref_slice %arg4[%add3A, %mul3A_17, %dma_wait3A_64] : memref<32x128x80xi32, #tpu.memory_space<hbm>> -> memref<1x1x80xi32, #tpu.memory_space<hbm>>
        %dma_wait3A_66 = tpu.memref_squeeze %dma_wait3A_65 : memref<1x1x80xi32, #tpu.memory_space<hbm>> -> memref<80xi32, #tpu.memory_space<hbm>>
        tpu.wait_dma2 semaphore(%run_scoped3A_54 : memref<!tpu.dma_semaphore, #tpu.memory_space<semaphore_mem>>) src(%dma_wait3A_66 : memref<80xi32, #tpu.memory_space<hbm>>) dst(%arg9 : memref<80xi32, #tpu.memory_space<vmem>>)
        tpu.yield
      }) : () -> ()
      %dma_start3A = arith.constant 0 : i32
      %dma_start3A_18 = arith.constant 0 : i32
      %dma_start3A_19 = arith.constant 0 : i32
      %dma_start3A_20 = tpu.memref_slice %arg11[%dma_start3A, %dma_start3A_18, %dma_start3A_19] : memref<2x80x128xf32, #tpu.memory_space<vmem>> -> memref<1x80x128xf32, #tpu.memory_space<vmem>>
      %dma_start3A_21 = tpu.memref_squeeze %dma_start3A_20 : memref<1x80x128xf32, #tpu.memory_space<vmem>> -> memref<80x128xf32, #tpu.memory_space<vmem>>
      %dma_start3A_22 = arith.constant 0 : i32
      %dma_start3A_23 = arith.constant 0 : i32
      %dma_start3A_24 = tpu.memref_slice %arg2[%dma_start3A_22, %dma_start3A_23] : memref<10000x128xf32, #tpu.memory_space<hbm>> -> memref<10000x128xf32, #tpu.memory_space<hbm>>
      tpu.enqueue_indirect_dma source(%dma_start3A_24 : memref<10000x128xf32, #tpu.memory_space<hbm>>) target(%dma_start3A_21 : memref<80x128xf32, #tpu.memory_space<vmem>>) offsets(%arg7 : memref<80xi32, #tpu.memory_space<vmem>>) semaphore(%arg13 : memref<!tpu.dma_semaphore, #tpu.memory_space<semaphore_mem>>)
      %add3A_25 = arith.constant 1 : i32
      %add3A_26 = arith.addi %mul3A_17, %add3A_25 : i32
      "tpu.region"() ({
        %run_scoped3A_54 = tpu.sem_alloc : memref<!tpu.dma_semaphore, #tpu.memory_space<semaphore_mem>>
        %dma_start3A_55 = arith.constant 0 : i32
        %dma_start3A_56 = tpu.memref_slice %arg3[%add3A, %add3A_26, %dma_start3A_55] : memref<32x128x80xi32, #tpu.memory_space<hbm>> -> memref<1x1x80xi32, #tpu.memory_space<hbm>>
        %dma_start3A_57 = tpu.memref_squeeze %dma_start3A_56 : memref<1x1x80xi32, #tpu.memory_space<hbm>> -> memref<80xi32, #tpu.memory_space<hbm>>
        %dma_start3A_58 = arith.constant 0 : i32
        %dma_start3A_59 = tpu.memref_slice %arg3[%add3A, %add3A_26, %dma_start3A_58] : memref<32x128x80xi32, #tpu.memory_space<hbm>> -> memref<1x1x80xi32, #tpu.memory_space<hbm>>
        %dma_start3A_60 = tpu.memref_squeeze %dma_start3A_59 : memref<1x1x80xi32, #tpu.memory_space<hbm>> -> memref<80xi32, #tpu.memory_space<hbm>>
        tpu.enqueue_dma source(%dma_start3A_60 : memref<80xi32, #tpu.memory_space<hbm>>) target(%arg8 : memref<80xi32, #tpu.memory_space<vmem>>) target_semaphore(%run_scoped3A_54 : memref<!tpu.dma_semaphore, #tpu.memory_space<semaphore_mem>>)
        %dma_wait3A_61 = arith.constant 0 : i32
        %dma_wait3A_62 = tpu.memref_slice %arg3[%add3A, %add3A_26, %dma_wait3A_61] : memref<32x128x80xi32, #tpu.memory_space<hbm>> -> memref<1x1x80xi32, #tpu.memory_space<hbm>>
        %dma_wait3A_63 = tpu.memref_squeeze %dma_wait3A_62 : memref<1x1x80xi32, #tpu.memory_space<hbm>> -> memref<80xi32, #tpu.memory_space<hbm>>
        %dma_wait3A_64 = arith.constant 0 : i32
        %dma_wait3A_65 = tpu.memref_slice %arg3[%add3A, %add3A_26, %dma_wait3A_64] : memref<32x128x80xi32, #tpu.memory_space<hbm>> -> memref<1x1x80xi32, #tpu.memory_space<hbm>>
        %dma_wait3A_66 = tpu.memref_squeeze %dma_wait3A_65 : memref<1x1x80xi32, #tpu.memory_space<hbm>> -> memref<80xi32, #tpu.memory_space<hbm>>
        tpu.wait_dma2 semaphore(%run_scoped3A_54 : memref<!tpu.dma_semaphore, #tpu.memory_space<semaphore_mem>>) src(%dma_wait3A_66 : memref<80xi32, #tpu.memory_space<hbm>>) dst(%arg8 : memref<80xi32, #tpu.memory_space<vmem>>)
        tpu.yield
      }) : () -> ()
      %add3A_27 = arith.constant 1 : i32
      %add3A_28 = arith.addi %mul3A_17, %add3A_27 : i32
      "tpu.region"() ({
        %run_scoped3A_54 = tpu.sem_alloc : memref<!tpu.dma_semaphore, #tpu.memory_space<semaphore_mem>>
        %dma_start3A_55 = arith.constant 0 : i32
        %dma_start3A_56 = tpu.memref_slice %arg4[%add3A, %add3A_28, %dma_start3A_55] : memref<32x128x80xi32, #tpu.memory_space<hbm>> -> memref<1x1x80xi32, #tpu.memory_space<hbm>>
        %dma_start3A_57 = tpu.memref_squeeze %dma_start3A_56 : memref<1x1x80xi32, #tpu.memory_space<hbm>> -> memref<80xi32, #tpu.memory_space<hbm>>
        %dma_start3A_58 = arith.constant 0 : i32
        %dma_start3A_59 = tpu.memref_slice %arg4[%add3A, %add3A_28, %dma_start3A_58] : memref<32x128x80xi32, #tpu.memory_space<hbm>> -> memref<1x1x80xi32, #tpu.memory_space<hbm>>
        %dma_start3A_60 = tpu.memref_squeeze %dma_start3A_59 : memref<1x1x80xi32, #tpu.memory_space<hbm>> -> memref<80xi32, #tpu.memory_space<hbm>>
        tpu.enqueue_dma source(%dma_start3A_60 : memref<80xi32, #tpu.memory_space<hbm>>) target(%arg10 : memref<80xi32, #tpu.memory_space<vmem>>) target_semaphore(%run_scoped3A_54 : memref<!tpu.dma_semaphore, #tpu.memory_space<semaphore_mem>>)
        %dma_wait3A_61 = arith.constant 0 : i32
        %dma_wait3A_62 = tpu.memref_slice %arg4[%add3A, %add3A_28, %dma_wait3A_61] : memref<32x128x80xi32, #tpu.memory_space<hbm>> -> memref<1x1x80xi32, #tpu.memory_space<hbm>>
        %dma_wait3A_63 = tpu.memref_squeeze %dma_wait3A_62 : memref<1x1x80xi32, #tpu.memory_space<hbm>> -> memref<80xi32, #tpu.memory_space<hbm>>
        %dma_wait3A_64 = arith.constant 0 : i32
        %dma_wait3A_65 = tpu.memref_slice %arg4[%add3A, %add3A_28, %dma_wait3A_64] : memref<32x128x80xi32, #tpu.memory_space<hbm>> -> memref<1x1x80xi32, #tpu.memory_space<hbm>>
        %dma_wait3A_66 = tpu.memref_squeeze %dma_wait3A_65 : memref<1x1x80xi32, #tpu.memory_space<hbm>> -> memref<80xi32, #tpu.memory_space<hbm>>
        tpu.wait_dma2 semaphore(%run_scoped3A_54 : memref<!tpu.dma_semaphore, #tpu.memory_space<semaphore_mem>>) src(%dma_wait3A_66 : memref<80xi32, #tpu.memory_space<hbm>>) dst(%arg10 : memref<80xi32, #tpu.memory_space<vmem>>)
        tpu.yield
      }) : () -> ()
      %dma_start3A_29 = arith.constant 1 : i32
      %dma_start3A_30 = arith.constant 0 : i32
      %dma_start3A_31 = arith.constant 0 : i32
      %dma_start3A_32 = tpu.memref_slice %arg11[%dma_start3A_29, %dma_start3A_30, %dma_start3A_31] : memref<2x80x128xf32, #tpu.memory_space<vmem>> -> memref<1x80x128xf32, #tpu.memory_space<vmem>>
      %dma_start3A_33 = tpu.memref_squeeze %dma_start3A_32 : memref<1x80x128xf32, #tpu.memory_space<vmem>> -> memref<80x128xf32, #tpu.memory_space<vmem>>
      %dma_start3A_34 = arith.constant 0 : i32
      %dma_start3A_35 = arith.constant 0 : i32
      %dma_start3A_36 = tpu.memref_slice %arg2[%dma_start3A_34, %dma_start3A_35] : memref<10000x128xf32, #tpu.memory_space<hbm>> -> memref<10000x128xf32, #tpu.memory_space<hbm>>
      tpu.enqueue_indirect_dma source(%dma_start3A_36 : memref<10000x128xf32, #tpu.memory_space<hbm>>) target(%dma_start3A_33 : memref<80x128xf32, #tpu.memory_space<vmem>>) offsets(%arg8 : memref<80xi32, #tpu.memory_space<vmem>>) semaphore(%arg14 : memref<!tpu.dma_semaphore, #tpu.memory_space<semaphore_mem>>)
      %dma_wait3A = arith.constant 0 : i32
      %dma_wait3A_37 = arith.constant 0 : i32
      %dma_wait3A_38 = arith.constant 0 : i32
      %dma_wait3A_39 = tpu.memref_slice %arg11[%dma_wait3A, %dma_wait3A_37, %dma_wait3A_38] : memref<2x80x128xf32, #tpu.memory_space<vmem>> -> memref<1x80x128xf32, #tpu.memory_space<vmem>>
      %dma_wait3A_40 = tpu.memref_squeeze %dma_wait3A_39 : memref<1x80x128xf32, #tpu.memory_space<vmem>> -> memref<80x128xf32, #tpu.memory_space<vmem>>
      %dma_wait3A_41 = arith.constant 0 : i32
      %dma_wait3A_42 = arith.constant 0 : i32
      %dma_wait3A_43 = tpu.memref_slice %arg2[%dma_wait3A_41, %dma_wait3A_42] : memref<10000x128xf32, #tpu.memory_space<hbm>> -> memref<10000x128xf32, #tpu.memory_space<hbm>>
      tpu.wait_indirect_dma semaphore(%arg13 : memref<!tpu.dma_semaphore, #tpu.memory_space<semaphore_mem>>) src(%dma_wait3A_43 : memref<10000x128xf32, #tpu.memory_space<hbm>>) dst(%dma_wait3A_40 : memref<80x128xf32, #tpu.memory_space<vmem>>)
      %run_scoped3A = arith.constant 0 : i32
      "tpu.region"() ({
        %run_scoped3A_54 = tpu.sem_alloc : memref<!tpu.dma_semaphore, #tpu.memory_space<semaphore_mem>>
        %dma_start3A_55 = arith.constant 0 : i32
        %dma_start3A_56 = arith.constant 0 : i32
        %dma_start3A_57 = tpu.memref_slice %arg11[%run_scoped3A, %dma_start3A_55, %dma_start3A_56] : memref<2x80x128xf32, #tpu.memory_space<vmem>> -> memref<1x80x128xf32, #tpu.memory_space<vmem>>
        %dma_start3A_58 = tpu.memref_squeeze %dma_start3A_57 : memref<1x80x128xf32, #tpu.memory_space<vmem>> -> memref<80x128xf32, #tpu.memory_space<vmem>>
        %dma_start3A_59 = arith.constant 0 : i32
        %dma_start3A_60 = arith.constant 0 : i32
        %dma_start3A_61 = tpu.memref_slice %arg12[%dma_start3A_59, %dma_start3A_60] : memref<10240x128xf32, #tpu.memory_space<vmem_shared>> -> memref<10240x128xf32, #tpu.memory_space<vmem_shared>>
        tpu.enqueue_indirect_dma source(%dma_start3A_58 : memref<80x128xf32, #tpu.memory_space<vmem>>) target(%dma_start3A_61 : memref<10240x128xf32, #tpu.memory_space<vmem_shared>>) offsets(%arg9 : memref<80xi32, #tpu.memory_space<vmem>>) semaphore(%run_scoped3A_54 : memref<!tpu.dma_semaphore, #tpu.memory_space<semaphore_mem>>) {add = true}
        %dma_wait3A_62 = arith.constant 0 : i32
        %dma_wait3A_63 = arith.constant 0 : i32
        %dma_wait3A_64 = tpu.memref_slice %arg11[%run_scoped3A, %dma_wait3A_62, %dma_wait3A_63] : memref<2x80x128xf32, #tpu.memory_space<vmem>> -> memref<1x80x128xf32, #tpu.memory_space<vmem>>
        %dma_wait3A_65 = tpu.memref_squeeze %dma_wait3A_64 : memref<1x80x128xf32, #tpu.memory_space<vmem>> -> memref<80x128xf32, #tpu.memory_space<vmem>>
        %dma_wait3A_66 = arith.constant 0 : i32
        %dma_wait3A_67 = arith.constant 0 : i32
        %dma_wait3A_68 = tpu.memref_slice %arg12[%dma_wait3A_66, %dma_wait3A_67] : memref<10240x128xf32, #tpu.memory_space<vmem_shared>> -> memref<10240x128xf32, #tpu.memory_space<vmem_shared>>
        tpu.wait_indirect_dma semaphore(%run_scoped3A_54 : memref<!tpu.dma_semaphore, #tpu.memory_space<semaphore_mem>>) src(%dma_wait3A_65 : memref<80x128xf32, #tpu.memory_space<vmem>>) dst(%dma_wait3A_68 : memref<10240x128xf32, #tpu.memory_space<vmem_shared>>)
        tpu.yield
      }) : () -> ()
      %dma_wait3A_44 = arith.constant 1 : i32
      %dma_wait3A_45 = arith.constant 0 : i32
      %dma_wait3A_46 = arith.constant 0 : i32
      %dma_wait3A_47 = tpu.memref_slice %arg11[%dma_wait3A_44, %dma_wait3A_45, %dma_wait3A_46] : memref<2x80x128xf32, #tpu.memory_space<vmem>> -> memref<1x80x128xf32, #tpu.memory_space<vmem>>
      %dma_wait3A_48 = tpu.memref_squeeze %dma_wait3A_47 : memref<1x80x128xf32, #tpu.memory_space<vmem>> -> memref<80x128xf32, #tpu.memory_space<vmem>>
      %dma_wait3A_49 = arith.constant 0 : i32
      %dma_wait3A_50 = arith.constant 0 : i32
      %dma_wait3A_51 = tpu.memref_slice %arg2[%dma_wait3A_49, %dma_wait3A_50] : memref<10000x128xf32, #tpu.memory_space<hbm>> -> memref<10000x128xf32, #tpu.memory_space<hbm>>
      tpu.wait_indirect_dma semaphore(%arg14 : memref<!tpu.dma_semaphore, #tpu.memory_space<semaphore_mem>>) src(%dma_wait3A_51 : memref<10000x128xf32, #tpu.memory_space<hbm>>) dst(%dma_wait3A_48 : memref<80x128xf32, #tpu.memory_space<vmem>>)
      %run_scoped3A_52 = arith.constant 1 : i32
      "tpu.region"() ({
        %run_scoped3A_54 = tpu.sem_alloc : memref<!tpu.dma_semaphore, #tpu.memory_space<semaphore_mem>>
        %dma_start3A_55 = arith.constant 0 : i32
        %dma_start3A_56 = arith.constant 0 : i32
        %dma_start3A_57 = tpu.memref_slice %arg11[%run_scoped3A_52, %dma_start3A_55, %dma_start3A_56] : memref<2x80x128xf32, #tpu.memory_space<vmem>> -> memref<1x80x128xf32, #tpu.memory_space<vmem>>
        %dma_start3A_58 = tpu.memref_squeeze %dma_start3A_57 : memref<1x80x128xf32, #tpu.memory_space<vmem>> -> memref<80x128xf32, #tpu.memory_space<vmem>>
        %dma_start3A_59 = arith.constant 0 : i32
        %dma_start3A_60 = arith.constant 0 : i32
        %dma_start3A_61 = tpu.memref_slice %arg12[%dma_start3A_59, %dma_start3A_60] : memref<10240x128xf32, #tpu.memory_space<vmem_shared>> -> memref<10240x128xf32, #tpu.memory_space<vmem_shared>>
        tpu.enqueue_indirect_dma source(%dma_start3A_58 : memref<80x128xf32, #tpu.memory_space<vmem>>) target(%dma_start3A_61 : memref<10240x128xf32, #tpu.memory_space<vmem_shared>>) offsets(%arg10 : memref<80xi32, #tpu.memory_space<vmem>>) semaphore(%run_scoped3A_54 : memref<!tpu.dma_semaphore, #tpu.memory_space<semaphore_mem>>) {add = true}
        %dma_wait3A_62 = arith.constant 0 : i32
        %dma_wait3A_63 = arith.constant 0 : i32
        %dma_wait3A_64 = tpu.memref_slice %arg11[%run_scoped3A_52, %dma_wait3A_62, %dma_wait3A_63] : memref<2x80x128xf32, #tpu.memory_space<vmem>> -> memref<1x80x128xf32, #tpu.memory_space<vmem>>
        %dma_wait3A_65 = tpu.memref_squeeze %dma_wait3A_64 : memref<1x80x128xf32, #tpu.memory_space<vmem>> -> memref<80x128xf32, #tpu.memory_space<vmem>>
        %dma_wait3A_66 = arith.constant 0 : i32
        %dma_wait3A_67 = arith.constant 0 : i32
        %dma_wait3A_68 = tpu.memref_slice %arg12[%dma_wait3A_66, %dma_wait3A_67] : memref<10240x128xf32, #tpu.memory_space<vmem_shared>> -> memref<10240x128xf32, #tpu.memory_space<vmem_shared>>
        tpu.wait_indirect_dma semaphore(%run_scoped3A_54 : memref<!tpu.dma_semaphore, #tpu.memory_space<semaphore_mem>>) src(%dma_wait3A_65 : memref<80x128xf32, #tpu.memory_space<vmem>>) dst(%dma_wait3A_68 : memref<10240x128xf32, #tpu.memory_space<vmem_shared>>)
        tpu.yield
      }) : () -> ()
      %scan3A_53 = arith.constant 0 : i32
      scf.yield %scan3A_53 : i32
    }
    %scan3A_8 = arith.constant 64 : i32
    %barrier3A_9 = arith.constant 0 : index
    tpu.barrier barrier_id(%barrier3A_9)
    %mul3A_10 = arith.constant 640 : i32
    %mul3A_11 = arith.muli %arg1, %mul3A_10 : i32
    %mul3A_12 = arith.constant 640 : i32
    %mul3A_13 = arith.muli %arg1, %mul3A_12 : i32
    "tpu.region"() ({
      %run_scoped3A = tpu.sem_alloc : memref<!tpu.dma_semaphore, #tpu.memory_space<semaphore_mem>>
      %dma_start3A = arith.constant 0 : i32
      %dma_start3A_14 = tpu.memref_slice %arg6[%arg0, %mul3A_13, %dma_start3A] : memref<2x10240x128xf32, #tpu.memory_space<hbm>> -> memref<1x640x128xf32, #tpu.memory_space<hbm>>
      %dma_start3A_15 = tpu.memref_squeeze %dma_start3A_14 : memref<1x640x128xf32, #tpu.memory_space<hbm>> -> memref<640x128xf32, #tpu.memory_space<hbm>>
      %dma_start3A_16 = arith.constant 0 : i32
      %dma_start3A_17 = tpu.memref_slice %arg12[%mul3A_11, %dma_start3A_16] : memref<10240x128xf32, #tpu.memory_space<vmem_shared>> -> memref<640x128xf32, #tpu.memory_space<vmem_shared>>
      tpu.enqueue_dma source(%dma_start3A_17 : memref<640x128xf32, #tpu.memory_space<vmem_shared>>) target(%dma_start3A_15 : memref<640x128xf32, #tpu.memory_space<hbm>>) target_semaphore(%run_scoped3A : memref<!tpu.dma_semaphore, #tpu.memory_space<semaphore_mem>>)
      %dma_wait3A = arith.constant 0 : i32
      %dma_wait3A_18 = tpu.memref_slice %arg6[%arg0, %mul3A_13, %dma_wait3A] : memref<2x10240x128xf32, #tpu.memory_space<hbm>> -> memref<1x640x128xf32, #tpu.memory_space<hbm>>
      %dma_wait3A_19 = tpu.memref_squeeze %dma_wait3A_18 : memref<1x640x128xf32, #tpu.memory_space<hbm>> -> memref<640x128xf32, #tpu.memory_space<hbm>>
      %dma_wait3A_20 = arith.constant 0 : i32
      %dma_wait3A_21 = tpu.memref_slice %arg12[%mul3A_11, %dma_wait3A_20] : memref<10240x128xf32, #tpu.memory_space<vmem_shared>> -> memref<640x128xf32, #tpu.memory_space<vmem_shared>>
      tpu.wait_dma2 semaphore(%run_scoped3A : memref<!tpu.dma_semaphore, #tpu.memory_space<semaphore_mem>>) src(%dma_wait3A_21 : memref<640x128xf32, #tpu.memory_space<vmem_shared>>) dst(%dma_wait3A_19 : memref<640x128xf32, #tpu.memory_space<hbm>>)
      tpu.yield
    }) : () -> ()
    return
  }
}

#map = affine_map<(d0, d1) -> (0, 0)>
#map1 = affine_map<(d0, d1) -> (0, 0, 0)>
module attributes {stable_mosaic.version = 14 : i64} {
  func.func @_agg_kernel(%arg0: i32, %arg1: i32, %arg2: memref<10000x128xf32, #tpu.memory_space<hbm>>, %arg3: memref<32x128x80xi32, #tpu.memory_space<hbm>>, %arg4: memref<32x128x80xi32, #tpu.memory_space<hbm>>, %arg5: memref<16x640x128xf32, #tpu.memory_space<hbm>>, %arg6: memref<2x10240x128xf32, #tpu.memory_space<hbm>>, %arg7: memref<80xi32, #tpu.memory_space<vmem>>, %arg8: memref<80xi32, #tpu.memory_space<vmem>>, %arg9: memref<80xi32, #tpu.memory_space<vmem>>, %arg10: memref<80xi32, #tpu.memory_space<vmem>>, %arg11: memref<2x80x128xf32, #tpu.memory_space<vmem>>, %arg12: memref<10240x128xf32, #tpu.memory_space<vmem_shared>>, %arg13: memref<!tpu.dma_semaphore, #tpu.memory_space<semaphore_mem>>, %arg14: memref<!tpu.dma_semaphore, #tpu.memory_space<semaphore_mem>>) attributes {dimension_semantics = [#tpu.dimension_semantics<core_parallel>, #tpu.dimension_semantics<subcore_parallel>], iteration_bounds = array<i64: 2, 16>, scalar_prefetch = 0 : i64, scratch_operands = 8 : i64, tpu.core_type = #tpu.core_type<sc_vector_subcore>, window_params = [{transform_indices = #map}, {transform_indices = #map1}, {transform_indices = #map1}, {transform_indices = #map1}, {transform_indices = #map1}]} {
    %mul3A = arith.constant 16 : i32
    %mul3A_0 = arith.muli %arg0, %mul3A : i32
    %add3A = arith.addi %mul3A_0, %arg1 : i32
    %mul3A_1 = arith.constant 640 : i32
    %mul3A_2 = arith.muli %arg1, %mul3A_1 : i32
    "tpu.region"() ({
      %run_scoped3A = tpu.sem_alloc : memref<!tpu.dma_semaphore, #tpu.memory_space<semaphore_mem>>
      %dma_start3A = arith.constant 0 : i32
      %dma_start3A_14 = tpu.memref_slice %arg12[%mul3A_2, %dma_start3A] : memref<10240x128xf32, #tpu.memory_space<vmem_shared>> -> memref<640x128xf32, #tpu.memory_space<vmem_shared>>
      %dma_start3A_15 = arith.constant 0 : i32
      %dma_start3A_16 = arith.constant 0 : i32
      %dma_start3A_17 = tpu.memref_slice %arg5[%arg1, %dma_start3A_15, %dma_start3A_16] : memref<16x640x128xf32, #tpu.memory_space<hbm>> -> memref<1x640x128xf32, #tpu.memory_space<hbm>>
      %dma_start3A_18 = tpu.memref_squeeze %dma_start3A_17 : memref<1x640x128xf32, #tpu.memory_space<hbm>> -> memref<640x128xf32, #tpu.memory_space<hbm>>
      tpu.enqueue_dma source(%dma_start3A_18 : memref<640x128xf32, #tpu.memory_space<hbm>>) target(%dma_start3A_14 : memref<640x128xf32, #tpu.memory_space<vmem_shared>>) target_semaphore(%run_scoped3A : memref<!tpu.dma_semaphore, #tpu.memory_space<semaphore_mem>>)
      %dma_wait3A = arith.constant 0 : i32
      %dma_wait3A_19 = tpu.memref_slice %arg12[%mul3A_2, %dma_wait3A] : memref<10240x128xf32, #tpu.memory_space<vmem_shared>> -> memref<640x128xf32, #tpu.memory_space<vmem_shared>>
      %dma_wait3A_20 = arith.constant 0 : i32
      %dma_wait3A_21 = arith.constant 0 : i32
      %dma_wait3A_22 = tpu.memref_slice %arg5[%arg1, %dma_wait3A_20, %dma_wait3A_21] : memref<16x640x128xf32, #tpu.memory_space<hbm>> -> memref<1x640x128xf32, #tpu.memory_space<hbm>>
      %dma_wait3A_23 = tpu.memref_squeeze %dma_wait3A_22 : memref<1x640x128xf32, #tpu.memory_space<hbm>> -> memref<640x128xf32, #tpu.memory_space<hbm>>
      tpu.wait_dma2 semaphore(%run_scoped3A : memref<!tpu.dma_semaphore, #tpu.memory_space<semaphore_mem>>) src(%dma_wait3A_23 : memref<640x128xf32, #tpu.memory_space<hbm>>) dst(%dma_wait3A_19 : memref<640x128xf32, #tpu.memory_space<vmem_shared>>)
      tpu.yield
    }) : () -> ()
    %barrier3A = arith.constant 0 : index
    tpu.barrier barrier_id(%barrier3A)
    %scan3A = arith.constant 0 : i32
    %scan3A_3 = arith.constant 0 : i32
    %scan3A_4 = arith.constant 64 : i32
    %scan3A_5 = arith.addi %scan3A_3, %scan3A_4 : i32
    %scan3A_6 = arith.constant 1 : i32
    %scan3A_7 = scf.for %scan3A_14 = %scan3A_3 to %scan3A_5 step %scan3A_6 iter_args(%scan3A_15 = %scan3A) -> (i32)  : i32 {
      %mul3A_16 = arith.constant 2 : i32
      %mul3A_17 = arith.muli %mul3A_16, %scan3A_14 : i32
      "tpu.region"() ({
        %run_scoped3A_54 = tpu.sem_alloc : memref<!tpu.dma_semaphore, #tpu.memory_space<semaphore_mem>>
        %dma_start3A_55 = arith.constant 0 : i32
        %dma_start3A_56 = tpu.memref_slice %arg3[%add3A, %mul3A_17, %dma_start3A_55] : memref<32x128x80xi32, #tpu.memory_space<hbm>> -> memref<1x1x80xi32, #tpu.memory_space<hbm>>
        %dma_start3A_57 = tpu.memref_squeeze %dma_start3A_56 : memref<1x1x80xi32, #tpu.memory_space<hbm>> -> memref<80xi32, #tpu.memory_space<hbm>>
        %dma_start3A_58 = arith.constant 0 : i32
        %dma_start3A_59 = tpu.memref_slice %arg3[%add3A, %mul3A_17, %dma_start3A_58] : memref<32x128x80xi32, #tpu.memory_space<hbm>> -> memref<1x1x80xi32, #tpu.memory_space<hbm>>
        %dma_start3A_60 = tpu.memref_squeeze %dma_start3A_59 : memref<1x1x80xi32, #tpu.memory_space<hbm>> -> memref<80xi32, #tpu.memory_space<hbm>>
        tpu.enqueue_dma source(%dma_start3A_60 : memref<80xi32, #tpu.memory_space<hbm>>) target(%arg7 : memref<80xi32, #tpu.memory_space<vmem>>) target_semaphore(%run_scoped3A_54 : memref<!tpu.dma_semaphore, #tpu.memory_space<semaphore_mem>>)
        %dma_wait3A_61 = arith.constant 0 : i32
        %dma_wait3A_62 = tpu.memref_slice %arg3[%add3A, %mul3A_17, %dma_wait3A_61] : memref<32x128x80xi32, #tpu.memory_space<hbm>> -> memref<1x1x80xi32, #tpu.memory_space<hbm>>
        %dma_wait3A_63 = tpu.memref_squeeze %dma_wait3A_62 : memref<1x1x80xi32, #tpu.memory_space<hbm>> -> memref<80xi32, #tpu.memory_space<hbm>>
        %dma_wait3A_64 = arith.constant 0 : i32
        %dma_wait3A_65 = tpu.memref_slice %arg3[%add3A, %mul3A_17, %dma_wait3A_64] : memref<32x128x80xi32, #tpu.memory_space<hbm>> -> memref<1x1x80xi32, #tpu.memory_space<hbm>>
        %dma_wait3A_66 = tpu.memref_squeeze %dma_wait3A_65 : memref<1x1x80xi32, #tpu.memory_space<hbm>> -> memref<80xi32, #tpu.memory_space<hbm>>
        tpu.wait_dma2 semaphore(%run_scoped3A_54 : memref<!tpu.dma_semaphore, #tpu.memory_space<semaphore_mem>>) src(%dma_wait3A_66 : memref<80xi32, #tpu.memory_space<hbm>>) dst(%arg7 : memref<80xi32, #tpu.memory_space<vmem>>)
        tpu.yield
      }) : () -> ()
      "tpu.region"() ({
        %run_scoped3A_54 = tpu.sem_alloc : memref<!tpu.dma_semaphore, #tpu.memory_space<semaphore_mem>>
        %dma_start3A_55 = arith.constant 0 : i32
        %dma_start3A_56 = tpu.memref_slice %arg4[%add3A, %mul3A_17, %dma_start3A_55] : memref<32x128x80xi32, #tpu.memory_space<hbm>> -> memref<1x1x80xi32, #tpu.memory_space<hbm>>
        %dma_start3A_57 = tpu.memref_squeeze %dma_start3A_56 : memref<1x1x80xi32, #tpu.memory_space<hbm>> -> memref<80xi32, #tpu.memory_space<hbm>>
        %dma_start3A_58 = arith.constant 0 : i32
        %dma_start3A_59 = tpu.memref_slice %arg4[%add3A, %mul3A_17, %dma_start3A_58] : memref<32x128x80xi32, #tpu.memory_space<hbm>> -> memref<1x1x80xi32, #tpu.memory_space<hbm>>
        %dma_start3A_60 = tpu.memref_squeeze %dma_start3A_59 : memref<1x1x80xi32, #tpu.memory_space<hbm>> -> memref<80xi32, #tpu.memory_space<hbm>>
        tpu.enqueue_dma source(%dma_start3A_60 : memref<80xi32, #tpu.memory_space<hbm>>) target(%arg9 : memref<80xi32, #tpu.memory_space<vmem>>) target_semaphore(%run_scoped3A_54 : memref<!tpu.dma_semaphore, #tpu.memory_space<semaphore_mem>>)
        %dma_wait3A_61 = arith.constant 0 : i32
        %dma_wait3A_62 = tpu.memref_slice %arg4[%add3A, %mul3A_17, %dma_wait3A_61] : memref<32x128x80xi32, #tpu.memory_space<hbm>> -> memref<1x1x80xi32, #tpu.memory_space<hbm>>
        %dma_wait3A_63 = tpu.memref_squeeze %dma_wait3A_62 : memref<1x1x80xi32, #tpu.memory_space<hbm>> -> memref<80xi32, #tpu.memory_space<hbm>>
        %dma_wait3A_64 = arith.constant 0 : i32
        %dma_wait3A_65 = tpu.memref_slice %arg4[%add3A, %mul3A_17, %dma_wait3A_64] : memref<32x128x80xi32, #tpu.memory_space<hbm>> -> memref<1x1x80xi32, #tpu.memory_space<hbm>>
        %dma_wait3A_66 = tpu.memref_squeeze %dma_wait3A_65 : memref<1x1x80xi32, #tpu.memory_space<hbm>> -> memref<80xi32, #tpu.memory_space<hbm>>
        tpu.wait_dma2 semaphore(%run_scoped3A_54 : memref<!tpu.dma_semaphore, #tpu.memory_space<semaphore_mem>>) src(%dma_wait3A_66 : memref<80xi32, #tpu.memory_space<hbm>>) dst(%arg9 : memref<80xi32, #tpu.memory_space<vmem>>)
        tpu.yield
      }) : () -> ()
      %dma_start3A = arith.constant 0 : i32
      %dma_start3A_18 = arith.constant 0 : i32
      %dma_start3A_19 = arith.constant 0 : i32
      %dma_start3A_20 = tpu.memref_slice %arg11[%dma_start3A, %dma_start3A_18, %dma_start3A_19] : memref<2x80x128xf32, #tpu.memory_space<vmem>> -> memref<1x80x128xf32, #tpu.memory_space<vmem>>
      %dma_start3A_21 = tpu.memref_squeeze %dma_start3A_20 : memref<1x80x128xf32, #tpu.memory_space<vmem>> -> memref<80x128xf32, #tpu.memory_space<vmem>>
      %dma_start3A_22 = arith.constant 0 : i32
      %dma_start3A_23 = arith.constant 0 : i32
      %dma_start3A_24 = tpu.memref_slice %arg2[%dma_start3A_22, %dma_start3A_23] : memref<10000x128xf32, #tpu.memory_space<hbm>> -> memref<10000x128xf32, #tpu.memory_space<hbm>>
      tpu.enqueue_indirect_dma source(%dma_start3A_24 : memref<10000x128xf32, #tpu.memory_space<hbm>>) target(%dma_start3A_21 : memref<80x128xf32, #tpu.memory_space<vmem>>) offsets(%arg7 : memref<80xi32, #tpu.memory_space<vmem>>) semaphore(%arg13 : memref<!tpu.dma_semaphore, #tpu.memory_space<semaphore_mem>>)
      %add3A_25 = arith.constant 1 : i32
      %add3A_26 = arith.addi %mul3A_17, %add3A_25 : i32
      "tpu.region"() ({
        %run_scoped3A_54 = tpu.sem_alloc : memref<!tpu.dma_semaphore, #tpu.memory_space<semaphore_mem>>
        %dma_start3A_55 = arith.constant 0 : i32
        %dma_start3A_56 = tpu.memref_slice %arg3[%add3A, %add3A_26, %dma_start3A_55] : memref<32x128x80xi32, #tpu.memory_space<hbm>> -> memref<1x1x80xi32, #tpu.memory_space<hbm>>
        %dma_start3A_57 = tpu.memref_squeeze %dma_start3A_56 : memref<1x1x80xi32, #tpu.memory_space<hbm>> -> memref<80xi32, #tpu.memory_space<hbm>>
        %dma_start3A_58 = arith.constant 0 : i32
        %dma_start3A_59 = tpu.memref_slice %arg3[%add3A, %add3A_26, %dma_start3A_58] : memref<32x128x80xi32, #tpu.memory_space<hbm>> -> memref<1x1x80xi32, #tpu.memory_space<hbm>>
        %dma_start3A_60 = tpu.memref_squeeze %dma_start3A_59 : memref<1x1x80xi32, #tpu.memory_space<hbm>> -> memref<80xi32, #tpu.memory_space<hbm>>
        tpu.enqueue_dma source(%dma_start3A_60 : memref<80xi32, #tpu.memory_space<hbm>>) target(%arg8 : memref<80xi32, #tpu.memory_space<vmem>>) target_semaphore(%run_scoped3A_54 : memref<!tpu.dma_semaphore, #tpu.memory_space<semaphore_mem>>)
        %dma_wait3A_61 = arith.constant 0 : i32
        %dma_wait3A_62 = tpu.memref_slice %arg3[%add3A, %add3A_26, %dma_wait3A_61] : memref<32x128x80xi32, #tpu.memory_space<hbm>> -> memref<1x1x80xi32, #tpu.memory_space<hbm>>
        %dma_wait3A_63 = tpu.memref_squeeze %dma_wait3A_62 : memref<1x1x80xi32, #tpu.memory_space<hbm>> -> memref<80xi32, #tpu.memory_space<hbm>>
        %dma_wait3A_64 = arith.constant 0 : i32
        %dma_wait3A_65 = tpu.memref_slice %arg3[%add3A, %add3A_26, %dma_wait3A_64] : memref<32x128x80xi32, #tpu.memory_space<hbm>> -> memref<1x1x80xi32, #tpu.memory_space<hbm>>
        %dma_wait3A_66 = tpu.memref_squeeze %dma_wait3A_65 : memref<1x1x80xi32, #tpu.memory_space<hbm>> -> memref<80xi32, #tpu.memory_space<hbm>>
        tpu.wait_dma2 semaphore(%run_scoped3A_54 : memref<!tpu.dma_semaphore, #tpu.memory_space<semaphore_mem>>) src(%dma_wait3A_66 : memref<80xi32, #tpu.memory_space<hbm>>) dst(%arg8 : memref<80xi32, #tpu.memory_space<vmem>>)
        tpu.yield
      }) : () -> ()
      %add3A_27 = arith.constant 1 : i32
      %add3A_28 = arith.addi %mul3A_17, %add3A_27 : i32
      "tpu.region"() ({
        %run_scoped3A_54 = tpu.sem_alloc : memref<!tpu.dma_semaphore, #tpu.memory_space<semaphore_mem>>
        %dma_start3A_55 = arith.constant 0 : i32
        %dma_start3A_56 = tpu.memref_slice %arg4[%add3A, %add3A_28, %dma_start3A_55] : memref<32x128x80xi32, #tpu.memory_space<hbm>> -> memref<1x1x80xi32, #tpu.memory_space<hbm>>
        %dma_start3A_57 = tpu.memref_squeeze %dma_start3A_56 : memref<1x1x80xi32, #tpu.memory_space<hbm>> -> memref<80xi32, #tpu.memory_space<hbm>>
        %dma_start3A_58 = arith.constant 0 : i32
        %dma_start3A_59 = tpu.memref_slice %arg4[%add3A, %add3A_28, %dma_start3A_58] : memref<32x128x80xi32, #tpu.memory_space<hbm>> -> memref<1x1x80xi32, #tpu.memory_space<hbm>>
        %dma_start3A_60 = tpu.memref_squeeze %dma_start3A_59 : memref<1x1x80xi32, #tpu.memory_space<hbm>> -> memref<80xi32, #tpu.memory_space<hbm>>
        tpu.enqueue_dma source(%dma_start3A_60 : memref<80xi32, #tpu.memory_space<hbm>>) target(%arg10 : memref<80xi32, #tpu.memory_space<vmem>>) target_semaphore(%run_scoped3A_54 : memref<!tpu.dma_semaphore, #tpu.memory_space<semaphore_mem>>)
        %dma_wait3A_61 = arith.constant 0 : i32
        %dma_wait3A_62 = tpu.memref_slice %arg4[%add3A, %add3A_28, %dma_wait3A_61] : memref<32x128x80xi32, #tpu.memory_space<hbm>> -> memref<1x1x80xi32, #tpu.memory_space<hbm>>
        %dma_wait3A_63 = tpu.memref_squeeze %dma_wait3A_62 : memref<1x1x80xi32, #tpu.memory_space<hbm>> -> memref<80xi32, #tpu.memory_space<hbm>>
        %dma_wait3A_64 = arith.constant 0 : i32
        %dma_wait3A_65 = tpu.memref_slice %arg4[%add3A, %add3A_28, %dma_wait3A_64] : memref<32x128x80xi32, #tpu.memory_space<hbm>> -> memref<1x1x80xi32, #tpu.memory_space<hbm>>
        %dma_wait3A_66 = tpu.memref_squeeze %dma_wait3A_65 : memref<1x1x80xi32, #tpu.memory_space<hbm>> -> memref<80xi32, #tpu.memory_space<hbm>>
        tpu.wait_dma2 semaphore(%run_scoped3A_54 : memref<!tpu.dma_semaphore, #tpu.memory_space<semaphore_mem>>) src(%dma_wait3A_66 : memref<80xi32, #tpu.memory_space<hbm>>) dst(%arg10 : memref<80xi32, #tpu.memory_space<vmem>>)
        tpu.yield
      }) : () -> ()
      %dma_start3A_29 = arith.constant 1 : i32
      %dma_start3A_30 = arith.constant 0 : i32
      %dma_start3A_31 = arith.constant 0 : i32
      %dma_start3A_32 = tpu.memref_slice %arg11[%dma_start3A_29, %dma_start3A_30, %dma_start3A_31] : memref<2x80x128xf32, #tpu.memory_space<vmem>> -> memref<1x80x128xf32, #tpu.memory_space<vmem>>
      %dma_start3A_33 = tpu.memref_squeeze %dma_start3A_32 : memref<1x80x128xf32, #tpu.memory_space<vmem>> -> memref<80x128xf32, #tpu.memory_space<vmem>>
      %dma_start3A_34 = arith.constant 0 : i32
      %dma_start3A_35 = arith.constant 0 : i32
      %dma_start3A_36 = tpu.memref_slice %arg2[%dma_start3A_34, %dma_start3A_35] : memref<10000x128xf32, #tpu.memory_space<hbm>> -> memref<10000x128xf32, #tpu.memory_space<hbm>>
      tpu.enqueue_indirect_dma source(%dma_start3A_36 : memref<10000x128xf32, #tpu.memory_space<hbm>>) target(%dma_start3A_33 : memref<80x128xf32, #tpu.memory_space<vmem>>) offsets(%arg8 : memref<80xi32, #tpu.memory_space<vmem>>) semaphore(%arg14 : memref<!tpu.dma_semaphore, #tpu.memory_space<semaphore_mem>>)
      %dma_wait3A = arith.constant 0 : i32
      %dma_wait3A_37 = arith.constant 0 : i32
      %dma_wait3A_38 = arith.constant 0 : i32
      %dma_wait3A_39 = tpu.memref_slice %arg11[%dma_wait3A, %dma_wait3A_37, %dma_wait3A_38] : memref<2x80x128xf32, #tpu.memory_space<vmem>> -> memref<1x80x128xf32, #tpu.memory_space<vmem>>
      %dma_wait3A_40 = tpu.memref_squeeze %dma_wait3A_39 : memref<1x80x128xf32, #tpu.memory_space<vmem>> -> memref<80x128xf32, #tpu.memory_space<vmem>>
      %dma_wait3A_41 = arith.constant 0 : i32
      %dma_wait3A_42 = arith.constant 0 : i32
      %dma_wait3A_43 = tpu.memref_slice %arg2[%dma_wait3A_41, %dma_wait3A_42] : memref<10000x128xf32, #tpu.memory_space<hbm>> -> memref<10000x128xf32, #tpu.memory_space<hbm>>
      tpu.wait_indirect_dma semaphore(%arg13 : memref<!tpu.dma_semaphore, #tpu.memory_space<semaphore_mem>>) src(%dma_wait3A_43 : memref<10000x128xf32, #tpu.memory_space<hbm>>) dst(%dma_wait3A_40 : memref<80x128xf32, #tpu.memory_space<vmem>>)
      %run_scoped3A = arith.constant 0 : i32
      "tpu.region"() ({
        %run_scoped3A_54 = tpu.sem_alloc : memref<!tpu.dma_semaphore, #tpu.memory_space<semaphore_mem>>
        %dma_start3A_55 = arith.constant 0 : i32
        %dma_start3A_56 = arith.constant 0 : i32
        %dma_start3A_57 = tpu.memref_slice %arg11[%run_scoped3A, %dma_start3A_55, %dma_start3A_56] : memref<2x80x128xf32, #tpu.memory_space<vmem>> -> memref<1x80x128xf32, #tpu.memory_space<vmem>>
        %dma_start3A_58 = tpu.memref_squeeze %dma_start3A_57 : memref<1x80x128xf32, #tpu.memory_space<vmem>> -> memref<80x128xf32, #tpu.memory_space<vmem>>
        %dma_start3A_59 = arith.constant 0 : i32
        %dma_start3A_60 = arith.constant 0 : i32
        %dma_start3A_61 = tpu.memref_slice %arg12[%dma_start3A_59, %dma_start3A_60] : memref<10240x128xf32, #tpu.memory_space<vmem_shared>> -> memref<10240x128xf32, #tpu.memory_space<vmem_shared>>
        tpu.enqueue_indirect_dma source(%dma_start3A_58 : memref<80x128xf32, #tpu.memory_space<vmem>>) target(%dma_start3A_61 : memref<10240x128xf32, #tpu.memory_space<vmem_shared>>) offsets(%arg9 : memref<80xi32, #tpu.memory_space<vmem>>) semaphore(%run_scoped3A_54 : memref<!tpu.dma_semaphore, #tpu.memory_space<semaphore_mem>>) {add = true}
        %dma_wait3A_62 = arith.constant 0 : i32
        %dma_wait3A_63 = arith.constant 0 : i32
        %dma_wait3A_64 = tpu.memref_slice %arg11[%run_scoped3A, %dma_wait3A_62, %dma_wait3A_63] : memref<2x80x128xf32, #tpu.memory_space<vmem>> -> memref<1x80x128xf32, #tpu.memory_space<vmem>>
        %dma_wait3A_65 = tpu.memref_squeeze %dma_wait3A_64 : memref<1x80x128xf32, #tpu.memory_space<vmem>> -> memref<80x128xf32, #tpu.memory_space<vmem>>
        %dma_wait3A_66 = arith.constant 0 : i32
        %dma_wait3A_67 = arith.constant 0 : i32
        %dma_wait3A_68 = tpu.memref_slice %arg12[%dma_wait3A_66, %dma_wait3A_67] : memref<10240x128xf32, #tpu.memory_space<vmem_shared>> -> memref<10240x128xf32, #tpu.memory_space<vmem_shared>>
        tpu.wait_indirect_dma semaphore(%run_scoped3A_54 : memref<!tpu.dma_semaphore, #tpu.memory_space<semaphore_mem>>) src(%dma_wait3A_65 : memref<80x128xf32, #tpu.memory_space<vmem>>) dst(%dma_wait3A_68 : memref<10240x128xf32, #tpu.memory_space<vmem_shared>>)
        tpu.yield
      }) : () -> ()
      %dma_wait3A_44 = arith.constant 1 : i32
      %dma_wait3A_45 = arith.constant 0 : i32
      %dma_wait3A_46 = arith.constant 0 : i32
      %dma_wait3A_47 = tpu.memref_slice %arg11[%dma_wait3A_44, %dma_wait3A_45, %dma_wait3A_46] : memref<2x80x128xf32, #tpu.memory_space<vmem>> -> memref<1x80x128xf32, #tpu.memory_space<vmem>>
      %dma_wait3A_48 = tpu.memref_squeeze %dma_wait3A_47 : memref<1x80x128xf32, #tpu.memory_space<vmem>> -> memref<80x128xf32, #tpu.memory_space<vmem>>
      %dma_wait3A_49 = arith.constant 0 : i32
      %dma_wait3A_50 = arith.constant 0 : i32
      %dma_wait3A_51 = tpu.memref_slice %arg2[%dma_wait3A_49, %dma_wait3A_50] : memref<10000x128xf32, #tpu.memory_space<hbm>> -> memref<10000x128xf32, #tpu.memory_space<hbm>>
      tpu.wait_indirect_dma semaphore(%arg14 : memref<!tpu.dma_semaphore, #tpu.memory_space<semaphore_mem>>) src(%dma_wait3A_51 : memref<10000x128xf32, #tpu.memory_space<hbm>>) dst(%dma_wait3A_48 : memref<80x128xf32, #tpu.memory_space<vmem>>)
      %run_scoped3A_52 = arith.constant 1 : i32
      "tpu.region"() ({
        %run_scoped3A_54 = tpu.sem_alloc : memref<!tpu.dma_semaphore, #tpu.memory_space<semaphore_mem>>
        %dma_start3A_55 = arith.constant 0 : i32
        %dma_start3A_56 = arith.constant 0 : i32
        %dma_start3A_57 = tpu.memref_slice %arg11[%run_scoped3A_52, %dma_start3A_55, %dma_start3A_56] : memref<2x80x128xf32, #tpu.memory_space<vmem>> -> memref<1x80x128xf32, #tpu.memory_space<vmem>>
        %dma_start3A_58 = tpu.memref_squeeze %dma_start3A_57 : memref<1x80x128xf32, #tpu.memory_space<vmem>> -> memref<80x128xf32, #tpu.memory_space<vmem>>
        %dma_start3A_59 = arith.constant 0 : i32
        %dma_start3A_60 = arith.constant 0 : i32
        %dma_start3A_61 = tpu.memref_slice %arg12[%dma_start3A_59, %dma_start3A_60] : memref<10240x128xf32, #tpu.memory_space<vmem_shared>> -> memref<10240x128xf32, #tpu.memory_space<vmem_shared>>
        tpu.enqueue_indirect_dma source(%dma_start3A_58 : memref<80x128xf32, #tpu.memory_space<vmem>>) target(%dma_start3A_61 : memref<10240x128xf32, #tpu.memory_space<vmem_shared>>) offsets(%arg10 : memref<80xi32, #tpu.memory_space<vmem>>) semaphore(%run_scoped3A_54 : memref<!tpu.dma_semaphore, #tpu.memory_space<semaphore_mem>>) {add = true}
        %dma_wait3A_62 = arith.constant 0 : i32
        %dma_wait3A_63 = arith.constant 0 : i32
        %dma_wait3A_64 = tpu.memref_slice %arg11[%run_scoped3A_52, %dma_wait3A_62, %dma_wait3A_63] : memref<2x80x128xf32, #tpu.memory_space<vmem>> -> memref<1x80x128xf32, #tpu.memory_space<vmem>>
        %dma_wait3A_65 = tpu.memref_squeeze %dma_wait3A_64 : memref<1x80x128xf32, #tpu.memory_space<vmem>> -> memref<80x128xf32, #tpu.memory_space<vmem>>
        %dma_wait3A_66 = arith.constant 0 : i32
        %dma_wait3A_67 = arith.constant 0 : i32
        %dma_wait3A_68 = tpu.memref_slice %arg12[%dma_wait3A_66, %dma_wait3A_67] : memref<10240x128xf32, #tpu.memory_space<vmem_shared>> -> memref<10240x128xf32, #tpu.memory_space<vmem_shared>>
        tpu.wait_indirect_dma semaphore(%run_scoped3A_54 : memref<!tpu.dma_semaphore, #tpu.memory_space<semaphore_mem>>) src(%dma_wait3A_65 : memref<80x128xf32, #tpu.memory_space<vmem>>) dst(%dma_wait3A_68 : memref<10240x128xf32, #tpu.memory_space<vmem_shared>>)
        tpu.yield
      }) : () -> ()
      %scan3A_53 = arith.constant 0 : i32
      scf.yield %scan3A_53 : i32
    }
    %scan3A_8 = arith.constant 64 : i32
    %barrier3A_9 = arith.constant 0 : index
    tpu.barrier barrier_id(%barrier3A_9)
    %mul3A_10 = arith.constant 640 : i32
    %mul3A_11 = arith.muli %arg1, %mul3A_10 : i32
    %mul3A_12 = arith.constant 640 : i32
    %mul3A_13 = arith.muli %arg1, %mul3A_12 : i32
    "tpu.region"() ({
      %run_scoped3A = tpu.sem_alloc : memref<!tpu.dma_semaphore, #tpu.memory_space<semaphore_mem>>
      %dma_start3A = arith.constant 0 : i32
      %dma_start3A_14 = tpu.memref_slice %arg6[%arg0, %mul3A_13, %dma_start3A] : memref<2x10240x128xf32, #tpu.memory_space<hbm>> -> memref<1x640x128xf32, #tpu.memory_space<hbm>>
      %dma_start3A_15 = tpu.memref_squeeze %dma_start3A_14 : memref<1x640x128xf32, #tpu.memory_space<hbm>> -> memref<640x128xf32, #tpu.memory_space<hbm>>
      %dma_start3A_16 = arith.constant 0 : i32
      %dma_start3A_17 = tpu.memref_slice %arg12[%mul3A_11, %dma_start3A_16] : memref<10240x128xf32, #tpu.memory_space<vmem_shared>> -> memref<640x128xf32, #tpu.memory_space<vmem_shared>>
      tpu.enqueue_dma source(%dma_start3A_17 : memref<640x128xf32, #tpu.memory_space<vmem_shared>>) target(%dma_start3A_15 : memref<640x128xf32, #tpu.memory_space<hbm>>) target_semaphore(%run_scoped3A : memref<!tpu.dma_semaphore, #tpu.memory_space<semaphore_mem>>)
      %dma_wait3A = arith.constant 0 : i32
      %dma_wait3A_18 = tpu.memref_slice %arg6[%arg0, %mul3A_13, %dma_wait3A] : memref<2x10240x128xf32, #tpu.memory_space<hbm>> -> memref<1x640x128xf32, #tpu.memory_space<hbm>>
      %dma_wait3A_19 = tpu.memref_squeeze %dma_wait3A_18 : memref<1x640x128xf32, #tpu.memory_space<hbm>> -> memref<640x128xf32, #tpu.memory_space<hbm>>
      %dma_wait3A_20 = arith.constant 0 : i32
      %dma_wait3A_21 = tpu.memref_slice %arg12[%mul3A_11, %dma_wait3A_20] : memref<10240x128xf32, #tpu.memory_space<vmem_shared>> -> memref<640x128xf32, #tpu.memory_space<vmem_shared>>
      tpu.wait_dma2 semaphore(%run_scoped3A : memref<!tpu.dma_semaphore, #tpu.memory_space<semaphore_mem>>) src(%dma_wait3A_21 : memref<640x128xf32, #tpu.memory_space<vmem_shared>>) dst(%dma_wait3A_19 : memref<640x128xf32, #tpu.memory_space<hbm>>)
      tpu.yield
    }) : () -> ()
    return
  }
}

#map = affine_map<(d0, d1) -> (0, 0)>
#map1 = affine_map<(d0, d1) -> (0, 0, 0)>
module attributes {stable_mosaic.version = 14 : i64} {
  func.func @_agg_kernel(%arg0: i32, %arg1: i32, %arg2: memref<10000x128xf32, #tpu.memory_space<hbm>>, %arg3: memref<32x128x80xi32, #tpu.memory_space<hbm>>, %arg4: memref<32x128x80xi32, #tpu.memory_space<hbm>>, %arg5: memref<16x640x128xf32, #tpu.memory_space<hbm>>, %arg6: memref<2x10240x128xf32, #tpu.memory_space<hbm>>, %arg7: memref<80xi32, #tpu.memory_space<vmem>>, %arg8: memref<80xi32, #tpu.memory_space<vmem>>, %arg9: memref<80xi32, #tpu.memory_space<vmem>>, %arg10: memref<80xi32, #tpu.memory_space<vmem>>, %arg11: memref<2x80x128xf32, #tpu.memory_space<vmem>>, %arg12: memref<10240x128xf32, #tpu.memory_space<vmem_shared>>, %arg13: memref<!tpu.dma_semaphore, #tpu.memory_space<semaphore_mem>>, %arg14: memref<!tpu.dma_semaphore, #tpu.memory_space<semaphore_mem>>) attributes {dimension_semantics = [#tpu.dimension_semantics<core_parallel>, #tpu.dimension_semantics<subcore_parallel>], iteration_bounds = array<i64: 2, 16>, scalar_prefetch = 0 : i64, scratch_operands = 8 : i64, tpu.core_type = #tpu.core_type<sc_vector_subcore>, window_params = [{transform_indices = #map}, {transform_indices = #map1}, {transform_indices = #map1}, {transform_indices = #map1}, {transform_indices = #map1}]} {
    %mul3A = arith.constant 16 : i32
    %mul3A_0 = arith.muli %arg0, %mul3A : i32
    %add3A = arith.addi %mul3A_0, %arg1 : i32
    %mul3A_1 = arith.constant 640 : i32
    %mul3A_2 = arith.muli %arg1, %mul3A_1 : i32
    "tpu.region"() ({
      %run_scoped3A = tpu.sem_alloc : memref<!tpu.dma_semaphore, #tpu.memory_space<semaphore_mem>>
      %dma_start3A = arith.constant 0 : i32
      %dma_start3A_14 = tpu.memref_slice %arg12[%mul3A_2, %dma_start3A] : memref<10240x128xf32, #tpu.memory_space<vmem_shared>> -> memref<640x128xf32, #tpu.memory_space<vmem_shared>>
      %dma_start3A_15 = arith.constant 0 : i32
      %dma_start3A_16 = arith.constant 0 : i32
      %dma_start3A_17 = tpu.memref_slice %arg5[%arg1, %dma_start3A_15, %dma_start3A_16] : memref<16x640x128xf32, #tpu.memory_space<hbm>> -> memref<1x640x128xf32, #tpu.memory_space<hbm>>
      %dma_start3A_18 = tpu.memref_squeeze %dma_start3A_17 : memref<1x640x128xf32, #tpu.memory_space<hbm>> -> memref<640x128xf32, #tpu.memory_space<hbm>>
      tpu.enqueue_dma source(%dma_start3A_18 : memref<640x128xf32, #tpu.memory_space<hbm>>) target(%dma_start3A_14 : memref<640x128xf32, #tpu.memory_space<vmem_shared>>) target_semaphore(%run_scoped3A : memref<!tpu.dma_semaphore, #tpu.memory_space<semaphore_mem>>)
      %dma_wait3A = arith.constant 0 : i32
      %dma_wait3A_19 = tpu.memref_slice %arg12[%mul3A_2, %dma_wait3A] : memref<10240x128xf32, #tpu.memory_space<vmem_shared>> -> memref<640x128xf32, #tpu.memory_space<vmem_shared>>
      %dma_wait3A_20 = arith.constant 0 : i32
      %dma_wait3A_21 = arith.constant 0 : i32
      %dma_wait3A_22 = tpu.memref_slice %arg5[%arg1, %dma_wait3A_20, %dma_wait3A_21] : memref<16x640x128xf32, #tpu.memory_space<hbm>> -> memref<1x640x128xf32, #tpu.memory_space<hbm>>
      %dma_wait3A_23 = tpu.memref_squeeze %dma_wait3A_22 : memref<1x640x128xf32, #tpu.memory_space<hbm>> -> memref<640x128xf32, #tpu.memory_space<hbm>>
      tpu.wait_dma2 semaphore(%run_scoped3A : memref<!tpu.dma_semaphore, #tpu.memory_space<semaphore_mem>>) src(%dma_wait3A_23 : memref<640x128xf32, #tpu.memory_space<hbm>>) dst(%dma_wait3A_19 : memref<640x128xf32, #tpu.memory_space<vmem_shared>>)
      tpu.yield
    }) : () -> ()
    %barrier3A = arith.constant 0 : index
    tpu.barrier barrier_id(%barrier3A)
    %scan3A = arith.constant 0 : i32
    %scan3A_3 = arith.constant 0 : i32
    %scan3A_4 = arith.constant 64 : i32
    %scan3A_5 = arith.addi %scan3A_3, %scan3A_4 : i32
    %scan3A_6 = arith.constant 1 : i32
    %scan3A_7 = scf.for %scan3A_14 = %scan3A_3 to %scan3A_5 step %scan3A_6 iter_args(%scan3A_15 = %scan3A) -> (i32)  : i32 {
      %mul3A_16 = arith.constant 2 : i32
      %mul3A_17 = arith.muli %mul3A_16, %scan3A_14 : i32
      "tpu.region"() ({
        %run_scoped3A_54 = tpu.sem_alloc : memref<!tpu.dma_semaphore, #tpu.memory_space<semaphore_mem>>
        %dma_start3A_55 = arith.constant 0 : i32
        %dma_start3A_56 = tpu.memref_slice %arg3[%add3A, %mul3A_17, %dma_start3A_55] : memref<32x128x80xi32, #tpu.memory_space<hbm>> -> memref<1x1x80xi32, #tpu.memory_space<hbm>>
        %dma_start3A_57 = tpu.memref_squeeze %dma_start3A_56 : memref<1x1x80xi32, #tpu.memory_space<hbm>> -> memref<80xi32, #tpu.memory_space<hbm>>
        %dma_start3A_58 = arith.constant 0 : i32
        %dma_start3A_59 = tpu.memref_slice %arg3[%add3A, %mul3A_17, %dma_start3A_58] : memref<32x128x80xi32, #tpu.memory_space<hbm>> -> memref<1x1x80xi32, #tpu.memory_space<hbm>>
        %dma_start3A_60 = tpu.memref_squeeze %dma_start3A_59 : memref<1x1x80xi32, #tpu.memory_space<hbm>> -> memref<80xi32, #tpu.memory_space<hbm>>
        tpu.enqueue_dma source(%dma_start3A_60 : memref<80xi32, #tpu.memory_space<hbm>>) target(%arg7 : memref<80xi32, #tpu.memory_space<vmem>>) target_semaphore(%run_scoped3A_54 : memref<!tpu.dma_semaphore, #tpu.memory_space<semaphore_mem>>)
        %dma_wait3A_61 = arith.constant 0 : i32
        %dma_wait3A_62 = tpu.memref_slice %arg3[%add3A, %mul3A_17, %dma_wait3A_61] : memref<32x128x80xi32, #tpu.memory_space<hbm>> -> memref<1x1x80xi32, #tpu.memory_space<hbm>>
        %dma_wait3A_63 = tpu.memref_squeeze %dma_wait3A_62 : memref<1x1x80xi32, #tpu.memory_space<hbm>> -> memref<80xi32, #tpu.memory_space<hbm>>
        %dma_wait3A_64 = arith.constant 0 : i32
        %dma_wait3A_65 = tpu.memref_slice %arg3[%add3A, %mul3A_17, %dma_wait3A_64] : memref<32x128x80xi32, #tpu.memory_space<hbm>> -> memref<1x1x80xi32, #tpu.memory_space<hbm>>
        %dma_wait3A_66 = tpu.memref_squeeze %dma_wait3A_65 : memref<1x1x80xi32, #tpu.memory_space<hbm>> -> memref<80xi32, #tpu.memory_space<hbm>>
        tpu.wait_dma2 semaphore(%run_scoped3A_54 : memref<!tpu.dma_semaphore, #tpu.memory_space<semaphore_mem>>) src(%dma_wait3A_66 : memref<80xi32, #tpu.memory_space<hbm>>) dst(%arg7 : memref<80xi32, #tpu.memory_space<vmem>>)
        tpu.yield
      }) : () -> ()
      "tpu.region"() ({
        %run_scoped3A_54 = tpu.sem_alloc : memref<!tpu.dma_semaphore, #tpu.memory_space<semaphore_mem>>
        %dma_start3A_55 = arith.constant 0 : i32
        %dma_start3A_56 = tpu.memref_slice %arg4[%add3A, %mul3A_17, %dma_start3A_55] : memref<32x128x80xi32, #tpu.memory_space<hbm>> -> memref<1x1x80xi32, #tpu.memory_space<hbm>>
        %dma_start3A_57 = tpu.memref_squeeze %dma_start3A_56 : memref<1x1x80xi32, #tpu.memory_space<hbm>> -> memref<80xi32, #tpu.memory_space<hbm>>
        %dma_start3A_58 = arith.constant 0 : i32
        %dma_start3A_59 = tpu.memref_slice %arg4[%add3A, %mul3A_17, %dma_start3A_58] : memref<32x128x80xi32, #tpu.memory_space<hbm>> -> memref<1x1x80xi32, #tpu.memory_space<hbm>>
        %dma_start3A_60 = tpu.memref_squeeze %dma_start3A_59 : memref<1x1x80xi32, #tpu.memory_space<hbm>> -> memref<80xi32, #tpu.memory_space<hbm>>
        tpu.enqueue_dma source(%dma_start3A_60 : memref<80xi32, #tpu.memory_space<hbm>>) target(%arg9 : memref<80xi32, #tpu.memory_space<vmem>>) target_semaphore(%run_scoped3A_54 : memref<!tpu.dma_semaphore, #tpu.memory_space<semaphore_mem>>)
        %dma_wait3A_61 = arith.constant 0 : i32
        %dma_wait3A_62 = tpu.memref_slice %arg4[%add3A, %mul3A_17, %dma_wait3A_61] : memref<32x128x80xi32, #tpu.memory_space<hbm>> -> memref<1x1x80xi32, #tpu.memory_space<hbm>>
        %dma_wait3A_63 = tpu.memref_squeeze %dma_wait3A_62 : memref<1x1x80xi32, #tpu.memory_space<hbm>> -> memref<80xi32, #tpu.memory_space<hbm>>
        %dma_wait3A_64 = arith.constant 0 : i32
        %dma_wait3A_65 = tpu.memref_slice %arg4[%add3A, %mul3A_17, %dma_wait3A_64] : memref<32x128x80xi32, #tpu.memory_space<hbm>> -> memref<1x1x80xi32, #tpu.memory_space<hbm>>
        %dma_wait3A_66 = tpu.memref_squeeze %dma_wait3A_65 : memref<1x1x80xi32, #tpu.memory_space<hbm>> -> memref<80xi32, #tpu.memory_space<hbm>>
        tpu.wait_dma2 semaphore(%run_scoped3A_54 : memref<!tpu.dma_semaphore, #tpu.memory_space<semaphore_mem>>) src(%dma_wait3A_66 : memref<80xi32, #tpu.memory_space<hbm>>) dst(%arg9 : memref<80xi32, #tpu.memory_space<vmem>>)
        tpu.yield
      }) : () -> ()
      %dma_start3A = arith.constant 0 : i32
      %dma_start3A_18 = arith.constant 0 : i32
      %dma_start3A_19 = arith.constant 0 : i32
      %dma_start3A_20 = tpu.memref_slice %arg11[%dma_start3A, %dma_start3A_18, %dma_start3A_19] : memref<2x80x128xf32, #tpu.memory_space<vmem>> -> memref<1x80x128xf32, #tpu.memory_space<vmem>>
      %dma_start3A_21 = tpu.memref_squeeze %dma_start3A_20 : memref<1x80x128xf32, #tpu.memory_space<vmem>> -> memref<80x128xf32, #tpu.memory_space<vmem>>
      %dma_start3A_22 = arith.constant 0 : i32
      %dma_start3A_23 = arith.constant 0 : i32
      %dma_start3A_24 = tpu.memref_slice %arg2[%dma_start3A_22, %dma_start3A_23] : memref<10000x128xf32, #tpu.memory_space<hbm>> -> memref<10000x128xf32, #tpu.memory_space<hbm>>
      tpu.enqueue_indirect_dma source(%dma_start3A_24 : memref<10000x128xf32, #tpu.memory_space<hbm>>) target(%dma_start3A_21 : memref<80x128xf32, #tpu.memory_space<vmem>>) offsets(%arg7 : memref<80xi32, #tpu.memory_space<vmem>>) semaphore(%arg13 : memref<!tpu.dma_semaphore, #tpu.memory_space<semaphore_mem>>)
      %add3A_25 = arith.constant 1 : i32
      %add3A_26 = arith.addi %mul3A_17, %add3A_25 : i32
      "tpu.region"() ({
        %run_scoped3A_54 = tpu.sem_alloc : memref<!tpu.dma_semaphore, #tpu.memory_space<semaphore_mem>>
        %dma_start3A_55 = arith.constant 0 : i32
        %dma_start3A_56 = tpu.memref_slice %arg3[%add3A, %add3A_26, %dma_start3A_55] : memref<32x128x80xi32, #tpu.memory_space<hbm>> -> memref<1x1x80xi32, #tpu.memory_space<hbm>>
        %dma_start3A_57 = tpu.memref_squeeze %dma_start3A_56 : memref<1x1x80xi32, #tpu.memory_space<hbm>> -> memref<80xi32, #tpu.memory_space<hbm>>
        %dma_start3A_58 = arith.constant 0 : i32
        %dma_start3A_59 = tpu.memref_slice %arg3[%add3A, %add3A_26, %dma_start3A_58] : memref<32x128x80xi32, #tpu.memory_space<hbm>> -> memref<1x1x80xi32, #tpu.memory_space<hbm>>
        %dma_start3A_60 = tpu.memref_squeeze %dma_start3A_59 : memref<1x1x80xi32, #tpu.memory_space<hbm>> -> memref<80xi32, #tpu.memory_space<hbm>>
        tpu.enqueue_dma source(%dma_start3A_60 : memref<80xi32, #tpu.memory_space<hbm>>) target(%arg8 : memref<80xi32, #tpu.memory_space<vmem>>) target_semaphore(%run_scoped3A_54 : memref<!tpu.dma_semaphore, #tpu.memory_space<semaphore_mem>>)
        %dma_wait3A_61 = arith.constant 0 : i32
        %dma_wait3A_62 = tpu.memref_slice %arg3[%add3A, %add3A_26, %dma_wait3A_61] : memref<32x128x80xi32, #tpu.memory_space<hbm>> -> memref<1x1x80xi32, #tpu.memory_space<hbm>>
        %dma_wait3A_63 = tpu.memref_squeeze %dma_wait3A_62 : memref<1x1x80xi32, #tpu.memory_space<hbm>> -> memref<80xi32, #tpu.memory_space<hbm>>
        %dma_wait3A_64 = arith.constant 0 : i32
        %dma_wait3A_65 = tpu.memref_slice %arg3[%add3A, %add3A_26, %dma_wait3A_64] : memref<32x128x80xi32, #tpu.memory_space<hbm>> -> memref<1x1x80xi32, #tpu.memory_space<hbm>>
        %dma_wait3A_66 = tpu.memref_squeeze %dma_wait3A_65 : memref<1x1x80xi32, #tpu.memory_space<hbm>> -> memref<80xi32, #tpu.memory_space<hbm>>
        tpu.wait_dma2 semaphore(%run_scoped3A_54 : memref<!tpu.dma_semaphore, #tpu.memory_space<semaphore_mem>>) src(%dma_wait3A_66 : memref<80xi32, #tpu.memory_space<hbm>>) dst(%arg8 : memref<80xi32, #tpu.memory_space<vmem>>)
        tpu.yield
      }) : () -> ()
      %add3A_27 = arith.constant 1 : i32
      %add3A_28 = arith.addi %mul3A_17, %add3A_27 : i32
      "tpu.region"() ({
        %run_scoped3A_54 = tpu.sem_alloc : memref<!tpu.dma_semaphore, #tpu.memory_space<semaphore_mem>>
        %dma_start3A_55 = arith.constant 0 : i32
        %dma_start3A_56 = tpu.memref_slice %arg4[%add3A, %add3A_28, %dma_start3A_55] : memref<32x128x80xi32, #tpu.memory_space<hbm>> -> memref<1x1x80xi32, #tpu.memory_space<hbm>>
        %dma_start3A_57 = tpu.memref_squeeze %dma_start3A_56 : memref<1x1x80xi32, #tpu.memory_space<hbm>> -> memref<80xi32, #tpu.memory_space<hbm>>
        %dma_start3A_58 = arith.constant 0 : i32
        %dma_start3A_59 = tpu.memref_slice %arg4[%add3A, %add3A_28, %dma_start3A_58] : memref<32x128x80xi32, #tpu.memory_space<hbm>> -> memref<1x1x80xi32, #tpu.memory_space<hbm>>
        %dma_start3A_60 = tpu.memref_squeeze %dma_start3A_59 : memref<1x1x80xi32, #tpu.memory_space<hbm>> -> memref<80xi32, #tpu.memory_space<hbm>>
        tpu.enqueue_dma source(%dma_start3A_60 : memref<80xi32, #tpu.memory_space<hbm>>) target(%arg10 : memref<80xi32, #tpu.memory_space<vmem>>) target_semaphore(%run_scoped3A_54 : memref<!tpu.dma_semaphore, #tpu.memory_space<semaphore_mem>>)
        %dma_wait3A_61 = arith.constant 0 : i32
        %dma_wait3A_62 = tpu.memref_slice %arg4[%add3A, %add3A_28, %dma_wait3A_61] : memref<32x128x80xi32, #tpu.memory_space<hbm>> -> memref<1x1x80xi32, #tpu.memory_space<hbm>>
        %dma_wait3A_63 = tpu.memref_squeeze %dma_wait3A_62 : memref<1x1x80xi32, #tpu.memory_space<hbm>> -> memref<80xi32, #tpu.memory_space<hbm>>
        %dma_wait3A_64 = arith.constant 0 : i32
        %dma_wait3A_65 = tpu.memref_slice %arg4[%add3A, %add3A_28, %dma_wait3A_64] : memref<32x128x80xi32, #tpu.memory_space<hbm>> -> memref<1x1x80xi32, #tpu.memory_space<hbm>>
        %dma_wait3A_66 = tpu.memref_squeeze %dma_wait3A_65 : memref<1x1x80xi32, #tpu.memory_space<hbm>> -> memref<80xi32, #tpu.memory_space<hbm>>
        tpu.wait_dma2 semaphore(%run_scoped3A_54 : memref<!tpu.dma_semaphore, #tpu.memory_space<semaphore_mem>>) src(%dma_wait3A_66 : memref<80xi32, #tpu.memory_space<hbm>>) dst(%arg10 : memref<80xi32, #tpu.memory_space<vmem>>)
        tpu.yield
      }) : () -> ()
      %dma_start3A_29 = arith.constant 1 : i32
      %dma_start3A_30 = arith.constant 0 : i32
      %dma_start3A_31 = arith.constant 0 : i32
      %dma_start3A_32 = tpu.memref_slice %arg11[%dma_start3A_29, %dma_start3A_30, %dma_start3A_31] : memref<2x80x128xf32, #tpu.memory_space<vmem>> -> memref<1x80x128xf32, #tpu.memory_space<vmem>>
      %dma_start3A_33 = tpu.memref_squeeze %dma_start3A_32 : memref<1x80x128xf32, #tpu.memory_space<vmem>> -> memref<80x128xf32, #tpu.memory_space<vmem>>
      %dma_start3A_34 = arith.constant 0 : i32
      %dma_start3A_35 = arith.constant 0 : i32
      %dma_start3A_36 = tpu.memref_slice %arg2[%dma_start3A_34, %dma_start3A_35] : memref<10000x128xf32, #tpu.memory_space<hbm>> -> memref<10000x128xf32, #tpu.memory_space<hbm>>
      tpu.enqueue_indirect_dma source(%dma_start3A_36 : memref<10000x128xf32, #tpu.memory_space<hbm>>) target(%dma_start3A_33 : memref<80x128xf32, #tpu.memory_space<vmem>>) offsets(%arg8 : memref<80xi32, #tpu.memory_space<vmem>>) semaphore(%arg14 : memref<!tpu.dma_semaphore, #tpu.memory_space<semaphore_mem>>)
      %dma_wait3A = arith.constant 0 : i32
      %dma_wait3A_37 = arith.constant 0 : i32
      %dma_wait3A_38 = arith.constant 0 : i32
      %dma_wait3A_39 = tpu.memref_slice %arg11[%dma_wait3A, %dma_wait3A_37, %dma_wait3A_38] : memref<2x80x128xf32, #tpu.memory_space<vmem>> -> memref<1x80x128xf32, #tpu.memory_space<vmem>>
      %dma_wait3A_40 = tpu.memref_squeeze %dma_wait3A_39 : memref<1x80x128xf32, #tpu.memory_space<vmem>> -> memref<80x128xf32, #tpu.memory_space<vmem>>
      %dma_wait3A_41 = arith.constant 0 : i32
      %dma_wait3A_42 = arith.constant 0 : i32
      %dma_wait3A_43 = tpu.memref_slice %arg2[%dma_wait3A_41, %dma_wait3A_42] : memref<10000x128xf32, #tpu.memory_space<hbm>> -> memref<10000x128xf32, #tpu.memory_space<hbm>>
      tpu.wait_indirect_dma semaphore(%arg13 : memref<!tpu.dma_semaphore, #tpu.memory_space<semaphore_mem>>) src(%dma_wait3A_43 : memref<10000x128xf32, #tpu.memory_space<hbm>>) dst(%dma_wait3A_40 : memref<80x128xf32, #tpu.memory_space<vmem>>)
      %run_scoped3A = arith.constant 0 : i32
      "tpu.region"() ({
        %run_scoped3A_54 = tpu.sem_alloc : memref<!tpu.dma_semaphore, #tpu.memory_space<semaphore_mem>>
        %dma_start3A_55 = arith.constant 0 : i32
        %dma_start3A_56 = arith.constant 0 : i32
        %dma_start3A_57 = tpu.memref_slice %arg11[%run_scoped3A, %dma_start3A_55, %dma_start3A_56] : memref<2x80x128xf32, #tpu.memory_space<vmem>> -> memref<1x80x128xf32, #tpu.memory_space<vmem>>
        %dma_start3A_58 = tpu.memref_squeeze %dma_start3A_57 : memref<1x80x128xf32, #tpu.memory_space<vmem>> -> memref<80x128xf32, #tpu.memory_space<vmem>>
        %dma_start3A_59 = arith.constant 0 : i32
        %dma_start3A_60 = arith.constant 0 : i32
        %dma_start3A_61 = tpu.memref_slice %arg12[%dma_start3A_59, %dma_start3A_60] : memref<10240x128xf32, #tpu.memory_space<vmem_shared>> -> memref<10240x128xf32, #tpu.memory_space<vmem_shared>>
        tpu.enqueue_indirect_dma source(%dma_start3A_58 : memref<80x128xf32, #tpu.memory_space<vmem>>) target(%dma_start3A_61 : memref<10240x128xf32, #tpu.memory_space<vmem_shared>>) offsets(%arg9 : memref<80xi32, #tpu.memory_space<vmem>>) semaphore(%run_scoped3A_54 : memref<!tpu.dma_semaphore, #tpu.memory_space<semaphore_mem>>) {add = true}
        %dma_wait3A_62 = arith.constant 0 : i32
        %dma_wait3A_63 = arith.constant 0 : i32
        %dma_wait3A_64 = tpu.memref_slice %arg11[%run_scoped3A, %dma_wait3A_62, %dma_wait3A_63] : memref<2x80x128xf32, #tpu.memory_space<vmem>> -> memref<1x80x128xf32, #tpu.memory_space<vmem>>
        %dma_wait3A_65 = tpu.memref_squeeze %dma_wait3A_64 : memref<1x80x128xf32, #tpu.memory_space<vmem>> -> memref<80x128xf32, #tpu.memory_space<vmem>>
        %dma_wait3A_66 = arith.constant 0 : i32
        %dma_wait3A_67 = arith.constant 0 : i32
        %dma_wait3A_68 = tpu.memref_slice %arg12[%dma_wait3A_66, %dma_wait3A_67] : memref<10240x128xf32, #tpu.memory_space<vmem_shared>> -> memref<10240x128xf32, #tpu.memory_space<vmem_shared>>
        tpu.wait_indirect_dma semaphore(%run_scoped3A_54 : memref<!tpu.dma_semaphore, #tpu.memory_space<semaphore_mem>>) src(%dma_wait3A_65 : memref<80x128xf32, #tpu.memory_space<vmem>>) dst(%dma_wait3A_68 : memref<10240x128xf32, #tpu.memory_space<vmem_shared>>)
        tpu.yield
      }) : () -> ()
      %dma_wait3A_44 = arith.constant 1 : i32
      %dma_wait3A_45 = arith.constant 0 : i32
      %dma_wait3A_46 = arith.constant 0 : i32
      %dma_wait3A_47 = tpu.memref_slice %arg11[%dma_wait3A_44, %dma_wait3A_45, %dma_wait3A_46] : memref<2x80x128xf32, #tpu.memory_space<vmem>> -> memref<1x80x128xf32, #tpu.memory_space<vmem>>
      %dma_wait3A_48 = tpu.memref_squeeze %dma_wait3A_47 : memref<1x80x128xf32, #tpu.memory_space<vmem>> -> memref<80x128xf32, #tpu.memory_space<vmem>>
      %dma_wait3A_49 = arith.constant 0 : i32
      %dma_wait3A_50 = arith.constant 0 : i32
      %dma_wait3A_51 = tpu.memref_slice %arg2[%dma_wait3A_49, %dma_wait3A_50] : memref<10000x128xf32, #tpu.memory_space<hbm>> -> memref<10000x128xf32, #tpu.memory_space<hbm>>
      tpu.wait_indirect_dma semaphore(%arg14 : memref<!tpu.dma_semaphore, #tpu.memory_space<semaphore_mem>>) src(%dma_wait3A_51 : memref<10000x128xf32, #tpu.memory_space<hbm>>) dst(%dma_wait3A_48 : memref<80x128xf32, #tpu.memory_space<vmem>>)
      %run_scoped3A_52 = arith.constant 1 : i32
      "tpu.region"() ({
        %run_scoped3A_54 = tpu.sem_alloc : memref<!tpu.dma_semaphore, #tpu.memory_space<semaphore_mem>>
        %dma_start3A_55 = arith.constant 0 : i32
        %dma_start3A_56 = arith.constant 0 : i32
        %dma_start3A_57 = tpu.memref_slice %arg11[%run_scoped3A_52, %dma_start3A_55, %dma_start3A_56] : memref<2x80x128xf32, #tpu.memory_space<vmem>> -> memref<1x80x128xf32, #tpu.memory_space<vmem>>
        %dma_start3A_58 = tpu.memref_squeeze %dma_start3A_57 : memref<1x80x128xf32, #tpu.memory_space<vmem>> -> memref<80x128xf32, #tpu.memory_space<vmem>>
        %dma_start3A_59 = arith.constant 0 : i32
        %dma_start3A_60 = arith.constant 0 : i32
        %dma_start3A_61 = tpu.memref_slice %arg12[%dma_start3A_59, %dma_start3A_60] : memref<10240x128xf32, #tpu.memory_space<vmem_shared>> -> memref<10240x128xf32, #tpu.memory_space<vmem_shared>>
        tpu.enqueue_indirect_dma source(%dma_start3A_58 : memref<80x128xf32, #tpu.memory_space<vmem>>) target(%dma_start3A_61 : memref<10240x128xf32, #tpu.memory_space<vmem_shared>>) offsets(%arg10 : memref<80xi32, #tpu.memory_space<vmem>>) semaphore(%run_scoped3A_54 : memref<!tpu.dma_semaphore, #tpu.memory_space<semaphore_mem>>) {add = true}
        %dma_wait3A_62 = arith.constant 0 : i32
        %dma_wait3A_63 = arith.constant 0 : i32
        %dma_wait3A_64 = tpu.memref_slice %arg11[%run_scoped3A_52, %dma_wait3A_62, %dma_wait3A_63] : memref<2x80x128xf32, #tpu.memory_space<vmem>> -> memref<1x80x128xf32, #tpu.memory_space<vmem>>
        %dma_wait3A_65 = tpu.memref_squeeze %dma_wait3A_64 : memref<1x80x128xf32, #tpu.memory_space<vmem>> -> memref<80x128xf32, #tpu.memory_space<vmem>>
        %dma_wait3A_66 = arith.constant 0 : i32
        %dma_wait3A_67 = arith.constant 0 : i32
        %dma_wait3A_68 = tpu.memref_slice %arg12[%dma_wait3A_66, %dma_wait3A_67] : memref<10240x128xf32, #tpu.memory_space<vmem_shared>> -> memref<10240x128xf32, #tpu.memory_space<vmem_shared>>
        tpu.wait_indirect_dma semaphore(%run_scoped3A_54 : memref<!tpu.dma_semaphore, #tpu.memory_space<semaphore_mem>>) src(%dma_wait3A_65 : memref<80x128xf32, #tpu.memory_space<vmem>>) dst(%dma_wait3A_68 : memref<10240x128xf32, #tpu.memory_space<vmem_shared>>)
        tpu.yield
      }) : () -> ()
      %scan3A_53 = arith.constant 0 : i32
      scf.yield %scan3A_53 : i32
    }
    %scan3A_8 = arith.constant 64 : i32
    %barrier3A_9 = arith.constant 0 : index
    tpu.barrier barrier_id(%barrier3A_9)
    %mul3A_10 = arith.constant 640 : i32
    %mul3A_11 = arith.muli %arg1, %mul3A_10 : i32
    %mul3A_12 = arith.constant 640 : i32
    %mul3A_13 = arith.muli %arg1, %mul3A_12 : i32
    "tpu.region"() ({
      %run_scoped3A = tpu.sem_alloc : memref<!tpu.dma_semaphore, #tpu.memory_space<semaphore_mem>>
      %dma_start3A = arith.constant 0 : i32
      %dma_start3A_14 = tpu.memref_slice %arg6[%arg0, %mul3A_13, %dma_start3A] : memref<2x10240x128xf32, #tpu.memory_space<hbm>> -> memref<1x640x128xf32, #tpu.memory_space<hbm>>
      %dma_start3A_15 = tpu.memref_squeeze %dma_start3A_14 : memref<1x640x128xf32, #tpu.memory_space<hbm>> -> memref<640x128xf32, #tpu.memory_space<hbm>>
      %dma_start3A_16 = arith.constant 0 : i32
      %dma_start3A_17 = tpu.memref_slice %arg12[%mul3A_11, %dma_start3A_16] : memref<10240x128xf32, #tpu.memory_space<vmem_shared>> -> memref<640x128xf32, #tpu.memory_space<vmem_shared>>
      tpu.enqueue_dma source(%dma_start3A_17 : memref<640x128xf32, #tpu.memory_space<vmem_shared>>) target(%dma_start3A_15 : memref<640x128xf32, #tpu.memory_space<hbm>>) target_semaphore(%run_scoped3A : memref<!tpu.dma_semaphore, #tpu.memory_space<semaphore_mem>>)
      %dma_wait3A = arith.constant 0 : i32
      %dma_wait3A_18 = tpu.memref_slice %arg6[%arg0, %mul3A_13, %dma_wait3A] : memref<2x10240x128xf32, #tpu.memory_space<hbm>> -> memref<1x640x128xf32, #tpu.memory_space<hbm>>
      %dma_wait3A_19 = tpu.memref_squeeze %dma_wait3A_18 : memref<1x640x128xf32, #tpu.memory_space<hbm>> -> memref<640x128xf32, #tpu.memory_space<hbm>>
      %dma_wait3A_20 = arith.constant 0 : i32
      %dma_wait3A_21 = tpu.memref_slice %arg12[%mul3A_11, %dma_wait3A_20] : memref<10240x128xf32, #tpu.memory_space<vmem_shared>> -> memref<640x128xf32, #tpu.memory_space<vmem_shared>>
      tpu.wait_dma2 semaphore(%run_scoped3A : memref<!tpu.dma_semaphore, #tpu.memory_space<semaphore_mem>>) src(%dma_wait3A_21 : memref<640x128xf32, #tpu.memory_space<vmem_shared>>) dst(%dma_wait3A_19 : memref<640x128xf32, #tpu.memory_space<hbm>>)
      tpu.yield
    }) : () -> ()
    return
  }
}

#map = affine_map<(d0, d1) -> (0, 0)>
#map1 = affine_map<(d0, d1) -> (0, 0, 0)>
module attributes {stable_mosaic.version = 14 : i64} {
  func.func @_agg_kernel(%arg0: i32, %arg1: i32, %arg2: memref<10000x128xf32, #tpu.memory_space<hbm>>, %arg3: memref<32x128x80xi32, #tpu.memory_space<hbm>>, %arg4: memref<32x128x80xi32, #tpu.memory_space<hbm>>, %arg5: memref<16x640x128xf32, #tpu.memory_space<hbm>>, %arg6: memref<2x10240x128xf32, #tpu.memory_space<hbm>>, %arg7: memref<80xi32, #tpu.memory_space<vmem>>, %arg8: memref<80xi32, #tpu.memory_space<vmem>>, %arg9: memref<80xi32, #tpu.memory_space<vmem>>, %arg10: memref<80xi32, #tpu.memory_space<vmem>>, %arg11: memref<2x80x128xf32, #tpu.memory_space<vmem>>, %arg12: memref<10240x128xf32, #tpu.memory_space<vmem_shared>>, %arg13: memref<!tpu.dma_semaphore, #tpu.memory_space<semaphore_mem>>, %arg14: memref<!tpu.dma_semaphore, #tpu.memory_space<semaphore_mem>>) attributes {dimension_semantics = [#tpu.dimension_semantics<core_parallel>, #tpu.dimension_semantics<subcore_parallel>], iteration_bounds = array<i64: 2, 16>, scalar_prefetch = 0 : i64, scratch_operands = 8 : i64, tpu.core_type = #tpu.core_type<sc_vector_subcore>, window_params = [{transform_indices = #map}, {transform_indices = #map1}, {transform_indices = #map1}, {transform_indices = #map1}, {transform_indices = #map1}]} {
    %mul3A = arith.constant 16 : i32
    %mul3A_0 = arith.muli %arg0, %mul3A : i32
    %add3A = arith.addi %mul3A_0, %arg1 : i32
    %mul3A_1 = arith.constant 640 : i32
    %mul3A_2 = arith.muli %arg1, %mul3A_1 : i32
    "tpu.region"() ({
      %run_scoped3A = tpu.sem_alloc : memref<!tpu.dma_semaphore, #tpu.memory_space<semaphore_mem>>
      %dma_start3A = arith.constant 0 : i32
      %dma_start3A_14 = tpu.memref_slice %arg12[%mul3A_2, %dma_start3A] : memref<10240x128xf32, #tpu.memory_space<vmem_shared>> -> memref<640x128xf32, #tpu.memory_space<vmem_shared>>
      %dma_start3A_15 = arith.constant 0 : i32
      %dma_start3A_16 = arith.constant 0 : i32
      %dma_start3A_17 = tpu.memref_slice %arg5[%arg1, %dma_start3A_15, %dma_start3A_16] : memref<16x640x128xf32, #tpu.memory_space<hbm>> -> memref<1x640x128xf32, #tpu.memory_space<hbm>>
      %dma_start3A_18 = tpu.memref_squeeze %dma_start3A_17 : memref<1x640x128xf32, #tpu.memory_space<hbm>> -> memref<640x128xf32, #tpu.memory_space<hbm>>
      tpu.enqueue_dma source(%dma_start3A_18 : memref<640x128xf32, #tpu.memory_space<hbm>>) target(%dma_start3A_14 : memref<640x128xf32, #tpu.memory_space<vmem_shared>>) target_semaphore(%run_scoped3A : memref<!tpu.dma_semaphore, #tpu.memory_space<semaphore_mem>>)
      %dma_wait3A = arith.constant 0 : i32
      %dma_wait3A_19 = tpu.memref_slice %arg12[%mul3A_2, %dma_wait3A] : memref<10240x128xf32, #tpu.memory_space<vmem_shared>> -> memref<640x128xf32, #tpu.memory_space<vmem_shared>>
      %dma_wait3A_20 = arith.constant 0 : i32
      %dma_wait3A_21 = arith.constant 0 : i32
      %dma_wait3A_22 = tpu.memref_slice %arg5[%arg1, %dma_wait3A_20, %dma_wait3A_21] : memref<16x640x128xf32, #tpu.memory_space<hbm>> -> memref<1x640x128xf32, #tpu.memory_space<hbm>>
      %dma_wait3A_23 = tpu.memref_squeeze %dma_wait3A_22 : memref<1x640x128xf32, #tpu.memory_space<hbm>> -> memref<640x128xf32, #tpu.memory_space<hbm>>
      tpu.wait_dma2 semaphore(%run_scoped3A : memref<!tpu.dma_semaphore, #tpu.memory_space<semaphore_mem>>) src(%dma_wait3A_23 : memref<640x128xf32, #tpu.memory_space<hbm>>) dst(%dma_wait3A_19 : memref<640x128xf32, #tpu.memory_space<vmem_shared>>)
      tpu.yield
    }) : () -> ()
    %barrier3A = arith.constant 0 : index
    tpu.barrier barrier_id(%barrier3A)
    %scan3A = arith.constant 0 : i32
    %scan3A_3 = arith.constant 0 : i32
    %scan3A_4 = arith.constant 64 : i32
    %scan3A_5 = arith.addi %scan3A_3, %scan3A_4 : i32
    %scan3A_6 = arith.constant 1 : i32
    %scan3A_7 = scf.for %scan3A_14 = %scan3A_3 to %scan3A_5 step %scan3A_6 iter_args(%scan3A_15 = %scan3A) -> (i32)  : i32 {
      %mul3A_16 = arith.constant 2 : i32
      %mul3A_17 = arith.muli %mul3A_16, %scan3A_14 : i32
      "tpu.region"() ({
        %run_scoped3A_54 = tpu.sem_alloc : memref<!tpu.dma_semaphore, #tpu.memory_space<semaphore_mem>>
        %dma_start3A_55 = arith.constant 0 : i32
        %dma_start3A_56 = tpu.memref_slice %arg3[%add3A, %mul3A_17, %dma_start3A_55] : memref<32x128x80xi32, #tpu.memory_space<hbm>> -> memref<1x1x80xi32, #tpu.memory_space<hbm>>
        %dma_start3A_57 = tpu.memref_squeeze %dma_start3A_56 : memref<1x1x80xi32, #tpu.memory_space<hbm>> -> memref<80xi32, #tpu.memory_space<hbm>>
        %dma_start3A_58 = arith.constant 0 : i32
        %dma_start3A_59 = tpu.memref_slice %arg3[%add3A, %mul3A_17, %dma_start3A_58] : memref<32x128x80xi32, #tpu.memory_space<hbm>> -> memref<1x1x80xi32, #tpu.memory_space<hbm>>
        %dma_start3A_60 = tpu.memref_squeeze %dma_start3A_59 : memref<1x1x80xi32, #tpu.memory_space<hbm>> -> memref<80xi32, #tpu.memory_space<hbm>>
        tpu.enqueue_dma source(%dma_start3A_60 : memref<80xi32, #tpu.memory_space<hbm>>) target(%arg7 : memref<80xi32, #tpu.memory_space<vmem>>) target_semaphore(%run_scoped3A_54 : memref<!tpu.dma_semaphore, #tpu.memory_space<semaphore_mem>>)
        %dma_wait3A_61 = arith.constant 0 : i32
        %dma_wait3A_62 = tpu.memref_slice %arg3[%add3A, %mul3A_17, %dma_wait3A_61] : memref<32x128x80xi32, #tpu.memory_space<hbm>> -> memref<1x1x80xi32, #tpu.memory_space<hbm>>
        %dma_wait3A_63 = tpu.memref_squeeze %dma_wait3A_62 : memref<1x1x80xi32, #tpu.memory_space<hbm>> -> memref<80xi32, #tpu.memory_space<hbm>>
        %dma_wait3A_64 = arith.constant 0 : i32
        %dma_wait3A_65 = tpu.memref_slice %arg3[%add3A, %mul3A_17, %dma_wait3A_64] : memref<32x128x80xi32, #tpu.memory_space<hbm>> -> memref<1x1x80xi32, #tpu.memory_space<hbm>>
        %dma_wait3A_66 = tpu.memref_squeeze %dma_wait3A_65 : memref<1x1x80xi32, #tpu.memory_space<hbm>> -> memref<80xi32, #tpu.memory_space<hbm>>
        tpu.wait_dma2 semaphore(%run_scoped3A_54 : memref<!tpu.dma_semaphore, #tpu.memory_space<semaphore_mem>>) src(%dma_wait3A_66 : memref<80xi32, #tpu.memory_space<hbm>>) dst(%arg7 : memref<80xi32, #tpu.memory_space<vmem>>)
        tpu.yield
      }) : () -> ()
      "tpu.region"() ({
        %run_scoped3A_54 = tpu.sem_alloc : memref<!tpu.dma_semaphore, #tpu.memory_space<semaphore_mem>>
        %dma_start3A_55 = arith.constant 0 : i32
        %dma_start3A_56 = tpu.memref_slice %arg4[%add3A, %mul3A_17, %dma_start3A_55] : memref<32x128x80xi32, #tpu.memory_space<hbm>> -> memref<1x1x80xi32, #tpu.memory_space<hbm>>
        %dma_start3A_57 = tpu.memref_squeeze %dma_start3A_56 : memref<1x1x80xi32, #tpu.memory_space<hbm>> -> memref<80xi32, #tpu.memory_space<hbm>>
        %dma_start3A_58 = arith.constant 0 : i32
        %dma_start3A_59 = tpu.memref_slice %arg4[%add3A, %mul3A_17, %dma_start3A_58] : memref<32x128x80xi32, #tpu.memory_space<hbm>> -> memref<1x1x80xi32, #tpu.memory_space<hbm>>
        %dma_start3A_60 = tpu.memref_squeeze %dma_start3A_59 : memref<1x1x80xi32, #tpu.memory_space<hbm>> -> memref<80xi32, #tpu.memory_space<hbm>>
        tpu.enqueue_dma source(%dma_start3A_60 : memref<80xi32, #tpu.memory_space<hbm>>) target(%arg9 : memref<80xi32, #tpu.memory_space<vmem>>) target_semaphore(%run_scoped3A_54 : memref<!tpu.dma_semaphore, #tpu.memory_space<semaphore_mem>>)
        %dma_wait3A_61 = arith.constant 0 : i32
        %dma_wait3A_62 = tpu.memref_slice %arg4[%add3A, %mul3A_17, %dma_wait3A_61] : memref<32x128x80xi32, #tpu.memory_space<hbm>> -> memref<1x1x80xi32, #tpu.memory_space<hbm>>
        %dma_wait3A_63 = tpu.memref_squeeze %dma_wait3A_62 : memref<1x1x80xi32, #tpu.memory_space<hbm>> -> memref<80xi32, #tpu.memory_space<hbm>>
        %dma_wait3A_64 = arith.constant 0 : i32
        %dma_wait3A_65 = tpu.memref_slice %arg4[%add3A, %mul3A_17, %dma_wait3A_64] : memref<32x128x80xi32, #tpu.memory_space<hbm>> -> memref<1x1x80xi32, #tpu.memory_space<hbm>>
        %dma_wait3A_66 = tpu.memref_squeeze %dma_wait3A_65 : memref<1x1x80xi32, #tpu.memory_space<hbm>> -> memref<80xi32, #tpu.memory_space<hbm>>
        tpu.wait_dma2 semaphore(%run_scoped3A_54 : memref<!tpu.dma_semaphore, #tpu.memory_space<semaphore_mem>>) src(%dma_wait3A_66 : memref<80xi32, #tpu.memory_space<hbm>>) dst(%arg9 : memref<80xi32, #tpu.memory_space<vmem>>)
        tpu.yield
      }) : () -> ()
      %dma_start3A = arith.constant 0 : i32
      %dma_start3A_18 = arith.constant 0 : i32
      %dma_start3A_19 = arith.constant 0 : i32
      %dma_start3A_20 = tpu.memref_slice %arg11[%dma_start3A, %dma_start3A_18, %dma_start3A_19] : memref<2x80x128xf32, #tpu.memory_space<vmem>> -> memref<1x80x128xf32, #tpu.memory_space<vmem>>
      %dma_start3A_21 = tpu.memref_squeeze %dma_start3A_20 : memref<1x80x128xf32, #tpu.memory_space<vmem>> -> memref<80x128xf32, #tpu.memory_space<vmem>>
      %dma_start3A_22 = arith.constant 0 : i32
      %dma_start3A_23 = arith.constant 0 : i32
      %dma_start3A_24 = tpu.memref_slice %arg2[%dma_start3A_22, %dma_start3A_23] : memref<10000x128xf32, #tpu.memory_space<hbm>> -> memref<10000x128xf32, #tpu.memory_space<hbm>>
      tpu.enqueue_indirect_dma source(%dma_start3A_24 : memref<10000x128xf32, #tpu.memory_space<hbm>>) target(%dma_start3A_21 : memref<80x128xf32, #tpu.memory_space<vmem>>) offsets(%arg7 : memref<80xi32, #tpu.memory_space<vmem>>) semaphore(%arg13 : memref<!tpu.dma_semaphore, #tpu.memory_space<semaphore_mem>>)
      %add3A_25 = arith.constant 1 : i32
      %add3A_26 = arith.addi %mul3A_17, %add3A_25 : i32
      "tpu.region"() ({
        %run_scoped3A_54 = tpu.sem_alloc : memref<!tpu.dma_semaphore, #tpu.memory_space<semaphore_mem>>
        %dma_start3A_55 = arith.constant 0 : i32
        %dma_start3A_56 = tpu.memref_slice %arg3[%add3A, %add3A_26, %dma_start3A_55] : memref<32x128x80xi32, #tpu.memory_space<hbm>> -> memref<1x1x80xi32, #tpu.memory_space<hbm>>
        %dma_start3A_57 = tpu.memref_squeeze %dma_start3A_56 : memref<1x1x80xi32, #tpu.memory_space<hbm>> -> memref<80xi32, #tpu.memory_space<hbm>>
        %dma_start3A_58 = arith.constant 0 : i32
        %dma_start3A_59 = tpu.memref_slice %arg3[%add3A, %add3A_26, %dma_start3A_58] : memref<32x128x80xi32, #tpu.memory_space<hbm>> -> memref<1x1x80xi32, #tpu.memory_space<hbm>>
        %dma_start3A_60 = tpu.memref_squeeze %dma_start3A_59 : memref<1x1x80xi32, #tpu.memory_space<hbm>> -> memref<80xi32, #tpu.memory_space<hbm>>
        tpu.enqueue_dma source(%dma_start3A_60 : memref<80xi32, #tpu.memory_space<hbm>>) target(%arg8 : memref<80xi32, #tpu.memory_space<vmem>>) target_semaphore(%run_scoped3A_54 : memref<!tpu.dma_semaphore, #tpu.memory_space<semaphore_mem>>)
        %dma_wait3A_61 = arith.constant 0 : i32
        %dma_wait3A_62 = tpu.memref_slice %arg3[%add3A, %add3A_26, %dma_wait3A_61] : memref<32x128x80xi32, #tpu.memory_space<hbm>> -> memref<1x1x80xi32, #tpu.memory_space<hbm>>
        %dma_wait3A_63 = tpu.memref_squeeze %dma_wait3A_62 : memref<1x1x80xi32, #tpu.memory_space<hbm>> -> memref<80xi32, #tpu.memory_space<hbm>>
        %dma_wait3A_64 = arith.constant 0 : i32
        %dma_wait3A_65 = tpu.memref_slice %arg3[%add3A, %add3A_26, %dma_wait3A_64] : memref<32x128x80xi32, #tpu.memory_space<hbm>> -> memref<1x1x80xi32, #tpu.memory_space<hbm>>
        %dma_wait3A_66 = tpu.memref_squeeze %dma_wait3A_65 : memref<1x1x80xi32, #tpu.memory_space<hbm>> -> memref<80xi32, #tpu.memory_space<hbm>>
        tpu.wait_dma2 semaphore(%run_scoped3A_54 : memref<!tpu.dma_semaphore, #tpu.memory_space<semaphore_mem>>) src(%dma_wait3A_66 : memref<80xi32, #tpu.memory_space<hbm>>) dst(%arg8 : memref<80xi32, #tpu.memory_space<vmem>>)
        tpu.yield
      }) : () -> ()
      %add3A_27 = arith.constant 1 : i32
      %add3A_28 = arith.addi %mul3A_17, %add3A_27 : i32
      "tpu.region"() ({
        %run_scoped3A_54 = tpu.sem_alloc : memref<!tpu.dma_semaphore, #tpu.memory_space<semaphore_mem>>
        %dma_start3A_55 = arith.constant 0 : i32
        %dma_start3A_56 = tpu.memref_slice %arg4[%add3A, %add3A_28, %dma_start3A_55] : memref<32x128x80xi32, #tpu.memory_space<hbm>> -> memref<1x1x80xi32, #tpu.memory_space<hbm>>
        %dma_start3A_57 = tpu.memref_squeeze %dma_start3A_56 : memref<1x1x80xi32, #tpu.memory_space<hbm>> -> memref<80xi32, #tpu.memory_space<hbm>>
        %dma_start3A_58 = arith.constant 0 : i32
        %dma_start3A_59 = tpu.memref_slice %arg4[%add3A, %add3A_28, %dma_start3A_58] : memref<32x128x80xi32, #tpu.memory_space<hbm>> -> memref<1x1x80xi32, #tpu.memory_space<hbm>>
        %dma_start3A_60 = tpu.memref_squeeze %dma_start3A_59 : memref<1x1x80xi32, #tpu.memory_space<hbm>> -> memref<80xi32, #tpu.memory_space<hbm>>
        tpu.enqueue_dma source(%dma_start3A_60 : memref<80xi32, #tpu.memory_space<hbm>>) target(%arg10 : memref<80xi32, #tpu.memory_space<vmem>>) target_semaphore(%run_scoped3A_54 : memref<!tpu.dma_semaphore, #tpu.memory_space<semaphore_mem>>)
        %dma_wait3A_61 = arith.constant 0 : i32
        %dma_wait3A_62 = tpu.memref_slice %arg4[%add3A, %add3A_28, %dma_wait3A_61] : memref<32x128x80xi32, #tpu.memory_space<hbm>> -> memref<1x1x80xi32, #tpu.memory_space<hbm>>
        %dma_wait3A_63 = tpu.memref_squeeze %dma_wait3A_62 : memref<1x1x80xi32, #tpu.memory_space<hbm>> -> memref<80xi32, #tpu.memory_space<hbm>>
        %dma_wait3A_64 = arith.constant 0 : i32
        %dma_wait3A_65 = tpu.memref_slice %arg4[%add3A, %add3A_28, %dma_wait3A_64] : memref<32x128x80xi32, #tpu.memory_space<hbm>> -> memref<1x1x80xi32, #tpu.memory_space<hbm>>
        %dma_wait3A_66 = tpu.memref_squeeze %dma_wait3A_65 : memref<1x1x80xi32, #tpu.memory_space<hbm>> -> memref<80xi32, #tpu.memory_space<hbm>>
        tpu.wait_dma2 semaphore(%run_scoped3A_54 : memref<!tpu.dma_semaphore, #tpu.memory_space<semaphore_mem>>) src(%dma_wait3A_66 : memref<80xi32, #tpu.memory_space<hbm>>) dst(%arg10 : memref<80xi32, #tpu.memory_space<vmem>>)
        tpu.yield
      }) : () -> ()
      %dma_start3A_29 = arith.constant 1 : i32
      %dma_start3A_30 = arith.constant 0 : i32
      %dma_start3A_31 = arith.constant 0 : i32
      %dma_start3A_32 = tpu.memref_slice %arg11[%dma_start3A_29, %dma_start3A_30, %dma_start3A_31] : memref<2x80x128xf32, #tpu.memory_space<vmem>> -> memref<1x80x128xf32, #tpu.memory_space<vmem>>
      %dma_start3A_33 = tpu.memref_squeeze %dma_start3A_32 : memref<1x80x128xf32, #tpu.memory_space<vmem>> -> memref<80x128xf32, #tpu.memory_space<vmem>>
      %dma_start3A_34 = arith.constant 0 : i32
      %dma_start3A_35 = arith.constant 0 : i32
      %dma_start3A_36 = tpu.memref_slice %arg2[%dma_start3A_34, %dma_start3A_35] : memref<10000x128xf32, #tpu.memory_space<hbm>> -> memref<10000x128xf32, #tpu.memory_space<hbm>>
      tpu.enqueue_indirect_dma source(%dma_start3A_36 : memref<10000x128xf32, #tpu.memory_space<hbm>>) target(%dma_start3A_33 : memref<80x128xf32, #tpu.memory_space<vmem>>) offsets(%arg8 : memref<80xi32, #tpu.memory_space<vmem>>) semaphore(%arg14 : memref<!tpu.dma_semaphore, #tpu.memory_space<semaphore_mem>>)
      %dma_wait3A = arith.constant 0 : i32
      %dma_wait3A_37 = arith.constant 0 : i32
      %dma_wait3A_38 = arith.constant 0 : i32
      %dma_wait3A_39 = tpu.memref_slice %arg11[%dma_wait3A, %dma_wait3A_37, %dma_wait3A_38] : memref<2x80x128xf32, #tpu.memory_space<vmem>> -> memref<1x80x128xf32, #tpu.memory_space<vmem>>
      %dma_wait3A_40 = tpu.memref_squeeze %dma_wait3A_39 : memref<1x80x128xf32, #tpu.memory_space<vmem>> -> memref<80x128xf32, #tpu.memory_space<vmem>>
      %dma_wait3A_41 = arith.constant 0 : i32
      %dma_wait3A_42 = arith.constant 0 : i32
      %dma_wait3A_43 = tpu.memref_slice %arg2[%dma_wait3A_41, %dma_wait3A_42] : memref<10000x128xf32, #tpu.memory_space<hbm>> -> memref<10000x128xf32, #tpu.memory_space<hbm>>
      tpu.wait_indirect_dma semaphore(%arg13 : memref<!tpu.dma_semaphore, #tpu.memory_space<semaphore_mem>>) src(%dma_wait3A_43 : memref<10000x128xf32, #tpu.memory_space<hbm>>) dst(%dma_wait3A_40 : memref<80x128xf32, #tpu.memory_space<vmem>>)
      %run_scoped3A = arith.constant 0 : i32
      "tpu.region"() ({
        %run_scoped3A_54 = tpu.sem_alloc : memref<!tpu.dma_semaphore, #tpu.memory_space<semaphore_mem>>
        %dma_start3A_55 = arith.constant 0 : i32
        %dma_start3A_56 = arith.constant 0 : i32
        %dma_start3A_57 = tpu.memref_slice %arg11[%run_scoped3A, %dma_start3A_55, %dma_start3A_56] : memref<2x80x128xf32, #tpu.memory_space<vmem>> -> memref<1x80x128xf32, #tpu.memory_space<vmem>>
        %dma_start3A_58 = tpu.memref_squeeze %dma_start3A_57 : memref<1x80x128xf32, #tpu.memory_space<vmem>> -> memref<80x128xf32, #tpu.memory_space<vmem>>
        %dma_start3A_59 = arith.constant 0 : i32
        %dma_start3A_60 = arith.constant 0 : i32
        %dma_start3A_61 = tpu.memref_slice %arg12[%dma_start3A_59, %dma_start3A_60] : memref<10240x128xf32, #tpu.memory_space<vmem_shared>> -> memref<10240x128xf32, #tpu.memory_space<vmem_shared>>
        tpu.enqueue_indirect_dma source(%dma_start3A_58 : memref<80x128xf32, #tpu.memory_space<vmem>>) target(%dma_start3A_61 : memref<10240x128xf32, #tpu.memory_space<vmem_shared>>) offsets(%arg9 : memref<80xi32, #tpu.memory_space<vmem>>) semaphore(%run_scoped3A_54 : memref<!tpu.dma_semaphore, #tpu.memory_space<semaphore_mem>>) {add = true}
        %dma_wait3A_62 = arith.constant 0 : i32
        %dma_wait3A_63 = arith.constant 0 : i32
        %dma_wait3A_64 = tpu.memref_slice %arg11[%run_scoped3A, %dma_wait3A_62, %dma_wait3A_63] : memref<2x80x128xf32, #tpu.memory_space<vmem>> -> memref<1x80x128xf32, #tpu.memory_space<vmem>>
        %dma_wait3A_65 = tpu.memref_squeeze %dma_wait3A_64 : memref<1x80x128xf32, #tpu.memory_space<vmem>> -> memref<80x128xf32, #tpu.memory_space<vmem>>
        %dma_wait3A_66 = arith.constant 0 : i32
        %dma_wait3A_67 = arith.constant 0 : i32
        %dma_wait3A_68 = tpu.memref_slice %arg12[%dma_wait3A_66, %dma_wait3A_67] : memref<10240x128xf32, #tpu.memory_space<vmem_shared>> -> memref<10240x128xf32, #tpu.memory_space<vmem_shared>>
        tpu.wait_indirect_dma semaphore(%run_scoped3A_54 : memref<!tpu.dma_semaphore, #tpu.memory_space<semaphore_mem>>) src(%dma_wait3A_65 : memref<80x128xf32, #tpu.memory_space<vmem>>) dst(%dma_wait3A_68 : memref<10240x128xf32, #tpu.memory_space<vmem_shared>>)
        tpu.yield
      }) : () -> ()
      %dma_wait3A_44 = arith.constant 1 : i32
      %dma_wait3A_45 = arith.constant 0 : i32
      %dma_wait3A_46 = arith.constant 0 : i32
      %dma_wait3A_47 = tpu.memref_slice %arg11[%dma_wait3A_44, %dma_wait3A_45, %dma_wait3A_46] : memref<2x80x128xf32, #tpu.memory_space<vmem>> -> memref<1x80x128xf32, #tpu.memory_space<vmem>>
      %dma_wait3A_48 = tpu.memref_squeeze %dma_wait3A_47 : memref<1x80x128xf32, #tpu.memory_space<vmem>> -> memref<80x128xf32, #tpu.memory_space<vmem>>
      %dma_wait3A_49 = arith.constant 0 : i32
      %dma_wait3A_50 = arith.constant 0 : i32
      %dma_wait3A_51 = tpu.memref_slice %arg2[%dma_wait3A_49, %dma_wait3A_50] : memref<10000x128xf32, #tpu.memory_space<hbm>> -> memref<10000x128xf32, #tpu.memory_space<hbm>>
      tpu.wait_indirect_dma semaphore(%arg14 : memref<!tpu.dma_semaphore, #tpu.memory_space<semaphore_mem>>) src(%dma_wait3A_51 : memref<10000x128xf32, #tpu.memory_space<hbm>>) dst(%dma_wait3A_48 : memref<80x128xf32, #tpu.memory_space<vmem>>)
      %run_scoped3A_52 = arith.constant 1 : i32
      "tpu.region"() ({
        %run_scoped3A_54 = tpu.sem_alloc : memref<!tpu.dma_semaphore, #tpu.memory_space<semaphore_mem>>
        %dma_start3A_55 = arith.constant 0 : i32
        %dma_start3A_56 = arith.constant 0 : i32
        %dma_start3A_57 = tpu.memref_slice %arg11[%run_scoped3A_52, %dma_start3A_55, %dma_start3A_56] : memref<2x80x128xf32, #tpu.memory_space<vmem>> -> memref<1x80x128xf32, #tpu.memory_space<vmem>>
        %dma_start3A_58 = tpu.memref_squeeze %dma_start3A_57 : memref<1x80x128xf32, #tpu.memory_space<vmem>> -> memref<80x128xf32, #tpu.memory_space<vmem>>
        %dma_start3A_59 = arith.constant 0 : i32
        %dma_start3A_60 = arith.constant 0 : i32
        %dma_start3A_61 = tpu.memref_slice %arg12[%dma_start3A_59, %dma_start3A_60] : memref<10240x128xf32, #tpu.memory_space<vmem_shared>> -> memref<10240x128xf32, #tpu.memory_space<vmem_shared>>
        tpu.enqueue_indirect_dma source(%dma_start3A_58 : memref<80x128xf32, #tpu.memory_space<vmem>>) target(%dma_start3A_61 : memref<10240x128xf32, #tpu.memory_space<vmem_shared>>) offsets(%arg10 : memref<80xi32, #tpu.memory_space<vmem>>) semaphore(%run_scoped3A_54 : memref<!tpu.dma_semaphore, #tpu.memory_space<semaphore_mem>>) {add = true}
        %dma_wait3A_62 = arith.constant 0 : i32
        %dma_wait3A_63 = arith.constant 0 : i32
        %dma_wait3A_64 = tpu.memref_slice %arg11[%run_scoped3A_52, %dma_wait3A_62, %dma_wait3A_63] : memref<2x80x128xf32, #tpu.memory_space<vmem>> -> memref<1x80x128xf32, #tpu.memory_space<vmem>>
        %dma_wait3A_65 = tpu.memref_squeeze %dma_wait3A_64 : memref<1x80x128xf32, #tpu.memory_space<vmem>> -> memref<80x128xf32, #tpu.memory_space<vmem>>
        %dma_wait3A_66 = arith.constant 0 : i32
        %dma_wait3A_67 = arith.constant 0 : i32
        %dma_wait3A_68 = tpu.memref_slice %arg12[%dma_wait3A_66, %dma_wait3A_67] : memref<10240x128xf32, #tpu.memory_space<vmem_shared>> -> memref<10240x128xf32, #tpu.memory_space<vmem_shared>>
        tpu.wait_indirect_dma semaphore(%run_scoped3A_54 : memref<!tpu.dma_semaphore, #tpu.memory_space<semaphore_mem>>) src(%dma_wait3A_65 : memref<80x128xf32, #tpu.memory_space<vmem>>) dst(%dma_wait3A_68 : memref<10240x128xf32, #tpu.memory_space<vmem_shared>>)
        tpu.yield
      }) : () -> ()
      %scan3A_53 = arith.constant 0 : i32
      scf.yield %scan3A_53 : i32
    }
    %scan3A_8 = arith.constant 64 : i32
    %barrier3A_9 = arith.constant 0 : index
    tpu.barrier barrier_id(%barrier3A_9)
    %mul3A_10 = arith.constant 640 : i32
    %mul3A_11 = arith.muli %arg1, %mul3A_10 : i32
    %mul3A_12 = arith.constant 640 : i32
    %mul3A_13 = arith.muli %arg1, %mul3A_12 : i32
    "tpu.region"() ({
      %run_scoped3A = tpu.sem_alloc : memref<!tpu.dma_semaphore, #tpu.memory_space<semaphore_mem>>
      %dma_start3A = arith.constant 0 : i32
      %dma_start3A_14 = tpu.memref_slice %arg6[%arg0, %mul3A_13, %dma_start3A] : memref<2x10240x128xf32, #tpu.memory_space<hbm>> -> memref<1x640x128xf32, #tpu.memory_space<hbm>>
      %dma_start3A_15 = tpu.memref_squeeze %dma_start3A_14 : memref<1x640x128xf32, #tpu.memory_space<hbm>> -> memref<640x128xf32, #tpu.memory_space<hbm>>
      %dma_start3A_16 = arith.constant 0 : i32
      %dma_start3A_17 = tpu.memref_slice %arg12[%mul3A_11, %dma_start3A_16] : memref<10240x128xf32, #tpu.memory_space<vmem_shared>> -> memref<640x128xf32, #tpu.memory_space<vmem_shared>>
      tpu.enqueue_dma source(%dma_start3A_17 : memref<640x128xf32, #tpu.memory_space<vmem_shared>>) target(%dma_start3A_15 : memref<640x128xf32, #tpu.memory_space<hbm>>) target_semaphore(%run_scoped3A : memref<!tpu.dma_semaphore, #tpu.memory_space<semaphore_mem>>)
      %dma_wait3A = arith.constant 0 : i32
      %dma_wait3A_18 = tpu.memref_slice %arg6[%arg0, %mul3A_13, %dma_wait3A] : memref<2x10240x128xf32, #tpu.memory_space<hbm>> -> memref<1x640x128xf32, #tpu.memory_space<hbm>>
      %dma_wait3A_19 = tpu.memref_squeeze %dma_wait3A_18 : memref<1x640x128xf32, #tpu.memory_space<hbm>> -> memref<640x128xf32, #tpu.memory_space<hbm>>
      %dma_wait3A_20 = arith.constant 0 : i32
      %dma_wait3A_21 = tpu.memref_slice %arg12[%mul3A_11, %dma_wait3A_20] : memref<10240x128xf32, #tpu.memory_space<vmem_shared>> -> memref<640x128xf32, #tpu.memory_space<vmem_shared>>
      tpu.wait_dma2 semaphore(%run_scoped3A : memref<!tpu.dma_semaphore, #tpu.memory_space<semaphore_mem>>) src(%dma_wait3A_21 : memref<640x128xf32, #tpu.memory_space<vmem_shared>>) dst(%dma_wait3A_19 : memref<640x128xf32, #tpu.memory_space<hbm>>)
      tpu.yield
    }) : () -> ()
    return
  }
}

module attributes {stable_mosaic.version = 14 : i64} {
  func.func @_tc_first_body(%arg0: i32, %arg1: memref<2x2000x128xf32, #tpu.memory_space<vmem>>, %arg2: memref<2000x128xf32, #tpu.memory_space<vmem>>, %arg3: memref<128x128xf32, #tpu.memory_space<vmem>>, %arg4: memref<2000x128xf32, #tpu.memory_space<vmem>>, %arg5: memref<2000x128xf32, #tpu.memory_space<vmem>>) attributes {dimension_semantics = [#tpu.dimension_semantics<arbitrary>], iteration_bounds = array<i64: 5>, scalar_prefetch = 0 : i64, scratch_operands = 0 : i64, tpu.core_type = #tpu.core_type<tc>, window_params = [{transform_indices = @transform_0, window_bounds = array<i64: 2, 2000, 128>}, {transform_indices = @transform_1, window_bounds = array<i64: 2000, 128>}, {pipeline_mode = #tpu.pipeline_mode<synchronous>, transform_indices = @transform_2, window_bounds = array<i64: 128, 128>}, {transform_indices = @transform_3, window_bounds = array<i64: 2000, 128>}, {transform_indices = @transform_4, window_bounds = array<i64: 2000, 128>}]} {
    %get3A = arith.constant 0 : index
    %get3A_0 = arith.constant 0 : index
    %get3A_1 = arith.constant 0 : index
    %get3A_2 = vector.load %arg1[%get3A, %get3A_0, %get3A_1] : memref<2x2000x128xf32, #tpu.memory_space<vmem>>, vector<1x2000x128xf32>
    %get3A_3 = vector.shape_cast %get3A_2 : vector<1x2000x128xf32> to vector<2000x128xf32>
    %get3A_4 = arith.constant 1 : index
    %get3A_5 = arith.constant 0 : index
    %get3A_6 = arith.constant 0 : index
    %get3A_7 = vector.load %arg1[%get3A_4, %get3A_5, %get3A_6] : memref<2x2000x128xf32, #tpu.memory_space<vmem>>, vector<1x2000x128xf32>
    %get3A_8 = vector.shape_cast %get3A_7 : vector<1x2000x128xf32> to vector<2000x128xf32>
    %add3A = arith.addf %get3A_3, %get3A_8 : vector<2000x128xf32>
    %reduce_sum3A = arith.constant dense<0.000000e+00> : vector<2000xf32>
    %reduce_sum3A_9 = vector.multi_reduction <add>, %add3A, %reduce_sum3A [1] : vector<2000x128xf32> to vector<2000xf32>
    %broadcast_in_dim3A = vector.shape_cast %reduce_sum3A_9 : vector<2000xf32> to vector<2000x1xf32>
    %mul3A = arith.constant 7.812500e-03 : f32
    %mul3A_10 = vector.broadcast %mul3A : f32 to vector<2000x1xf32>
    %mul3A_11 = arith.mulf %broadcast_in_dim3A, %mul3A_10 : vector<2000x1xf32>
    %add3A_12 = arith.constant 1.000000e+00 : f32
    %add3A_13 = vector.broadcast %add3A_12 : f32 to vector<2000x1xf32>
    %add3A_14 = arith.addf %mul3A_11, %add3A_13 : vector<2000x1xf32>
    %rsqrt3A = math.rsqrt %add3A_14 : vector<2000x1xf32>
    %get3A_15 = arith.constant 0 : index
    %get3A_16 = arith.constant 0 : index
    %get3A_17 = vector.load %arg2[%get3A_15, %get3A_16] : memref<2000x128xf32, #tpu.memory_space<vmem>>, vector<2000x128xf32>
    %get3A_18 = arith.constant 0 : index
    %get3A_19 = arith.constant 0 : index
    %get3A_20 = vector.load %arg3[%get3A_18, %get3A_19] : memref<128x128xf32, #tpu.memory_space<vmem>>, vector<128x128xf32>
    %dot_general3A = arith.constant dense<0.000000e+00> : vector<2000x128xf32>
    %dot_general3A_21 = tpu.matmul %get3A_17, %get3A_20, %dot_general3A {dimension_numbers = #tpu.dot_dimension_numbers<[1], [0], [0], [1], [0, 0, 1, 1], [], []>, precision = #tpu.contract_precision<fp32>, transpose_lhs_hint = false} : vector<2000x128xf32>, vector<128x128xf32>, vector<2000x128xf32> -> vector<2000x128xf32>
    %swap3A = arith.constant 0 : index
    %swap3A_22 = arith.constant 0 : index
    %swap3A_23 = vector.load %arg4[%swap3A, %swap3A_22] : memref<2000x128xf32, #tpu.memory_space<vmem>>, vector<2000x128xf32>
    tpu.vector_store %arg4[%swap3A, %swap3A_22], %dot_general3A_21 {strides = array<i32>} : memref<2000x128xf32, #tpu.memory_space<vmem>>, vector<2000x128xf32>,
    %mul3A_24 = vector.broadcast %rsqrt3A : vector<2000x1xf32> to vector<2000x128xf32>
    %mul3A_25 = arith.mulf %dot_general3A_21, %mul3A_24 : vector<2000x128xf32>
    %swap3A_26 = arith.constant 0 : index
    %swap3A_27 = arith.constant 0 : index
    %swap3A_28 = vector.load %arg5[%swap3A_26, %swap3A_27] : memref<2000x128xf32, #tpu.memory_space<vmem>>, vector<2000x128xf32>
    tpu.vector_store %arg5[%swap3A_26, %swap3A_27], %mul3A_25 {strides = array<i32>} : memref<2000x128xf32, #tpu.memory_space<vmem>>, vector<2000x128xf32>,
    return
  }
  func.func @transform_0(%arg0: i32) -> (i32, i32, i32) {
    %c0_i32 = arith.constant 0 : i32
    %c0_i32_0 = arith.constant 0 : i32
    %c0_i32_1 = arith.constant 0 : i32
    return %c0_i32, %arg0, %c0_i32_0 : i32, i32, i32
  }
  func.func @transform_1(%arg0: i32) -> (i32, i32) {
    %c0_i32 = arith.constant 0 : i32
    %c0_i32_0 = arith.constant 0 : i32
    return %arg0, %c0_i32 : i32, i32
  }
  func.func @transform_2(%arg0: i32) -> (i32, i32) {
    %c0_i32 = arith.constant 0 : i32
    %c0_i32_0 = arith.constant 0 : i32
    %c0_i32_1 = arith.constant 0 : i32
    return %c0_i32, %c0_i32_0 : i32, i32
  }
  func.func @transform_3(%arg0: i32) -> (i32, i32) {
    %c0_i32 = arith.constant 0 : i32
    %c0_i32_0 = arith.constant 0 : i32
    return %arg0, %c0_i32 : i32, i32
  }
  func.func @transform_4(%arg0: i32) -> (i32, i32) {
    %c0_i32 = arith.constant 0 : i32
    %c0_i32_0 = arith.constant 0 : i32
    return %arg0, %c0_i32 : i32, i32
  }
}

module attributes {stable_mosaic.version = 14 : i64} {
  func.func @_tc_mid_body(%arg0: i32, %arg1: memref<2x2000x128xf32, #tpu.memory_space<vmem>>, %arg2: memref<2x2000x128xf32, #tpu.memory_space<vmem>>, %arg3: memref<2000x128xf32, #tpu.memory_space<vmem>>, %arg4: memref<1x128xf32, #tpu.memory_space<vmem>>, %arg5: memref<128x128xf32, #tpu.memory_space<vmem>>, %arg6: memref<2000x128xf32, #tpu.memory_space<vmem>>, %arg7: memref<2000x128xf32, #tpu.memory_space<vmem>>) attributes {dimension_semantics = [#tpu.dimension_semantics<arbitrary>], iteration_bounds = array<i64: 5>, scalar_prefetch = 0 : i64, scratch_operands = 0 : i64, tpu.core_type = #tpu.core_type<tc>, window_params = [{transform_indices = @transform_0, window_bounds = array<i64: 2, 2000, 128>}, {transform_indices = @transform_1, window_bounds = array<i64: 2, 2000, 128>}, {transform_indices = @transform_2, window_bounds = array<i64: 2000, 128>}, {pipeline_mode = #tpu.pipeline_mode<synchronous>, transform_indices = @transform_3, window_bounds = array<i64: 1, 128>}, {pipeline_mode = #tpu.pipeline_mode<synchronous>, transform_indices = @transform_4, window_bounds = array<i64: 128, 128>}, {transform_indices = @transform_5, window_bounds = array<i64: 2000, 128>}, {transform_indices = @transform_6, window_bounds = array<i64: 2000, 128>}]} {
    %get3A = arith.constant 0 : index
    %get3A_0 = arith.constant 0 : index
    %get3A_1 = arith.constant 0 : index
    %get3A_2 = vector.load %arg1[%get3A, %get3A_0, %get3A_1] : memref<2x2000x128xf32, #tpu.memory_space<vmem>>, vector<1x2000x128xf32>
    %get3A_3 = vector.shape_cast %get3A_2 : vector<1x2000x128xf32> to vector<2000x128xf32>
    %get3A_4 = arith.constant 1 : index
    %get3A_5 = arith.constant 0 : index
    %get3A_6 = arith.constant 0 : index
    %get3A_7 = vector.load %arg1[%get3A_4, %get3A_5, %get3A_6] : memref<2x2000x128xf32, #tpu.memory_space<vmem>>, vector<1x2000x128xf32>
    %get3A_8 = vector.shape_cast %get3A_7 : vector<1x2000x128xf32> to vector<2000x128xf32>
    %add3A = arith.addf %get3A_3, %get3A_8 : vector<2000x128xf32>
    %reduce_sum3A = arith.constant dense<0.000000e+00> : vector<2000xf32>
    %reduce_sum3A_9 = vector.multi_reduction <add>, %add3A, %reduce_sum3A [1] : vector<2000x128xf32> to vector<2000xf32>
    %broadcast_in_dim3A = vector.shape_cast %reduce_sum3A_9 : vector<2000xf32> to vector<2000x1xf32>
    %mul3A = arith.constant 7.812500e-03 : f32
    %mul3A_10 = vector.broadcast %mul3A : f32 to vector<2000x1xf32>
    %mul3A_11 = arith.mulf %broadcast_in_dim3A, %mul3A_10 : vector<2000x1xf32>
    %add3A_12 = arith.constant 1.000000e+00 : f32
    %add3A_13 = vector.broadcast %add3A_12 : f32 to vector<2000x1xf32>
    %add3A_14 = arith.addf %mul3A_11, %add3A_13 : vector<2000x1xf32>
    %rsqrt3A = math.rsqrt %add3A_14 : vector<2000x1xf32>
    %get3A_15 = arith.constant 0 : index
    %get3A_16 = arith.constant 0 : index
    %get3A_17 = arith.constant 0 : index
    %get3A_18 = vector.load %arg2[%get3A_15, %get3A_16, %get3A_17] : memref<2x2000x128xf32, #tpu.memory_space<vmem>>, vector<1x2000x128xf32>
    %get3A_19 = vector.shape_cast %get3A_18 : vector<1x2000x128xf32> to vector<2000x128xf32>
    %get3A_20 = arith.constant 1 : index
    %get3A_21 = arith.constant 0 : index
    %get3A_22 = arith.constant 0 : index
    %get3A_23 = vector.load %arg2[%get3A_20, %get3A_21, %get3A_22] : memref<2x2000x128xf32, #tpu.memory_space<vmem>>, vector<1x2000x128xf32>
    %get3A_24 = vector.shape_cast %get3A_23 : vector<1x2000x128xf32> to vector<2000x128xf32>
    %add3A_25 = arith.addf %get3A_19, %get3A_24 : vector<2000x128xf32>
    %mul3A_26 = vector.broadcast %rsqrt3A : vector<2000x1xf32> to vector<2000x128xf32>
    %mul3A_27 = arith.mulf %add3A_25, %mul3A_26 : vector<2000x128xf32>
    %get3A_28 = arith.constant 0 : index
    %get3A_29 = arith.constant 0 : index
    %get3A_30 = vector.load %arg3[%get3A_28, %get3A_29] : memref<2000x128xf32, #tpu.memory_space<vmem>>, vector<2000x128xf32>
    %mul3A_31 = arith.mulf %rsqrt3A, %rsqrt3A : vector<2000x1xf32>
    %mul3A_32 = vector.broadcast %mul3A_31 : vector<2000x1xf32> to vector<2000x128xf32>
    %mul3A_33 = arith.mulf %get3A_30, %mul3A_32 : vector<2000x128xf32>
    %add3A_34 = arith.addf %mul3A_27, %mul3A_33 : vector<2000x128xf32>
    %get3A_35 = arith.constant 0 : index
    %get3A_36 = arith.constant 0 : index
    %get3A_37 = vector.load %arg4[%get3A_35, %get3A_36] : memref<1x128xf32, #tpu.memory_space<vmem>>, vector<1x128xf32>
    %add3A_38 = vector.broadcast %get3A_37 : vector<1x128xf32> to vector<2000x128xf32>
    %add3A_39 = arith.addf %add3A_34, %add3A_38 : vector<2000x128xf32>
    %max3A = arith.constant 0.000000e+00 : f32
    %max3A_40 = vector.broadcast %max3A : f32 to vector<2000x128xf32>
    %max3A_41 = arith.maximumf %add3A_39, %max3A_40 : vector<2000x128xf32>
    %get3A_42 = arith.constant 0 : index
    %get3A_43 = arith.constant 0 : index
    %get3A_44 = vector.load %arg5[%get3A_42, %get3A_43] : memref<128x128xf32, #tpu.memory_space<vmem>>, vector<128x128xf32>
    %dot_general3A = arith.constant dense<0.000000e+00> : vector<2000x128xf32>
    %dot_general3A_45 = tpu.matmul %max3A_41, %get3A_44, %dot_general3A {dimension_numbers = #tpu.dot_dimension_numbers<[1], [0], [0], [1], [0, 0, 1, 1], [], []>, precision = #tpu.contract_precision<fp32>, transpose_lhs_hint = false} : vector<2000x128xf32>, vector<128x128xf32>, vector<2000x128xf32> -> vector<2000x128xf32>
    %swap3A = arith.constant 0 : index
    %swap3A_46 = arith.constant 0 : index
    %swap3A_47 = vector.load %arg6[%swap3A, %swap3A_46] : memref<2000x128xf32, #tpu.memory_space<vmem>>, vector<2000x128xf32>
    tpu.vector_store %arg6[%swap3A, %swap3A_46], %dot_general3A_45 {strides = array<i32>} : memref<2000x128xf32, #tpu.memory_space<vmem>>, vector<2000x128xf32>,
    %mul3A_48 = vector.broadcast %rsqrt3A : vector<2000x1xf32> to vector<2000x128xf32>
    %mul3A_49 = arith.mulf %dot_general3A_45, %mul3A_48 : vector<2000x128xf32>
    %swap3A_50 = arith.constant 0 : index
    %swap3A_51 = arith.constant 0 : index
    %swap3A_52 = vector.load %arg7[%swap3A_50, %swap3A_51] : memref<2000x128xf32, #tpu.memory_space<vmem>>, vector<2000x128xf32>
    tpu.vector_store %arg7[%swap3A_50, %swap3A_51], %mul3A_49 {strides = array<i32>} : memref<2000x128xf32, #tpu.memory_space<vmem>>, vector<2000x128xf32>,
    return
  }
  func.func @transform_0(%arg0: i32) -> (i32, i32, i32) {
    %c0_i32 = arith.constant 0 : i32
    %c0_i32_0 = arith.constant 0 : i32
    %c0_i32_1 = arith.constant 0 : i32
    return %c0_i32, %arg0, %c0_i32_0 : i32, i32, i32
  }
  func.func @transform_1(%arg0: i32) -> (i32, i32, i32) {
    %c0_i32 = arith.constant 0 : i32
    %c0_i32_0 = arith.constant 0 : i32
    %c0_i32_1 = arith.constant 0 : i32
    return %c0_i32, %arg0, %c0_i32_0 : i32, i32, i32
  }
  func.func @transform_2(%arg0: i32) -> (i32, i32) {
    %c0_i32 = arith.constant 0 : i32
    %c0_i32_0 = arith.constant 0 : i32
    return %arg0, %c0_i32 : i32, i32
  }
  func.func @transform_3(%arg0: i32) -> (i32, i32) {
    %c0_i32 = arith.constant 0 : i32
    %c0_i32_0 = arith.constant 0 : i32
    %c0_i32_1 = arith.constant 0 : i32
    return %c0_i32, %c0_i32_0 : i32, i32
  }
  func.func @transform_4(%arg0: i32) -> (i32, i32) {
    %c0_i32 = arith.constant 0 : i32
    %c0_i32_0 = arith.constant 0 : i32
    %c0_i32_1 = arith.constant 0 : i32
    return %c0_i32, %c0_i32_0 : i32, i32
  }
  func.func @transform_5(%arg0: i32) -> (i32, i32) {
    %c0_i32 = arith.constant 0 : i32
    %c0_i32_0 = arith.constant 0 : i32
    return %arg0, %c0_i32 : i32, i32
  }
  func.func @transform_6(%arg0: i32) -> (i32, i32) {
    %c0_i32 = arith.constant 0 : i32
    %c0_i32_0 = arith.constant 0 : i32
    return %arg0, %c0_i32 : i32, i32
  }
}

module attributes {stable_mosaic.version = 14 : i64} {
  func.func @_tc_final_body(%arg0: i32, %arg1: memref<2x2000x128xf32, #tpu.memory_space<vmem>>, %arg2: memref<2x2000x128xf32, #tpu.memory_space<vmem>>, %arg3: memref<2000x128xf32, #tpu.memory_space<vmem>>, %arg4: memref<1x128xf32, #tpu.memory_space<vmem>>, %arg5: memref<1x1x2000xi32, #tpu.memory_space<vmem>>, %arg6: memref<128x4xf32, #tpu.memory_space<vmem>>, %arg7: memref<1x4xf32, #tpu.memory_space<vmem>>, %arg8: memref<64x4xf32, #tpu.memory_space<vmem>>, %arg9: memref<64x128xf32, #tpu.memory_space<vmem>>, %arg10: memref<64x128xf32, #tpu.memory_space<vmem>>) attributes {dimension_semantics = [#tpu.dimension_semantics<arbitrary>], iteration_bounds = array<i64: 5>, scalar_prefetch = 0 : i64, scratch_operands = 2 : i64, tpu.core_type = #tpu.core_type<tc>, window_params = [{transform_indices = @transform_0, window_bounds = array<i64: 2, 2000, 128>}, {transform_indices = @transform_1, window_bounds = array<i64: 2, 2000, 128>}, {transform_indices = @transform_2, window_bounds = array<i64: 2000, 128>}, {pipeline_mode = #tpu.pipeline_mode<synchronous>, transform_indices = @transform_3, window_bounds = array<i64: 1, 128>}, {transform_indices = @transform_4, window_bounds = array<i64: 1, 1, 2000>}, {pipeline_mode = #tpu.pipeline_mode<synchronous>, transform_indices = @transform_5, window_bounds = array<i64: 128, 4>}, {pipeline_mode = #tpu.pipeline_mode<synchronous>, transform_indices = @transform_6, window_bounds = array<i64: 1, 4>}, {pipeline_mode = #tpu.pipeline_mode<synchronous>, transform_indices = @transform_7, window_bounds = array<i64: 64, 4>}]} {
    %get3A = arith.constant 0 : index
    %get3A_0 = arith.constant 0 : index
    %get3A_1 = arith.constant 0 : index
    %get3A_2 = vector.load %arg1[%get3A, %get3A_0, %get3A_1] : memref<2x2000x128xf32, #tpu.memory_space<vmem>>, vector<1x2000x128xf32>
    %get3A_3 = vector.shape_cast %get3A_2 : vector<1x2000x128xf32> to vector<2000x128xf32>
    %get3A_4 = arith.constant 1 : index
    %get3A_5 = arith.constant 0 : index
    %get3A_6 = arith.constant 0 : index
    %get3A_7 = vector.load %arg1[%get3A_4, %get3A_5, %get3A_6] : memref<2x2000x128xf32, #tpu.memory_space<vmem>>, vector<1x2000x128xf32>
    %get3A_8 = vector.shape_cast %get3A_7 : vector<1x2000x128xf32> to vector<2000x128xf32>
    %add3A = arith.addf %get3A_3, %get3A_8 : vector<2000x128xf32>
    %reduce_sum3A = arith.constant dense<0.000000e+00> : vector<2000xf32>
    %reduce_sum3A_9 = vector.multi_reduction <add>, %add3A, %reduce_sum3A [1] : vector<2000x128xf32> to vector<2000xf32>
    %broadcast_in_dim3A = vector.shape_cast %reduce_sum3A_9 : vector<2000xf32> to vector<2000x1xf32>
    %mul3A = arith.constant 7.812500e-03 : f32
    %mul3A_10 = vector.broadcast %mul3A : f32 to vector<2000x1xf32>
    %mul3A_11 = arith.mulf %broadcast_in_dim3A, %mul3A_10 : vector<2000x1xf32>
    %add3A_12 = arith.constant 1.000000e+00 : f32
    %add3A_13 = vector.broadcast %add3A_12 : f32 to vector<2000x1xf32>
    %add3A_14 = arith.addf %mul3A_11, %add3A_13 : vector<2000x1xf32>
    %rsqrt3A = math.rsqrt %add3A_14 : vector<2000x1xf32>
    %get3A_15 = arith.constant 0 : index
    %get3A_16 = arith.constant 0 : index
    %get3A_17 = arith.constant 0 : index
    %get3A_18 = vector.load %arg2[%get3A_15, %get3A_16, %get3A_17] : memref<2x2000x128xf32, #tpu.memory_space<vmem>>, vector<1x2000x128xf32>
    %get3A_19 = vector.shape_cast %get3A_18 : vector<1x2000x128xf32> to vector<2000x128xf32>
    %get3A_20 = arith.constant 1 : index
    %get3A_21 = arith.constant 0 : index
    %get3A_22 = arith.constant 0 : index
    %get3A_23 = vector.load %arg2[%get3A_20, %get3A_21, %get3A_22] : memref<2x2000x128xf32, #tpu.memory_space<vmem>>, vector<1x2000x128xf32>
    %get3A_24 = vector.shape_cast %get3A_23 : vector<1x2000x128xf32> to vector<2000x128xf32>
    %add3A_25 = arith.addf %get3A_19, %get3A_24 : vector<2000x128xf32>
    %mul3A_26 = vector.broadcast %rsqrt3A : vector<2000x1xf32> to vector<2000x128xf32>
    %mul3A_27 = arith.mulf %add3A_25, %mul3A_26 : vector<2000x128xf32>
    %get3A_28 = arith.constant 0 : index
    %get3A_29 = arith.constant 0 : index
    %get3A_30 = vector.load %arg3[%get3A_28, %get3A_29] : memref<2000x128xf32, #tpu.memory_space<vmem>>, vector<2000x128xf32>
    %mul3A_31 = arith.mulf %rsqrt3A, %rsqrt3A : vector<2000x1xf32>
    %mul3A_32 = vector.broadcast %mul3A_31 : vector<2000x1xf32> to vector<2000x128xf32>
    %mul3A_33 = arith.mulf %get3A_30, %mul3A_32 : vector<2000x128xf32>
    %add3A_34 = arith.addf %mul3A_27, %mul3A_33 : vector<2000x128xf32>
    %get3A_35 = arith.constant 0 : index
    %get3A_36 = arith.constant 0 : index
    %get3A_37 = vector.load %arg4[%get3A_35, %get3A_36] : memref<1x128xf32, #tpu.memory_space<vmem>>, vector<1x128xf32>
    %add3A_38 = vector.broadcast %get3A_37 : vector<1x128xf32> to vector<2000x128xf32>
    %add3A_39 = arith.addf %add3A_34, %add3A_38 : vector<2000x128xf32>
    %max3A = arith.constant 0.000000e+00 : f32
    %max3A_40 = vector.broadcast %max3A : f32 to vector<2000x128xf32>
    %max3A_41 = arith.maximumf %add3A_39, %max3A_40 : vector<2000x128xf32>
    %get3A_42 = arith.constant 0 : index
    %get3A_43 = arith.constant 0 : index
    %get3A_44 = arith.constant 0 : index
    %get3A_45 = vector.load %arg5[%get3A_42, %get3A_43, %get3A_44] : memref<1x1x2000xi32, #tpu.memory_space<vmem>>, vector<1x1x2000xi32>
    %get3A_46 = vector.shape_cast %get3A_45 : vector<1x1x2000xi32> to vector<1x2000xi32>
    %iota3A = tpu.iota {dimensions = array<i32: 0>} : vector<64x2000xi32>
    %eq3A = vector.broadcast %get3A_46 : vector<1x2000xi32> to vector<64x2000xi32>
    %eq3A_47 = arith.cmpi eq, %eq3A, %iota3A : vector<64x2000xi32>
    %convert_element_type3A = arith.extui %eq3A_47 : vector<64x2000xi1> to vector<64x2000xi32>
    %convert_element_type3A_48 = arith.sitofp %convert_element_type3A : vector<64x2000xi32> to vector<64x2000xf32>
    %dot_general3A = arith.constant dense<0.000000e+00> : vector<64x128xf32>
    %dot_general3A_49 = tpu.matmul %convert_element_type3A_48, %max3A_41, %dot_general3A {dimension_numbers = #tpu.dot_dimension_numbers<[1], [0], [0], [1], [0, 0, 1, 1], [], []>, precision = #tpu.contract_precision<fp32>, transpose_lhs_hint = false} : vector<64x2000xf32>, vector<2000x128xf32>, vector<64x128xf32> -> vector<64x128xf32>
    %reduce_sum3A_50 = arith.constant dense<0.000000e+00> : vector<64xf32>
    %reduce_sum3A_51 = vector.multi_reduction <add>, %convert_element_type3A_48, %reduce_sum3A_50 [1] : vector<64x2000xf32> to vector<64xf32>
    %broadcast_in_dim3A_52 = vector.shape_cast %reduce_sum3A_51 : vector<64xf32> to vector<64x1xf32>
    %broadcast_in_dim3A_53 = arith.constant 1.000000e+00 : f32
    %broadcast_in_dim3A_54 = vector.broadcast %broadcast_in_dim3A_53 : f32 to vector<1x128xf32>
    %mul3A_55 = vector.broadcast %broadcast_in_dim3A_52 : vector<64x1xf32> to vector<64x128xf32>
    %mul3A_56 = vector.broadcast %broadcast_in_dim3A_54 : vector<1x128xf32> to vector<64x128xf32>
    %mul3A_57 = arith.mulf %mul3A_55, %mul3A_56 : vector<64x128xf32>
    %eq3A_58 = arith.constant 0 : i32
    %eq3A_59 = arith.cmpi eq, %arg0, %eq3A_58 : i32
    %convert_element_type3A_60 = arith.extui %eq3A_59 : i1 to i32
    %cond3A = arith.constant 0 : i32
    %cond3A_61 = arith.cmpi ne, %convert_element_type3A_60, %cond3A : i32
    scf.if %cond3A_61 {
      %swap3A = arith.constant 0 : index
      %swap3A_71 = arith.constant 0 : index
      %swap3A_72 = vector.load %arg9[%swap3A, %swap3A_71] : memref<64x128xf32, #tpu.memory_space<vmem>>, vector<64x128xf32>
      tpu.vector_store %arg9[%swap3A, %swap3A_71], %dot_general3A_49 {strides = array<i32>} : memref<64x128xf32, #tpu.memory_space<vmem>>, vector<64x128xf32>,
      %swap3A_73 = arith.constant 0 : index
      %swap3A_74 = arith.constant 0 : index
      %swap3A_75 = vector.load %arg10[%swap3A_73, %swap3A_74] : memref<64x128xf32, #tpu.memory_space<vmem>>, vector<64x128xf32>
      tpu.vector_store %arg10[%swap3A_73, %swap3A_74], %mul3A_57 {strides = array<i32>} : memref<64x128xf32, #tpu.memory_space<vmem>>, vector<64x128xf32>,
    } else {
    }
    %gt3A = arith.constant 0 : i32
    %gt3A_62 = arith.cmpi sgt, %arg0, %gt3A : i32
    %convert_element_type3A_63 = arith.extui %gt3A_62 : i1 to i32
    %cond3A_64 = arith.constant 0 : i32
    %cond3A_65 = arith.cmpi ne, %convert_element_type3A_63, %cond3A_64 : i32
    scf.if %cond3A_65 {
      %get3A_71 = arith.constant 0 : index
      %get3A_72 = arith.constant 0 : index
      %get3A_73 = vector.load %arg9[%get3A_71, %get3A_72] : memref<64x128xf32, #tpu.memory_space<vmem>>, vector<64x128xf32>
      %add3A_74 = arith.addf %get3A_73, %dot_general3A_49 : vector<64x128xf32>
      %swap3A = arith.constant 0 : index
      %swap3A_75 = arith.constant 0 : index
      %swap3A_76 = vector.load %arg9[%swap3A, %swap3A_75] : memref<64x128xf32, #tpu.memory_space<vmem>>, vector<64x128xf32>
      tpu.vector_store %arg9[%swap3A, %swap3A_75], %add3A_74 {strides = array<i32>} : memref<64x128xf32, #tpu.memory_space<vmem>>, vector<64x128xf32>,
      %get3A_77 = arith.constant 0 : index
      %get3A_78 = arith.constant 0 : index
      %get3A_79 = vector.load %arg10[%get3A_77, %get3A_78] : memref<64x128xf32, #tpu.memory_space<vmem>>, vector<64x128xf32>
      %add3A_80 = arith.addf %get3A_79, %mul3A_57 : vector<64x128xf32>
      %swap3A_81 = arith.constant 0 : index
      %swap3A_82 = arith.constant 0 : index
      %swap3A_83 = vector.load %arg10[%swap3A_81, %swap3A_82] : memref<64x128xf32, #tpu.memory_space<vmem>>, vector<64x128xf32>
      tpu.vector_store %arg10[%swap3A_81, %swap3A_82], %add3A_80 {strides = array<i32>} : memref<64x128xf32, #tpu.memory_space<vmem>>, vector<64x128xf32>,
    } else {
    }
    %eq3A_66 = arith.constant 4 : i32
    %eq3A_67 = arith.cmpi eq, %arg0, %eq3A_66 : i32
    %convert_element_type3A_68 = arith.extui %eq3A_67 : i1 to i32
    %cond3A_69 = arith.constant 0 : i32
    %cond3A_70 = arith.cmpi ne, %convert_element_type3A_68, %cond3A_69 : i32
    scf.if %cond3A_70 {
      %get3A_71 = arith.constant 0 : index
      %get3A_72 = arith.constant 0 : index
      %get3A_73 = vector.load %arg9[%get3A_71, %get3A_72] : memref<64x128xf32, #tpu.memory_space<vmem>>, vector<64x128xf32>
      %get3A_74 = arith.constant 0 : index
      %get3A_75 = arith.constant 0 : index
      %get3A_76 = vector.load %arg10[%get3A_74, %get3A_75] : memref<64x128xf32, #tpu.memory_space<vmem>>, vector<64x128xf32>
      %max3A_77 = arith.constant 1.000000e+00 : f32
      %max3A_78 = vector.broadcast %max3A_77 : f32 to vector<64x128xf32>
      %max3A_79 = arith.maximumf %get3A_76, %max3A_78 : vector<64x128xf32>
      %div3A = arith.divf %get3A_73, %max3A_79 : vector<64x128xf32>
      %get3A_80 = arith.constant 0 : index
      %get3A_81 = arith.constant 0 : index
      %get3A_82 = vector.load %arg6[%get3A_80, %get3A_81] : memref<128x4xf32, #tpu.memory_space<vmem>>, vector<128x4xf32>
      %dot_general3A_83 = arith.constant dense<0.000000e+00> : vector<64x4xf32>
      %dot_general3A_84 = tpu.matmul %div3A, %get3A_82, %dot_general3A_83 {dimension_numbers = #tpu.dot_dimension_numbers<[1], [0], [0], [1], [0, 0, 1, 1], [], []>, precision = #tpu.contract_precision<fp32>, transpose_lhs_hint = false} : vector<64x128xf32>, vector<128x4xf32>, vector<64x4xf32> -> vector<64x4xf32>
      %get3A_85 = arith.constant 0 : index
      %get3A_86 = arith.constant 0 : index
      %get3A_87 = vector.load %arg7[%get3A_85, %get3A_86] : memref<1x4xf32, #tpu.memory_space<vmem>>, vector<1x4xf32>
      %add3A_88 = vector.broadcast %get3A_87 : vector<1x4xf32> to vector<64x4xf32>
      %add3A_89 = arith.addf %dot_general3A_84, %add3A_88 : vector<64x4xf32>
      %swap3A = arith.constant 0 : index
      %swap3A_90 = arith.constant 0 : index
      %swap3A_91 = vector.load %arg8[%swap3A, %swap3A_90] : memref<64x4xf32, #tpu.memory_space<vmem>>, vector<64x4xf32>
      tpu.vector_store %arg8[%swap3A, %swap3A_90], %add3A_89 {strides = array<i32>} : memref<64x4xf32, #tpu.memory_space<vmem>>, vector<64x4xf32>,
    } else {
    }
    return
  }
  func.func @transform_0(%arg0: i32) -> (i32, i32, i32) {
    %c0_i32 = arith.constant 0 : i32
    %c0_i32_0 = arith.constant 0 : i32
    %c0_i32_1 = arith.constant 0 : i32
    return %c0_i32, %arg0, %c0_i32_0 : i32, i32, i32
  }
  func.func @transform_1(%arg0: i32) -> (i32, i32, i32) {
    %c0_i32 = arith.constant 0 : i32
    %c0_i32_0 = arith.constant 0 : i32
    %c0_i32_1 = arith.constant 0 : i32
    return %c0_i32, %arg0, %c0_i32_0 : i32, i32, i32
  }
  func.func @transform_2(%arg0: i32) -> (i32, i32) {
    %c0_i32 = arith.constant 0 : i32
    %c0_i32_0 = arith.constant 0 : i32
    return %arg0, %c0_i32 : i32, i32
  }
  func.func @transform_3(%arg0: i32) -> (i32, i32) {
    %c0_i32 = arith.constant 0 : i32
    %c0_i32_0 = arith.constant 0 : i32
    %c0_i32_1 = arith.constant 0 : i32
    return %c0_i32, %c0_i32_0 : i32, i32
  }
  func.func @transform_4(%arg0: i32) -> (i32, i32, i32) {
    %c0_i32 = arith.constant 0 : i32
    %c0_i32_0 = arith.constant 0 : i32
    %c0_i32_1 = arith.constant 0 : i32
    return %arg0, %c0_i32, %c0_i32_0 : i32, i32, i32
  }
  func.func @transform_5(%arg0: i32) -> (i32, i32) {
    %c0_i32 = arith.constant 0 : i32
    %c0_i32_0 = arith.constant 0 : i32
    %c0_i32_1 = arith.constant 0 : i32
    return %c0_i32, %c0_i32_0 : i32, i32
  }
  func.func @transform_6(%arg0: i32) -> (i32, i32) {
    %c0_i32 = arith.constant 0 : i32
    %c0_i32_0 = arith.constant 0 : i32
    %c0_i32_1 = arith.constant 0 : i32
    return %c0_i32, %c0_i32_0 : i32, i32
  }
  func.func @transform_7(%arg0: i32) -> (i32, i32) {
    %c0_i32 = arith.constant 0 : i32
    %c0_i32_0 = arith.constant 0 : i32
    %c0_i32_1 = arith.constant 0 : i32
    return %c0_i32, %c0_i32_0 : i32, i32
  }
}

</mosaic_0001>

<sc_bundles>
// kernel: kernel.12.cloned.1.call-start
scs
__scs_entry_jumppad:
0x0: {  	(pc) =	sbr.rel $0x88, $3  }
0x1: {  	(tag) =	ssettag $0x0;
	lr =	simm.s32 $0x1  }
0x2: {  	[smem:$0x3F94] =	sst lr;
	_ =	strace $0xD0000000  }
0x3: {  	_ = 	snop  }
0x4: {  	_ = 	snop  }
0x5: {  	_ = 	snop  }
0x6: {  	_ = 	snop  }
0x7: {  	_ = 	snop  }
__scs_overlays_trampoline_lowered:
0x8: {  	[smem:$0x3FA3] =	sst s0  }
0x9: {  	[smem:$0x3FA4] =	sst s1  }
0xa: {  	[smem:$0x3FA5] =	sst s2  }
0xb: {  	[smem:$0x3FA6] =	sst s3  }
0xc: {  	[smem:$0x3FA7] =	sst s4  }
0xd: {  	[smem:$0x3FA8] =	sst s5  }
0xe: {  	[smem:$0x3FA9] =	sst s6  }
0xf: {  	[smem:$0x3FAA] =	sst s7  }
0x10: {  	[smem:$0x3FAB] =	sst s8  }
0x11: {  	[smem:$0x3FAC] =	sst s9;
	s0 =	simm.s32 @!p0 $0x0  }
0x12: {  	s1 =	sld [smem:$0x3F92];
	s0 =	simm.s32 @p0 $0x1  }
0x13: {  	[smem:$0x3FAD] =	sst s0;
	s0 =	simm.s32 @!p1 $0x0  }
0x14: {  	s2 =	sld [smem:$0x3F91];
	s0 =	simm.s32 @p1 $0x1  }
0x15: {  	[smem:$0x3FAE] =	sst s0;
	s0 =	simm.s32 @!p2 $0x0  }
0x16: {  	s3 =	sld [smem:$0x3FDB];
	s0 =	simm.s32 @p2 $0x1  }
0x17: {  	s4 =	simm.s32 $0x1BF5;
	[smem:$0x3FB0] =	sst s0  }
0x18: {  	s0 =	sld [smem:$0x3F93];
	_ =	swait.ge [sflag:s4], $0x0  }
0x19: {  	s7 =	sld [smem:$0x3F94]  }
0x1a: {  	s8 =	sadd.s32 $0xFFFFE003, lr  }
0x1b: {  	s9 =	sadd.s32 $0xFFFFFEF7, lr;
	s5 =	simm.s32 $0xFFFFFFFF;
	p2 =	slt.u32 s8, $0xFFFFF086  }
0x1c: {  	p1 =	slt.u32 s9, $0xF7A;
	s5 =	simm.s32 @!p2 $0x0  }
0x1d: {  	s5 =	simm.s32 @p1 $0x1;
	p0 =	seq.s32 s7, s2  }
0x1e: {  	s7 =	smul.u32 @!p0 $0xF7A, s2;
	p2 =	seq.s32 @!p0 s5, $0x0  }
0x1f: {  	s9 =	smul.u32 $0xF7A, s1;
	s8 =	simm.s32 @!p0 $0x1BF5;
	p2 =	por !p2, p0  }
0x20: {  	[sflag:s8] =	ssyncset.s32 @!p0 $0xFFFFF086;
	s6 =	sadd.s32 @!p0 s3, s7;
	s7 =	simm.s32 @!p0 $0x108  }
0x21: {  	s3 =	sadd.s32 s3, s9;
	s6 =	sadd.s32 @!p0 $0x88, s6;
	s7 =	simm.s32 @p2 $0x1082  }
0x22: {  	[simem:s7], [sflag:s8] =	dma.local @!p0 [hbm:s6], $0xF7A  }
0x23: {  	s9 =	sor.u32 $0xD0000000, s2;
	s6 =	simm.s32 $0x108;
	_ =	swait.ge @!p0 [sflag:s8], $0x0  }
0x24: {  	s3 =	sadd.s32 $0x88, s3;
	s6 =	simm.s32 @!p1 $0x1082;
	[sflag:s4] =	ssyncset.s32 $0xFFFFF086  }
0x25: {  	[simem:s6], [sflag:s4] =	dma.local [hbm:s3], $0xF7A  }
0x26: {  	[smem:$0x3F94] =	sst s1;
	(tag) =	ssettag s2;
	_ =	strace s9  }
0x27: {  	s1 =	sld [smem:$0x3FA4]  }
0x28: {  	s2 =	sld [smem:$0x3FA5]  }
0x29: {  	s4 =	sld [smem:$0x3FA7]  }
0x2a: {  	p0 =	seq.s32 s5, $0x0;
	s5 =	sld [smem:$0x3FA8]  }
0x2b: {  	s6 =	sld [smem:$0x3FA9]  }
0x2c: {  	s7 =	sld [smem:$0x3FAA]  }
0x2d: {  	s3 =	simm.s32 $0x108;
	s8 =	sld [smem:$0x3FAB]  }
0x2e: {  	s3 =	simm.s32 @!p0 $0x1082;
	s9 =	sld [smem:$0x3FAC]  }
0x2f: {  	lr =	sadd.s32 s0, s3;
	s0 =	sld [smem:$0x3FA3]  }
0x30: {  	s3 =	sld [smem:$0x3FA6]  }
0x31: {  	[smem:$0x3FAF] =	sst s10  }
0x32: {  	s10 =	sld [smem:$0x3FAD];
	_ =	sdelay $0x3  }
0x33: {  	p0 =	seq.s32 s10, $0x1;
	s10 =	sld [smem:$0x3FAF];
	_ =	sdelay $0x3  }
0x34: {  	[smem:$0x3FAF] =	sst s10  }
0x35: {  	s10 =	sld [smem:$0x3FAE];
	_ =	sdelay $0x3  }
0x36: {  	p1 =	seq.s32 s10, $0x1;
	s10 =	sld [smem:$0x3FAF];
	_ =	sdelay $0x3  }
0x37: {  	[smem:$0x3FAF] =	sst s10  }
0x38: {  	s10 =	sld [smem:$0x3FB0]  }
0x39: {  	_ = 	snop;
	(pc) =	sbr.ind lr, $3  }
0x3a: {  	_ = 	snop  }
0x3b: {  	_ = 	snop  }
0x3c: {  	p2 =	seq.s32 s10, $0x1;
	s10 =	sld [smem:$0x3FAF]  }
0x3d: {  	_ =	shalt  }
0x3e: {  	_ =	shalt  }
0x3f: {  	_ =	shalt  }
0x40: {  	_ =	shalt  }
0x41: {  	_ =	shalt  }
0x42: {  	_ =	shalt  }
0x43: {  	_ =	shalt  }
0x44: {  	_ =	shalt  }
0x45: {  	_ =	shalt  }
0x46: {  	_ =	shalt  }
0x47: {  	_ =	shalt  }
0x48: {  	_ =	shalt  }
0x49: {  	_ =	shalt  }
0x4a: {  	_ =	shalt  }
0x4b: {  	_ =	shalt  }
0x4c: {  	_ =	shalt  }
0x4d: {  	_ =	shalt  }
0x4e: {  	_ =	shalt  }
0x4f: {  	_ =	shalt  }
0x50: {  	_ =	shalt  }
0x51: {  	_ =	shalt  }
0x52: {  	_ =	shalt  }
0x53: {  	_ =	shalt  }
0x54: {  	_ =	shalt  }
0x55: {  	_ =	shalt  }
0x56: {  	_ =	shalt  }
0x57: {  	_ =	shalt  }
0x58: {  	_ =	shalt  }
0x59: {  	_ =	shalt  }
0x5a: {  	_ =	shalt  }
0x5b: {  	_ =	shalt  }
0x5c: {  	_ =	shalt  }
0x5d: {  	_ =	shalt  }
0x5e: {  	_ =	shalt  }
0x5f: {  	_ =	shalt  }
0x60: {  	_ =	shalt  }
0x61: {  	_ =	shalt  }
0x62: {  	_ =	shalt  }
0x63: {  	_ =	shalt  }
0x64: {  	_ =	shalt  }
0x65: {  	_ =	shalt  }
0x66: {  	_ =	shalt  }
0x67: {  	_ =	shalt  }
0x68: {  	_ =	shalt  }
0x69: {  	_ =	shalt  }
0x6a: {  	_ =	shalt  }
0x6b: {  	_ =	shalt  }
0x6c: {  	_ =	shalt  }
0x6d: {  	_ =	shalt  }
0x6e: {  	_ =	shalt  }
0x6f: {  	_ =	shalt  }
0x70: {  	_ =	shalt  }
0x71: {  	_ =	shalt  }
0x72: {  	_ =	shalt  }
0x73: {  	_ =	shalt  }
0x74: {  	_ =	shalt  }
0x75: {  	_ =	shalt  }
0x76: {  	_ =	shalt  }
0x77: {  	_ =	shalt  }
0x78: {  	_ =	shalt  }
0x79: {  	_ =	shalt  }
0x7a: {  	_ =	shalt  }
0x7b: {  	_ =	shalt  }
0x7c: {  	_ =	shalt  }
0x7d: {  	_ =	shalt  }
0x7e: {  	_ =	shalt  }
0x7f: {  	_ =	shalt  }
0x80: {  	_ =	shalt  }
0x81: {  	_ =	shalt  }
0x82: {  	_ =	shalt  }
0x83: {  	_ =	shalt  }
0x84: {  	_ =	shalt  }
0x85: {  	_ =	shalt  }
0x86: {  	_ =	shalt  }
0x87: {  	_ =	shalt  }
.Lfunc_end0:
.L_simem_size_0:
called_computation_lowered:
.L_overlay_start_0:
0x88: {  	s2 =	sld [smem:$0x3FD9]  }
0x89: {  	s3 =	sld [smem:$0x3FFE];
	_ =	sdelay $0x1  }
0x8a: {  	s1 =	srdreg.scid  }
0x8b: {  	s0 =	sand.u32 $0x1, s1  }
0x8c: {  	s16 =	sshll.u32 s0, $0xA;
	s2 =	sadd.s32 s3, s2  }
0x8d: {  	s2 =	sadd.s32 s2, s16  }
0x8e: {  	[smem:$0x3FBB] =	sst s2  }
0x8f: {  	_ = 	snop  }
0x90: {  	(tm) =	ssettm $0x1  }
0x91: {  	s17 =	sld [smem:$0x3FFB];
	_ =	sdelay $0x3  }
0x92: {  	_ =	strace s17  }
0x93: {  	s2 =	sld [smem:$0x3FFC];
	_ =	sdelay $0x3  }
0x94: {  	_ =	strace s2  }
0x95: {  	s2 =	sld [smem:$0x3FFD];
	_ =	sdelay $0x3  }
0x96: {  	_ =	strace s2  }
0x97: {  	_ =	strace $0x8FFFFFFF  }
0x98: {  	s18 =	sld [smem:$0x3FDB];
	_ =	sdelay $0x1  }
0x99: {  	s19 =	simm.s32 $_scs_section_size  }
0x9a: {  	s4 =	simm.s32 $_size__tile_overlayer_lowered;
	s5 =	simm.s32 $_tile_overlayer_lowered  }
0x9b: {  	s22 =	simm.s32 $0x1BFF;
	s21 =	sshll.u32 s5, $0x1;
	s2 =	sadd.s32 s19, s18  }
0x9c: {  	s6 =	simm.s32 $0x0;
	s20 =	sshll.u32 s4, $0x1;
	s4 =	sadd.s32 s21, s2  }
0x9d: {  	[timem:s6], [sflag:s22] =	dma.local [hbm:s4], s20  }
0x9e: {  	_ =	swait.ge [sflag:s22], s20  }
0x9f: {  	s3 =	ssub.s32 $0x0, s20;
	[sflag:s22] =	ssyncset.done $0x0  }
0xa0: {  	[sflag:s22] =	ssyncadd.s32 s3;
	_ =	sdelay $0x1  }
0xa1: {  	s23 =	simm.s32 $0x1B8B  }
0xa2: {  	_ =	swait.ge [sflag:s23], $0x1  }
0xa3: {  	[sflag:s23] =	ssyncset.done $0x0  }
0xa4: {  	s25 =	simm.s32 $0x1B8E;
	s24 =	sld [smem:$0x3FFE];
	[sflag:s23] =	ssyncadd.s32 $0xFFFFFFFF  }
0xa5: {  	s26 =	simm.s32 $execute0_lowered;
	[smem:$0x3FD2] =	sst s25  }
0xa6: {  	s4 =	sshll.u32 s26, $0x1;
	_ =	strace $0x80000046;
	[dreg:$0x1] =	wrdreg $0xFFFFFFFF  }
0xa7: {  	s28 =	simm.s32 $_size_execute0_lowered;
	s2 =	sadd.s32 s2, s4;
	[dreg:$0x0] =	wrdreg $0x0  }
0xa8: {  	s4 =	sshll.u32 s28, $0x1;
	[dreg:$0x2] =	wrdreg s2  }
0xa9: {  	[dreg:$0x3] =	wrdreg s4  }
0xaa: {  	[dreg:$0x4] =	wrdreg $0xC0  }
0xab: {  	_ =	task [dreg:s6], $0x5FFFF  }
0xac: {  	[dreg:$0x1] =	wrdreg $0xFFFFFFFF  }
0xad: {  	[dreg:$0x0] =	wrdreg $0x60  }
0xae: {  	[dreg:$0x2] =	wrdreg s24  }
0xaf: {  	[dreg:$0x3] =	wrdreg $0x52000  }
0xb0: {  	[dreg:$0x4] =	wrdreg $0x9  }
0xb1: {  	_ =	task.clear_ibuf [dreg:s6], $0x5FFFF;
	_ =	strace $0x90000046  }
0xb2: {  	s29 =	simm.s32 $0x9;
	_ =	strace $0x80000048  }
0xb3: {  	_ =	swait.ge [sflag:s29], $0x1  }
0xb4: {  	[sflag:s29] =	ssyncadd.s32 $0xFFFFFFFF  }
0xb5: {  	_ =	strace $0x90000048  }
0xb6: {  	_ =	sfence  }
0xb7: {  	s30 =	sld [smem:$0x0];
	_ =	sdelay $0x2  }
0xb8: {  	s31 =	sshll.u32 s1, $0xD;
	s1 =	sshrl.u32 s1, $0x2  }
0xb9: {  	s3 =	sand.u32 $0x4000, s31;
	s1 =	sadd.s32 s1, s30  }
0xba: {  	s0 =	sor.u32 s3, s0;
	s1 =	sshll.u32 s1, $0x11  }
0xbb: {  	s0 =	sor.u32 s1, s0  }
0xbc: {  	s0 =	sadd.s32 $0x8F2B, s0  }
0xbd: {  	[sflag:s0] =	ssyncadd.remote.s32 $0x1  }
0xbe: {  	_ =	sfence.sel $0xFFFF  }
0xbf: {  	[dreg:$0x0] =	wrdreg $0xFFFFFFFF;
	(pc) =	sbr.abs _section_cstart, $3  }
0xc0: {  	[dreg:$0x1] =	wrdreg $0xFFFFFFFF  }
0xc1: {  	_ =	task.clear_ibuf [dreg:s6], $0x2FFFF;
	_ =	strace $0x9FFFFFFF  }
0xc2: {  	(tm) =	ssettm $0x7FFFFFFF  }
0xc3: {  	_ =	shalt  }
tec
execute0_lowered:
.L_overlay_start_1:
0x0: {  	(tag) =	ssettag $0x1  }
0x1: {  	s5 =	rddreg [dreg:$0x0]  }
0x2: {  	s2 =	rddreg [dreg:$0x1]  }
0x3: {  	s0 =	rddreg [dreg:$0x2];
	s4 =	srdreg.scid  }
0x4: {  	s3 =	simm.s32 $0x0;
	s1 =	stileid.u32;
	s13 =	simm.s32 $0x100  }
0x5: {  	s14 =	simm.s32 $0x50;
	s15 =	simm.s32 $0x200;
	s16 =	simm.s32 $0x80  }
0x6: {  	s17 =	simm.s32 $0x180;
	s18 =	simm.s32 $0x2A00;
	s19 =	simm.s32 $0x1  }
0x7: {  	s20 =	simm.s32 $0x2;
	s21 =	simm.s32 $0x0;
	s9 =	smul.u32 $0x14000, s1  }
0x8: {  	s6 =	sand.u32 $0x1, s4;
	s7 =	sshll.u32 s1, $0xE;
	s26 =	smul.u32 $0x2800, s1  }
0x9: {  	[smem:$0x7FF] =	sst s3;
	s28 =	smul.u32 $0x50000, s1;
	s31 =	sshll.u32 s1, $0x6  }
0xa: {  	s4 =	sshll.u32 s6, $0x12;
	s8 =	smul.u32 $0x140000, s6;
	_ =	strace $0x80000047  }
0xb: {  	s6 =	ssub.s32 $0x2, s6;
	s7 =	sor.u32 s7, s4;
	s4 =	sadd.s32 $0x4C600, s5  }
0xc: {  	s29 =	sshrl.u32 s6, $0x1;
	s30 =	sshrl.u32 s28, $0x2;
	s7 =	sshrl.u32 s7, $0x3  }
0xd: {  	s8 =	sadd.s32 s9, s8;
	s11 =	ssub.s32 s6, s29;
	s12 =	sadd.s32 s30, s2  }
0xe: {  	s10 =	sadd.s32 s7, s5;
	s8 =	sshrl.u32 s8, $0x3;
	s7 =	sadd.s32 s26, s5  }
0xf: {  	s6 =	sor.u32 $0x1C03, s31;
	s8 =	sadd.s32 s8, s5;
	s5 =	sadd.s32 $0x24600, s7  }
0x10: {  	s9 =	sadd.s32 $0x14600, s10;
	s10 =	sadd.s32 $0x4600, s10;
	s7 =	sadd.s32 $0x73800, s8  }
0x11: {  	s8 =	smax.u32 s11, $0x1;
	s11 =	sshrl.u32 s12, $0x3;
	s12 =	simm.s32 $0x3  }
.LBB2_1:
0x12: {  	[spmem:s11], [sflag:s6] =	dma.local [hbm:s5], $0x2800  }
0x13: {  	_ =	swait.ge [sflag:s12], $0x2800  }
0x14: {  	[sflag:s12] =	ssyncset.done $0x0  }
0x15: {  	[sflag:s12] =	ssyncadd.s32 $0xFFFFD800  }
0x16: {  	s22 =	sadd.s32 $0x0, s9;
	[bflag:$0x0] =	sbarrier.arrive $0xFFFF  }
0x17: {  	[tilespmem:s3], [sflag:$0x3] =	stream.linear.gather [hbm4b:s22+s3], $0x80, $0x38;
	[tilespmem:$0x19200] =	vst v63  }
0x18: {  	_ =	swait.ge [sflag:s12], $0x80  }
0x19: {  	[sflag:s12] =	ssyncset.done $0x0  }
0x1a: {  	s23 =	sadd.s32 $0x0, s10;
	[sflag:s12] =	ssyncadd.s32 $0xFFFFFF80  }
0x1b: {  	[tilespmem:s13], [sflag:$0x3] =	stream.linear.gather [hbm4b:s23+s3], $0x80, $0x38;
	[tilespmem:$0x19200] =	vst v63  }
0x1c: {  	_ =	swait.ge [sflag:s12], $0x80  }
0x1d: {  	[sflag:s12] =	ssyncset.done $0x0  }
0x1e: {  	[sflag:s12] =	ssyncadd.s32 $0xFFFFFF80  }
0x1f: {  	[tilespmem:s15], [sflag:$0x1] =	stream.indirect.gather [hbm4b:s4+s14], $0x80, s3, s14, $0xb8;
	[tilespmem:$0x19200] =	vst v63  }
0x20: {  	s22 =	sadd.s32 $0x10, s22  }
0x21: {  	[tilespmem:s16], [sflag:$0x3] =	stream.linear.gather [hbm4b:s22+s3], $0x80, $0x38;
	[tilespmem:$0x19200] =	vst v63  }
0x22: {  	_ =	swait.ge [sflag:s12], $0x80  }
0x23: {  	[sflag:s12] =	ssyncset.done $0x0  }
0x24: {  	s31 =	sadd.s32 $0x10, s23;
	[sflag:s12] =	ssyncadd.s32 $0xFFFFFF80  }
0x25: {  	[tilespmem:s17], [sflag:$0x3] =	stream.linear.gather [hbm4b:s31+s3], $0x80, $0x38;
	[tilespmem:$0x19200] =	vst v63  }
0x26: {  	_ =	swait.ge [sflag:s12], $0x80  }
0x27: {  	[sflag:s12] =	ssyncset.done $0x0  }
0x28: {  	[sflag:s12] =	ssyncadd.s32 $0xFFFFFF80  }
0x29: {  	[tilespmem:s18], [sflag:$0x2] =	stream.indirect.gather [hbm4b:s4+s14], $0x80, s16, s14, $0xb8;
	[tilespmem:$0x19200] =	vst v63  }
0x2a: {  	_ =	swait.ge [sflag:s19], $0x2800  }
0x2b: {  	[sflag:s19] =	ssyncset.done $0x0  }
0x2c: {  	[sflag:s19] =	ssyncadd.s32 $0xFFFFD800  }
0x2d: {  	[spmem:s2] =	stream.indirect.scatter.add.f32 [tilespmem:s15], [sflag:$0x3], $0x80, s13, s14, $0xb8;
	[tilespmem:$0x19200] =	vst v63  }
0x2e: {  	_ =	swait.ge [sflag:s12], $0x2800  }
0x2f: {  	[sflag:s12] =	ssyncset.done $0x0  }
0x30: {  	[sflag:s12] =	ssyncadd.s32 $0xFFFFD800  }
0x31: {  	_ =	swait.ge [sflag:s20], $0x2800  }
0x32: {  	[sflag:s20] =	ssyncset.done $0x0  }
0x33: {  	[sflag:s20] =	ssyncadd.s32 $0xFFFFD800  }
0x34: {  	[spmem:s2] =	stream.indirect.scatter.add.f32 [tilespmem:s18], [sflag:$0x3], $0x80, s17, s14, $0xb8;
	[tilespmem:$0x19200] =	vst v63  }
0x35: {  	_ =	swait.ge [sflag:s12], $0x2800  }
0x36: {  	s24 =	simm.s32 $0x40;
	s22 =	simm.s32 $0x20;
	[sflag:s12] =	ssyncset.done $0x0  }
.LBB2_2:
0x37: {  	s25 =	sadd.s32 s22, s9  }
0x38: {  	[sflag:s12] =	ssyncadd.s32 $0xFFFFD800;
	s26 =	smov.u32 s24;
	s23 =	sadd.s32 $0x20, s24  }
0x39: {  	[tilespmem:s3], [sflag:$0x3] =	stream.linear.gather [hbm4b:s25+s3], $0x80, $0x38;
	[tilespmem:$0x19200] =	vst v63  }
0x3a: {  	p0 =	sne.s32 s24, $0x7E0;
	_ =	swait.ge [sflag:s12], $0x80  }
0x3b: {  	[sflag:s12] =	ssyncset.done $0x0  }
0x3c: {  	s24 =	sadd.s32 s22, s10;
	s22 =	smov.u32 s26;
	[sflag:s12] =	ssyncadd.s32 $0xFFFFFF80  }
0x3d: {  	[tilespmem:s13], [sflag:$0x3] =	stream.linear.gather [hbm4b:s24+s3], $0x80, $0x38;
	[tilespmem:$0x19200] =	vst v63  }
0x3e: {  	_ =	swait.ge [sflag:s12], $0x80  }
0x3f: {  	[sflag:s12] =	ssyncset.done $0x0  }
0x40: {  	[sflag:s12] =	ssyncadd.s32 $0xFFFFFF80  }
0x41: {  	[tilespmem:s15], [sflag:$0x1] =	stream.indirect.gather [hbm4b:s4+s14], $0x80, s3, s14, $0xb8;
	[tilespmem:$0x19200] =	vst v63  }
0x42: {  	s25 =	sadd.s32 $0x10, s25  }
0x43: {  	[tilespmem:s16], [sflag:$0x3] =	stream.linear.gather [hbm4b:s25+s3], $0x80, $0x38;
	[tilespmem:$0x19200] =	vst v63  }
0x44: {  	_ =	swait.ge [sflag:s12], $0x80  }
0x45: {  	[sflag:s12] =	ssyncset.done $0x0  }
0x46: {  	s24 =	sadd.s32 $0x10, s24;
	[sflag:s12] =	ssyncadd.s32 $0xFFFFFF80  }
0x47: {  	[tilespmem:s17], [sflag:$0x3] =	stream.linear.gather [hbm4b:s24+s3], $0x80, $0x38;
	[tilespmem:$0x19200] =	vst v63  }
0x48: {  	_ =	swait.ge [sflag:s12], $0x80  }
0x49: {  	[sflag:s12] =	ssyncset.done $0x0  }
0x4a: {  	[sflag:s12] =	ssyncadd.s32 $0xFFFFFF80  }
0x4b: {  	[tilespmem:s18], [sflag:$0x2] =	stream.indirect.gather [hbm4b:s4+s14], $0x80, s16, s14, $0xb8;
	[tilespmem:$0x19200] =	vst v63  }
0x4c: {  	_ =	swait.ge [sflag:s19], $0x2800  }
0x4d: {  	[sflag:s19] =	ssyncset.done $0x0  }
0x4e: {  	[sflag:s19] =	ssyncadd.s32 $0xFFFFD800  }
0x4f: {  	[spmem:s2] =	stream.indirect.scatter.add.f32 [tilespmem:s15], [sflag:$0x3], $0x80, s13, s14, $0xb8;
	[tilespmem:$0x19200] =	vst v63  }
0x50: {  	_ =	swait.ge [sflag:s12], $0x2800  }
0x51: {  	[sflag:s12] =	ssyncset.done $0x0  }
0x52: {  	[sflag:s12] =	ssyncadd.s32 $0xFFFFD800  }
0x53: {  	_ =	swait.ge [sflag:s20], $0x2800  }
.Ltmp0:
0x54: {  	[sflag:s20] =	ssyncset.done $0x0;
	(pc) =	sbr.rel @p0 .LBB2_2-.Ltmp0, $4  }
0x55: {  	[sflag:s20] =	ssyncadd.s32 $0xFFFFD800  }
0x56: {  	[spmem:s2] =	stream.indirect.scatter.add.f32 [tilespmem:s18], [sflag:$0x3], $0x80, s17, s14, $0xb8;
	[tilespmem:$0x19200] =	vst v63  }
0x57: {  	_ =	swait.ge [sflag:s12], $0x2800  }
0x58: {  	s24 =	smov.u32 s23;
	[sflag:s12] =	ssyncset.done $0x0  }
0x59: {  	s23 =	sadd.s32 s22, s9;
	[sflag:s12] =	ssyncadd.s32 $0xFFFFD800  }
0x5a: {  	[tilespmem:s3], [sflag:$0x3] =	stream.linear.gather [hbm4b:s23+s3], $0x80, $0x38;
	[tilespmem:$0x19200] =	vst v63  }
0x5b: {  	_ =	swait.ge [sflag:s12], $0x80  }
0x5c: {  	[sflag:s12] =	ssyncset.done $0x0  }
0x5d: {  	s31 =	sadd.s32 s22, s10;
	[sflag:s12] =	ssyncadd.s32 $0xFFFFFF80  }
0x5e: {  	[tilespmem:s13], [sflag:$0x3] =	stream.linear.gather [hbm4b:s31+s3], $0x80, $0x38;
	[tilespmem:$0x19200] =	vst v63  }
0x5f: {  	_ =	swait.ge [sflag:s12], $0x80  }
0x60: {  	[sflag:s12] =	ssyncset.done $0x0  }
0x61: {  	[sflag:s12] =	ssyncadd.s32 $0xFFFFFF80  }
0x62: {  	[tilespmem:s15], [sflag:$0x1] =	stream.indirect.gather [hbm4b:s4+s14], $0x80, s3, s14, $0xb8;
	[tilespmem:$0x19200] =	vst v63  }
0x63: {  	s23 =	sadd.s32 $0x10, s23  }
0x64: {  	[tilespmem:s16], [sflag:$0x3] =	stream.linear.gather [hbm4b:s23+s3], $0x80, $0x38;
	[tilespmem:$0x19200] =	vst v63  }
0x65: {  	_ =	swait.ge [sflag:s12], $0x80  }
0x66: {  	[sflag:s12] =	ssyncset.done $0x0  }
0x67: {  	s22 =	sadd.s32 $0x10, s31;
	[sflag:s12] =	ssyncadd.s32 $0xFFFFFF80  }
0x68: {  	[tilespmem:s17], [sflag:$0x3] =	stream.linear.gather [hbm4b:s22+s3], $0x80, $0x38;
	[tilespmem:$0x19200] =	vst v63  }
0x69: {  	_ =	swait.ge [sflag:s12], $0x80  }
0x6a: {  	[sflag:s12] =	ssyncset.done $0x0  }
0x6b: {  	[sflag:s12] =	ssyncadd.s32 $0xFFFFFF80  }
0x6c: {  	[tilespmem:s18], [sflag:$0x2] =	stream.indirect.gather [hbm4b:s4+s14], $0x80, s16, s14, $0xb8;
	[tilespmem:$0x19200] =	vst v63  }
0x6d: {  	_ =	swait.ge [sflag:s19], $0x2800  }
0x6e: {  	[sflag:s19] =	ssyncset.done $0x0  }
0x6f: {  	[sflag:s19] =	ssyncadd.s32 $0xFFFFD800  }
0x70: {  	[spmem:s2] =	stream.indirect.scatter.add.f32 [tilespmem:s15], [sflag:$0x3], $0x80, s13, s14, $0xb8;
	[tilespmem:$0x19200] =	vst v63  }
0x71: {  	_ =	swait.ge [sflag:s12], $0x2800  }
0x72: {  	[sflag:s12] =	ssyncset.done $0x0  }
0x73: {  	[sflag:s12] =	ssyncadd.s32 $0xFFFFD800  }
0x74: {  	_ =	swait.ge [sflag:s20], $0x2800  }
0x75: {  	[sflag:s20] =	ssyncset.done $0x0  }
0x76: {  	[sflag:s20] =	ssyncadd.s32 $0xFFFFD800  }
0x77: {  	[spmem:s2] =	stream.indirect.scatter.add.f32 [tilespmem:s18], [sflag:$0x3], $0x80, s17, s14, $0xb8;
	[tilespmem:$0x19200] =	vst v63  }
0x78: {  	_ =	swait.ge [sflag:s12], $0x2800  }
0x79: {  	s21 =	sadd.s32 $0x1, s21;
	[sflag:s12] =	ssyncset.done $0x0  }
0x7a: {  	p0 =	sne.s32 s21, s8;
	[sflag:s12] =	ssyncadd.s32 $0xFFFFD800  }
.Ltmp1:
0x7b: {  	[bflag:$0x0] =	sbarrier.arrive $0xFFFF;
	(pc) =	sbr.rel @p0 .LBB2_1-.Ltmp1, $4  }
0x7c: {  	[hbm:s7], [sflag:s6] =	dma.local [spmem:s11], $0x2800  }
0x7d: {  	_ =	swait.ge [sflag:s12], $0x2800  }
0x7e: {  	[sflag:s12] =	ssyncset.done $0x0  }
0x7f: {  	[sflag:s12] =	ssyncadd.s32 $0xFFFFD800  }
0x80: {  	_ =	sfence.sel $0x180000  }
0x81: {  	[bflag:$0x0] =	sbarrier.arrive $0xFFFF  }
0x82: {  	p0 =	sne.s32 s1, $0x0;
	_ =	strace $0x90000047  }
0x83: {  	s0 =	sadd.s32 @!p0 $0x100000, s0;
	[bflag:$0x2] =	sbarrier.arrive $0xFFFF  }
0x84: {  	[sflag:s0] =	ssyncadd.tile.s32 @!p0 $0x1;
	_ =	shalt  }
.Lfunc_end2:
_tile_overlayer_lowered:
.L_overlay_start_2:
0x85: {  	(tag) =	ssettag $0x2  }
0x86: {  	s0 =	rddreg [dreg:$0x0];
	s2 =	stileid.u32  }
0x87: {  	s1 =	rddreg [dreg:$0x1];
	p0 =	sne.s32 s2, $0x0  }
0x88: {  	s3 =	rddreg [dreg:$0x2];
	[bflag:$0x3] =	sbarrier.arrive $0xFFFF;
	s2 =	simm.s32 @!p0 $0x1C03  }
0x89: {  	[timem:s3], [sflag:s2] =	dma.local @!p0 [hbm:s0], s1  }
0x8a: {  	s0 =	simm.s32 @!p0 $0x3  }
0x8b: {  	_ =	swait.ge @!p0 [sflag:s0], s1  }
0x8c: {  	s1 =	ssub.s32 @!p0 $0x0, s1;
	[sflag:s0] =	ssyncset.done @!p0 $0x0  }
0x8d: {  	[sflag:s0] =	ssyncadd.s32 @!p0 s1  }
0x8e: {  	[bflag:$0x3] =	sbarrier.arrive $0xFFFF  }
0x8f: {  	_ =	shalt  }

// kernel: kernel.15.cloned.1.call-start
scs
__scs_entry_jumppad:
0x0: {  	(pc) =	sbr.rel $0x88, $3  }
0x1: {  	(tag) =	ssettag $0x0;
	lr =	simm.s32 $0x1  }
0x2: {  	[smem:$0x3F94] =	sst lr;
	_ =	strace $0xD0000000  }
0x3: {  	_ = 	snop  }
0x4: {  	_ = 	snop  }
0x5: {  	_ = 	snop  }
0x6: {  	_ = 	snop  }
0x7: {  	_ = 	snop  }
__scs_overlays_trampoline_lowered:
0x8: {  	[smem:$0x3FA3] =	sst s0  }
0x9: {  	[smem:$0x3FA4] =	sst s1  }
0xa: {  	[smem:$0x3FA5] =	sst s2  }
0xb: {  	[smem:$0x3FA6] =	sst s3  }
0xc: {  	[smem:$0x3FA7] =	sst s4  }
0xd: {  	[smem:$0x3FA8] =	sst s5  }
0xe: {  	[smem:$0x3FA9] =	sst s6  }
0xf: {  	[smem:$0x3FAA] =	sst s7  }
0x10: {  	[smem:$0x3FAB] =	sst s8  }
0x11: {  	[smem:$0x3FAC] =	sst s9;
	s0 =	simm.s32 @!p0 $0x0  }
0x12: {  	s1 =	sld [smem:$0x3F92];
	s0 =	simm.s32 @p0 $0x1  }
0x13: {  	[smem:$0x3FAD] =	sst s0;
	s0 =	simm.s32 @!p1 $0x0  }
0x14: {  	s2 =	sld [smem:$0x3F91];
	s0 =	simm.s32 @p1 $0x1  }
0x15: {  	[smem:$0x3FAE] =	sst s0;
	s0 =	simm.s32 @!p2 $0x0  }
0x16: {  	s3 =	sld [smem:$0x3FDB];
	s0 =	simm.s32 @p2 $0x1  }
0x17: {  	s4 =	simm.s32 $0x1BF5;
	[smem:$0x3FB0] =	sst s0  }
0x18: {  	s0 =	sld [smem:$0x3F93];
	_ =	swait.ge [sflag:s4], $0x0  }
0x19: {  	s7 =	sld [smem:$0x3F94]  }
0x1a: {  	s8 =	sadd.s32 $0xFFFFE003, lr  }
0x1b: {  	s9 =	sadd.s32 $0xFFFFFEF7, lr;
	s5 =	simm.s32 $0xFFFFFFFF;
	p2 =	slt.u32 s8, $0xFFFFF086  }
0x1c: {  	p1 =	slt.u32 s9, $0xF7A;
	s5 =	simm.s32 @!p2 $0x0  }
0x1d: {  	s5 =	simm.s32 @p1 $0x1;
	p0 =	seq.s32 s7, s2  }
0x1e: {  	s7 =	smul.u32 @!p0 $0xF7A, s2;
	p2 =	seq.s32 @!p0 s5, $0x0  }
0x1f: {  	s9 =	smul.u32 $0xF7A, s1;
	s8 =	simm.s32 @!p0 $0x1BF5;
	p2 =	por !p2, p0  }
0x20: {  	[sflag:s8] =	ssyncset.s32 @!p0 $0xFFFFF086;
	s6 =	sadd.s32 @!p0 s3, s7;
	s7 =	simm.s32 @!p0 $0x108  }
0x21: {  	s3 =	sadd.s32 s3, s9;
	s6 =	sadd.s32 @!p0 $0x88, s6;
	s7 =	simm.s32 @p2 $0x1082  }
0x22: {  	[simem:s7], [sflag:s8] =	dma.local @!p0 [hbm:s6], $0xF7A  }
0x23: {  	s9 =	sor.u32 $0xD0000000, s2;
	s6 =	simm.s32 $0x108;
	_ =	swait.ge @!p0 [sflag:s8], $0x0  }
0x24: {  	s3 =	sadd.s32 $0x88, s3;
	s6 =	simm.s32 @!p1 $0x1082;
	[sflag:s4] =	ssyncset.s32 $0xFFFFF086  }
0x25: {  	[simem:s6], [sflag:s4] =	dma.local [hbm:s3], $0xF7A  }
0x26: {  	[smem:$0x3F94] =	sst s1;
	(tag) =	ssettag s2;
	_ =	strace s9  }
0x27: {  	s1 =	sld [smem:$0x3FA4]  }
0x28: {  	s2 =	sld [smem:$0x3FA5]  }
0x29: {  	s4 =	sld [smem:$0x3FA7]  }
0x2a: {  	p0 =	seq.s32 s5, $0x0;
	s5 =	sld [smem:$0x3FA8]  }
0x2b: {  	s6 =	sld [smem:$0x3FA9]  }
0x2c: {  	s7 =	sld [smem:$0x3FAA]  }
0x2d: {  	s3 =	simm.s32 $0x108;
	s8 =	sld [smem:$0x3FAB]  }
0x2e: {  	s3 =	simm.s32 @!p0 $0x1082;
	s9 =	sld [smem:$0x3FAC]  }
0x2f: {  	lr =	sadd.s32 s0, s3;
	s0 =	sld [smem:$0x3FA3]  }
0x30: {  	s3 =	sld [smem:$0x3FA6]  }
0x31: {  	[smem:$0x3FAF] =	sst s10  }
0x32: {  	s10 =	sld [smem:$0x3FAD];
	_ =	sdelay $0x3  }
0x33: {  	p0 =	seq.s32 s10, $0x1;
	s10 =	sld [smem:$0x3FAF];
	_ =	sdelay $0x3  }
0x34: {  	[smem:$0x3FAF] =	sst s10  }
0x35: {  	s10 =	sld [smem:$0x3FAE];
	_ =	sdelay $0x3  }
0x36: {  	p1 =	seq.s32 s10, $0x1;
	s10 =	sld [smem:$0x3FAF];
	_ =	sdelay $0x3  }
0x37: {  	[smem:$0x3FAF] =	sst s10  }
0x38: {  	s10 =	sld [smem:$0x3FB0]  }
0x39: {  	_ = 	snop;
	(pc) =	sbr.ind lr, $3  }
0x3a: {  	_ = 	snop  }
0x3b: {  	_ = 	snop  }
0x3c: {  	p2 =	seq.s32 s10, $0x1;
	s10 =	sld [smem:$0x3FAF]  }
0x3d: {  	_ =	shalt  }
0x3e: {  	_ =	shalt  }
0x3f: {  	_ =	shalt  }
0x40: {  	_ =	shalt  }
0x41: {  	_ =	shalt  }
0x42: {  	_ =	shalt  }
0x43: {  	_ =	shalt  }
0x44: {  	_ =	shalt  }
0x45: {  	_ =	shalt  }
0x46: {  	_ =	shalt  }
0x47: {  	_ =	shalt  }
0x48: {  	_ =	shalt  }
0x49: {  	_ =	shalt  }
0x4a: {  	_ =	shalt  }
0x4b: {  	_ =	shalt  }
0x4c: {  	_ =	shalt  }
0x4d: {  	_ =	shalt  }
0x4e: {  	_ =	shalt  }
0x4f: {  	_ =	shalt  }
0x50: {  	_ =	shalt  }
0x51: {  	_ =	shalt  }
0x52: {  	_ =	shalt  }
0x53: {  	_ =	shalt  }
0x54: {  	_ =	shalt  }
0x55: {  	_ =	shalt  }
0x56: {  	_ =	shalt  }
0x57: {  	_ =	shalt  }
0x58: {  	_ =	shalt  }
0x59: {  	_ =	shalt  }
0x5a: {  	_ =	shalt  }
0x5b: {  	_ =	shalt  }
0x5c: {  	_ =	shalt  }
0x5d: {  	_ =	shalt  }
0x5e: {  	_ =	shalt  }
0x5f: {  	_ =	shalt  }
0x60: {  	_ =	shalt  }
0x61: {  	_ =	shalt  }
0x62: {  	_ =	shalt  }
0x63: {  	_ =	shalt  }
0x64: {  	_ =	shalt  }
0x65: {  	_ =	shalt  }
0x66: {  	_ =	shalt  }
0x67: {  	_ =	shalt  }
0x68: {  	_ =	shalt  }
0x69: {  	_ =	shalt  }
0x6a: {  	_ =	shalt  }
0x6b: {  	_ =	shalt  }
0x6c: {  	_ =	shalt  }
0x6d: {  	_ =	shalt  }
0x6e: {  	_ =	shalt  }
0x6f: {  	_ =	shalt  }
0x70: {  	_ =	shalt  }
0x71: {  	_ =	shalt  }
0x72: {  	_ =	shalt  }
0x73: {  	_ =	shalt  }
0x74: {  	_ =	shalt  }
0x75: {  	_ =	shalt  }
0x76: {  	_ =	shalt  }
0x77: {  	_ =	shalt  }
0x78: {  	_ =	shalt  }
0x79: {  	_ =	shalt  }
0x7a: {  	_ =	shalt  }
0x7b: {  	_ =	shalt  }
0x7c: {  	_ =	shalt  }
0x7d: {  	_ =	shalt  }
0x7e: {  	_ =	shalt  }
0x7f: {  	_ =	shalt  }
0x80: {  	_ =	shalt  }
0x81: {  	_ =	shalt  }
0x82: {  	_ =	shalt  }
0x83: {  	_ =	shalt  }
0x84: {  	_ =	shalt  }
0x85: {  	_ =	shalt  }
0x86: {  	_ =	shalt  }
0x87: {  	_ =	shalt  }
.Lfunc_end0:
.L_simem_size_0:
called_computation.1_lowered:
.L_overlay_start_0:
0x88: {  	s2 =	sld [smem:$0x3FD9]  }
0x89: {  	s3 =	sld [smem:$0x3FFE];
	_ =	sdelay $0x1  }
0x8a: {  	s1 =	srdreg.scid  }
0x8b: {  	s0 =	sand.u32 $0x1, s1  }
0x8c: {  	s16 =	sshll.u32 s0, $0xA;
	s2 =	sadd.s32 s3, s2  }
0x8d: {  	s2 =	sadd.s32 s2, s16  }
0x8e: {  	[smem:$0x3FBB] =	sst s2  }
0x8f: {  	_ = 	snop  }
0x90: {  	(tm) =	ssettm $0x1  }
0x91: {  	s17 =	sld [smem:$0x3FFB];
	_ =	sdelay $0x3  }
0x92: {  	_ =	strace s17  }
0x93: {  	s2 =	sld [smem:$0x3FFC];
	_ =	sdelay $0x3  }
0x94: {  	_ =	strace s2  }
0x95: {  	s2 =	sld [smem:$0x3FFD];
	_ =	sdelay $0x3  }
0x96: {  	_ =	strace s2  }
0x97: {  	_ =	strace $0x8FFFFFFF  }
0x98: {  	s18 =	sld [smem:$0x3FDB];
	_ =	sdelay $0x1  }
0x99: {  	s19 =	simm.s32 $_scs_section_size  }
0x9a: {  	s4 =	simm.s32 $_size__tile_overlayer_lowered;
	s5 =	simm.s32 $_tile_overlayer_lowered  }
0x9b: {  	s22 =	simm.s32 $0x1BFF;
	s21 =	sshll.u32 s5, $0x1;
	s2 =	sadd.s32 s19, s18  }
0x9c: {  	s6 =	simm.s32 $0x0;
	s20 =	sshll.u32 s4, $0x1;
	s4 =	sadd.s32 s21, s2  }
0x9d: {  	[timem:s6], [sflag:s22] =	dma.local [hbm:s4], s20  }
0x9e: {  	_ =	swait.ge [sflag:s22], s20  }
0x9f: {  	s3 =	ssub.s32 $0x0, s20;
	[sflag:s22] =	ssyncset.done $0x0  }
0xa0: {  	[sflag:s22] =	ssyncadd.s32 s3;
	_ =	sdelay $0x1  }
0xa1: {  	s23 =	simm.s32 $0x1B8B  }
0xa2: {  	_ =	swait.ge [sflag:s23], $0x1  }
0xa3: {  	[sflag:s23] =	ssyncset.done $0x0  }
0xa4: {  	s25 =	simm.s32 $0x1B8E;
	s24 =	sld [smem:$0x3FFE];
	[sflag:s23] =	ssyncadd.s32 $0xFFFFFFFF  }
0xa5: {  	s26 =	simm.s32 $execute0_lowered;
	[smem:$0x3FD2] =	sst s25  }
0xa6: {  	s4 =	sshll.u32 s26, $0x1;
	_ =	strace $0x80000049;
	[dreg:$0x1] =	wrdreg $0xFFFFFFFF  }
0xa7: {  	s28 =	simm.s32 $_size_execute0_lowered;
	s2 =	sadd.s32 s2, s4;
	[dreg:$0x0] =	wrdreg $0x0  }
0xa8: {  	s4 =	sshll.u32 s28, $0x1;
	[dreg:$0x2] =	wrdreg s2  }
0xa9: {  	[dreg:$0x3] =	wrdreg s4  }
0xaa: {  	[dreg:$0x4] =	wrdreg $0xC0  }
0xab: {  	_ =	task [dreg:s6], $0x5FFFF  }
0xac: {  	[dreg:$0x1] =	wrdreg $0xFFFFFFFF  }
0xad: {  	[dreg:$0x0] =	wrdreg $0x60  }
0xae: {  	[dreg:$0x2] =	wrdreg s24  }
0xaf: {  	[dreg:$0x3] =	wrdreg $0x52000  }
0xb0: {  	[dreg:$0x4] =	wrdreg $0x9  }
0xb1: {  	_ =	task.clear_ibuf [dreg:s6], $0x5FFFF;
	_ =	strace $0x90000049  }
0xb2: {  	s29 =	simm.s32 $0x9;
	_ =	strace $0x8000004B  }
0xb3: {  	_ =	swait.ge [sflag:s29], $0x1  }
0xb4: {  	[sflag:s29] =	ssyncadd.s32 $0xFFFFFFFF  }
0xb5: {  	_ =	strace $0x9000004B  }
0xb6: {  	_ =	sfence  }
0xb7: {  	s30 =	sld [smem:$0x0];
	_ =	sdelay $0x2  }
0xb8: {  	s31 =	sshll.u32 s1, $0xD;
	s1 =	sshrl.u32 s1, $0x2  }
0xb9: {  	s3 =	sand.u32 $0x4000, s31;
	s1 =	sadd.s32 s1, s30  }
0xba: {  	s0 =	sor.u32 s3, s0;
	s1 =	sshll.u32 s1, $0x11  }
0xbb: {  	s0 =	sor.u32 s1, s0  }
0xbc: {  	s0 =	sadd.s32 $0x8F2B, s0  }
0xbd: {  	[sflag:s0] =	ssyncadd.remote.s32 $0x1  }
0xbe: {  	_ =	sfence.sel $0xFFFF  }
0xbf: {  	[dreg:$0x0] =	wrdreg $0xFFFFFFFF;
	(pc) =	sbr.abs _section_cstart, $3  }
0xc0: {  	[dreg:$0x1] =	wrdreg $0xFFFFFFFF  }
0xc1: {  	_ =	task.clear_ibuf [dreg:s6], $0x2FFFF;
	_ =	strace $0x9FFFFFFF  }
0xc2: {  	(tm) =	ssettm $0x7FFFFFFF  }
0xc3: {  	_ =	shalt  }
tec
execute0_lowered:
.L_overlay_start_1:
0x0: {  	(tag) =	ssettag $0x1  }
0x1: {  	s5 =	rddreg [dreg:$0x0]  }
0x2: {  	s2 =	rddreg [dreg:$0x1]  }
0x3: {  	s0 =	rddreg [dreg:$0x2];
	s4 =	srdreg.scid  }
0x4: {  	s3 =	simm.s32 $0x0;
	s1 =	stileid.u32;
	s13 =	simm.s32 $0x100  }
0x5: {  	s14 =	simm.s32 $0x50;
	s15 =	simm.s32 $0x200;
	s16 =	simm.s32 $0x80  }
0x6: {  	s17 =	simm.s32 $0x180;
	s18 =	simm.s32 $0x2A00;
	s19 =	simm.s32 $0x1  }
0x7: {  	s20 =	simm.s32 $0x2;
	s21 =	simm.s32 $0x0;
	s9 =	smul.u32 $0x14000, s1  }
0x8: {  	s6 =	sand.u32 $0x1, s4;
	s7 =	sshll.u32 s1, $0xE;
	s26 =	smul.u32 $0x2800, s1  }
0x9: {  	[smem:$0x7FF] =	sst s3;
	s28 =	smul.u32 $0x50000, s1;
	s31 =	sshll.u32 s1, $0x6  }
0xa: {  	s4 =	sshll.u32 s6, $0x12;
	s8 =	smul.u32 $0x140000, s6;
	_ =	strace $0x8000004A  }
0xb: {  	s6 =	ssub.s32 $0x2, s6;
	s7 =	sor.u32 s7, s4;
	s4 =	sadd.s32 $0x4C600, s5  }
0xc: {  	s29 =	sshrl.u32 s6, $0x1;
	s30 =	sshrl.u32 s28, $0x2;
	s7 =	sshrl.u32 s7, $0x3  }
0xd: {  	s8 =	sadd.s32 s9, s8;
	s11 =	ssub.s32 s6, s29;
	s12 =	sadd.s32 s30, s2  }
0xe: {  	s10 =	sadd.s32 s7, s5;
	s8 =	sshrl.u32 s8, $0x3;
	s7 =	sadd.s32 s26, s5  }
0xf: {  	s6 =	sor.u32 $0x1C03, s31;
	s8 =	sadd.s32 s8, s5;
	s5 =	sadd.s32 $0x24600, s7  }
0x10: {  	s9 =	sadd.s32 $0x14600, s10;
	s10 =	sadd.s32 $0x4600, s10;
	s7 =	sadd.s32 $0xC3800, s8  }
0x11: {  	s8 =	smax.u32 s11, $0x1;
	s11 =	sshrl.u32 s12, $0x3;
	s12 =	simm.s32 $0x3  }
.LBB2_1:
0x12: {  	[spmem:s11], [sflag:s6] =	dma.local [hbm:s5], $0x2800  }
0x13: {  	_ =	swait.ge [sflag:s12], $0x2800  }
0x14: {  	[sflag:s12] =	ssyncset.done $0x0  }
0x15: {  	[sflag:s12] =	ssyncadd.s32 $0xFFFFD800  }
0x16: {  	s22 =	sadd.s32 $0x0, s9;
	[bflag:$0x0] =	sbarrier.arrive $0xFFFF  }
0x17: {  	[tilespmem:s3], [sflag:$0x3] =	stream.linear.gather [hbm4b:s22+s3], $0x80, $0x38;
	[tilespmem:$0x19200] =	vst v63  }
0x18: {  	_ =	swait.ge [sflag:s12], $0x80  }
0x19: {  	[sflag:s12] =	ssyncset.done $0x0  }
0x1a: {  	s23 =	sadd.s32 $0x0, s10;
	[sflag:s12] =	ssyncadd.s32 $0xFFFFFF80  }
0x1b: {  	[tilespmem:s13], [sflag:$0x3] =	stream.linear.gather [hbm4b:s23+s3], $0x80, $0x38;
	[tilespmem:$0x19200] =	vst v63  }
0x1c: {  	_ =	swait.ge [sflag:s12], $0x80  }
0x1d: {  	[sflag:s12] =	ssyncset.done $0x0  }
0x1e: {  	[sflag:s12] =	ssyncadd.s32 $0xFFFFFF80  }
0x1f: {  	[tilespmem:s15], [sflag:$0x1] =	stream.indirect.gather [hbm4b:s4+s14], $0x80, s3, s14, $0xb8;
	[tilespmem:$0x19200] =	vst v63  }
0x20: {  	s22 =	sadd.s32 $0x10, s22  }
0x21: {  	[tilespmem:s16], [sflag:$0x3] =	stream.linear.gather [hbm4b:s22+s3], $0x80, $0x38;
	[tilespmem:$0x19200] =	vst v63  }
0x22: {  	_ =	swait.ge [sflag:s12], $0x80  }
0x23: {  	[sflag:s12] =	ssyncset.done $0x0  }
0x24: {  	s31 =	sadd.s32 $0x10, s23;
	[sflag:s12] =	ssyncadd.s32 $0xFFFFFF80  }
0x25: {  	[tilespmem:s17], [sflag:$0x3] =	stream.linear.gather [hbm4b:s31+s3], $0x80, $0x38;
	[tilespmem:$0x19200] =	vst v63  }
0x26: {  	_ =	swait.ge [sflag:s12], $0x80  }
0x27: {  	[sflag:s12] =	ssyncset.done $0x0  }
0x28: {  	[sflag:s12] =	ssyncadd.s32 $0xFFFFFF80  }
0x29: {  	[tilespmem:s18], [sflag:$0x2] =	stream.indirect.gather [hbm4b:s4+s14], $0x80, s16, s14, $0xb8;
	[tilespmem:$0x19200] =	vst v63  }
0x2a: {  	_ =	swait.ge [sflag:s19], $0x2800  }
0x2b: {  	[sflag:s19] =	ssyncset.done $0x0  }
0x2c: {  	[sflag:s19] =	ssyncadd.s32 $0xFFFFD800  }
0x2d: {  	[spmem:s2] =	stream.indirect.scatter.add.f32 [tilespmem:s15], [sflag:$0x3], $0x80, s13, s14, $0xb8;
	[tilespmem:$0x19200] =	vst v63  }
0x2e: {  	_ =	swait.ge [sflag:s12], $0x2800  }
0x2f: {  	[sflag:s12] =	ssyncset.done $0x0  }
0x30: {  	[sflag:s12] =	ssyncadd.s32 $0xFFFFD800  }
0x31: {  	_ =	swait.ge [sflag:s20], $0x2800  }
0x32: {  	[sflag:s20] =	ssyncset.done $0x0  }
0x33: {  	[sflag:s20] =	ssyncadd.s32 $0xFFFFD800  }
0x34: {  	[spmem:s2] =	stream.indirect.scatter.add.f32 [tilespmem:s18], [sflag:$0x3], $0x80, s17, s14, $0xb8;
	[tilespmem:$0x19200] =	vst v63  }
0x35: {  	_ =	swait.ge [sflag:s12], $0x2800  }
0x36: {  	s24 =	simm.s32 $0x40;
	s22 =	simm.s32 $0x20;
	[sflag:s12] =	ssyncset.done $0x0  }
.LBB2_2:
0x37: {  	s25 =	sadd.s32 s22, s9  }
0x38: {  	[sflag:s12] =	ssyncadd.s32 $0xFFFFD800;
	s26 =	smov.u32 s24;
	s23 =	sadd.s32 $0x20, s24  }
0x39: {  	[tilespmem:s3], [sflag:$0x3] =	stream.linear.gather [hbm4b:s25+s3], $0x80, $0x38;
	[tilespmem:$0x19200] =	vst v63  }
0x3a: {  	p0 =	sne.s32 s24, $0x7E0;
	_ =	swait.ge [sflag:s12], $0x80  }
0x3b: {  	[sflag:s12] =	ssyncset.done $0x0  }
0x3c: {  	s24 =	sadd.s32 s22, s10;
	s22 =	smov.u32 s26;
	[sflag:s12] =	ssyncadd.s32 $0xFFFFFF80  }
0x3d: {  	[tilespmem:s13], [sflag:$0x3] =	stream.linear.gather [hbm4b:s24+s3], $0x80, $0x38;
	[tilespmem:$0x19200] =	vst v63  }
0x3e: {  	_ =	swait.ge [sflag:s12], $0x80  }
0x3f: {  	[sflag:s12] =	ssyncset.done $0x0  }
0x40: {  	[sflag:s12] =	ssyncadd.s32 $0xFFFFFF80  }
0x41: {  	[tilespmem:s15], [sflag:$0x1] =	stream.indirect.gather [hbm4b:s4+s14], $0x80, s3, s14, $0xb8;
	[tilespmem:$0x19200] =	vst v63  }
0x42: {  	s25 =	sadd.s32 $0x10, s25  }
0x43: {  	[tilespmem:s16], [sflag:$0x3] =	stream.linear.gather [hbm4b:s25+s3], $0x80, $0x38;
	[tilespmem:$0x19200] =	vst v63  }
0x44: {  	_ =	swait.ge [sflag:s12], $0x80  }
0x45: {  	[sflag:s12] =	ssyncset.done $0x0  }
0x46: {  	s24 =	sadd.s32 $0x10, s24;
	[sflag:s12] =	ssyncadd.s32 $0xFFFFFF80  }
0x47: {  	[tilespmem:s17], [sflag:$0x3] =	stream.linear.gather [hbm4b:s24+s3], $0x80, $0x38;
	[tilespmem:$0x19200] =	vst v63  }
0x48: {  	_ =	swait.ge [sflag:s12], $0x80  }
0x49: {  	[sflag:s12] =	ssyncset.done $0x0  }
0x4a: {  	[sflag:s12] =	ssyncadd.s32 $0xFFFFFF80  }
0x4b: {  	[tilespmem:s18], [sflag:$0x2] =	stream.indirect.gather [hbm4b:s4+s14], $0x80, s16, s14, $0xb8;
	[tilespmem:$0x19200] =	vst v63  }
0x4c: {  	_ =	swait.ge [sflag:s19], $0x2800  }
0x4d: {  	[sflag:s19] =	ssyncset.done $0x0  }
0x4e: {  	[sflag:s19] =	ssyncadd.s32 $0xFFFFD800  }
0x4f: {  	[spmem:s2] =	stream.indirect.scatter.add.f32 [tilespmem:s15], [sflag:$0x3], $0x80, s13, s14, $0xb8;
	[tilespmem:$0x19200] =	vst v63  }
0x50: {  	_ =	swait.ge [sflag:s12], $0x2800  }
0x51: {  	[sflag:s12] =	ssyncset.done $0x0  }
0x52: {  	[sflag:s12] =	ssyncadd.s32 $0xFFFFD800  }
0x53: {  	_ =	swait.ge [sflag:s20], $0x2800  }
.Ltmp0:
0x54: {  	[sflag:s20] =	ssyncset.done $0x0;
	(pc) =	sbr.rel @p0 .LBB2_2-.Ltmp0, $4  }
0x55: {  	[sflag:s20] =	ssyncadd.s32 $0xFFFFD800  }
0x56: {  	[spmem:s2] =	stream.indirect.scatter.add.f32 [tilespmem:s18], [sflag:$0x3], $0x80, s17, s14, $0xb8;
	[tilespmem:$0x19200] =	vst v63  }
0x57: {  	_ =	swait.ge [sflag:s12], $0x2800  }
0x58: {  	s24 =	smov.u32 s23;
	[sflag:s12] =	ssyncset.done $0x0  }
0x59: {  	s23 =	sadd.s32 s22, s9;
	[sflag:s12] =	ssyncadd.s32 $0xFFFFD800  }
0x5a: {  	[tilespmem:s3], [sflag:$0x3] =	stream.linear.gather [hbm4b:s23+s3], $0x80, $0x38;
	[tilespmem:$0x19200] =	vst v63  }
0x5b: {  	_ =	swait.ge [sflag:s12], $0x80  }
0x5c: {  	[sflag:s12] =	ssyncset.done $0x0  }
0x5d: {  	s31 =	sadd.s32 s22, s10;
	[sflag:s12] =	ssyncadd.s32 $0xFFFFFF80  }
0x5e: {  	[tilespmem:s13], [sflag:$0x3] =	stream.linear.gather [hbm4b:s31+s3], $0x80, $0x38;
	[tilespmem:$0x19200] =	vst v63  }
0x5f: {  	_ =	swait.ge [sflag:s12], $0x80  }
0x60: {  	[sflag:s12] =	ssyncset.done $0x0  }
0x61: {  	[sflag:s12] =	ssyncadd.s32 $0xFFFFFF80  }
0x62: {  	[tilespmem:s15], [sflag:$0x1] =	stream.indirect.gather [hbm4b:s4+s14], $0x80, s3, s14, $0xb8;
	[tilespmem:$0x19200] =	vst v63  }
0x63: {  	s23 =	sadd.s32 $0x10, s23  }
0x64: {  	[tilespmem:s16], [sflag:$0x3] =	stream.linear.gather [hbm4b:s23+s3], $0x80, $0x38;
	[tilespmem:$0x19200] =	vst v63  }
0x65: {  	_ =	swait.ge [sflag:s12], $0x80  }
0x66: {  	[sflag:s12] =	ssyncset.done $0x0  }
0x67: {  	s22 =	sadd.s32 $0x10, s31;
	[sflag:s12] =	ssyncadd.s32 $0xFFFFFF80  }
0x68: {  	[tilespmem:s17], [sflag:$0x3] =	stream.linear.gather [hbm4b:s22+s3], $0x80, $0x38;
	[tilespmem:$0x19200] =	vst v63  }
0x69: {  	_ =	swait.ge [sflag:s12], $0x80  }
0x6a: {  	[sflag:s12] =	ssyncset.done $0x0  }
0x6b: {  	[sflag:s12] =	ssyncadd.s32 $0xFFFFFF80  }
0x6c: {  	[tilespmem:s18], [sflag:$0x2] =	stream.indirect.gather [hbm4b:s4+s14], $0x80, s16, s14, $0xb8;
	[tilespmem:$0x19200] =	vst v63  }
0x6d: {  	_ =	swait.ge [sflag:s19], $0x2800  }
0x6e: {  	[sflag:s19] =	ssyncset.done $0x0  }
0x6f: {  	[sflag:s19] =	ssyncadd.s32 $0xFFFFD800  }
0x70: {  	[spmem:s2] =	stream.indirect.scatter.add.f32 [tilespmem:s15], [sflag:$0x3], $0x80, s13, s14, $0xb8;
	[tilespmem:$0x19200] =	vst v63  }
0x71: {  	_ =	swait.ge [sflag:s12], $0x2800  }
0x72: {  	[sflag:s12] =	ssyncset.done $0x0  }
0x73: {  	[sflag:s12] =	ssyncadd.s32 $0xFFFFD800  }
0x74: {  	_ =	swait.ge [sflag:s20], $0x2800  }
0x75: {  	[sflag:s20] =	ssyncset.done $0x0  }
0x76: {  	[sflag:s20] =	ssyncadd.s32 $0xFFFFD800  }
0x77: {  	[spmem:s2] =	stream.indirect.scatter.add.f32 [tilespmem:s18], [sflag:$0x3], $0x80, s17, s14, $0xb8;
	[tilespmem:$0x19200] =	vst v63  }
0x78: {  	_ =	swait.ge [sflag:s12], $0x2800  }
0x79: {  	s21 =	sadd.s32 $0x1, s21;
	[sflag:s12] =	ssyncset.done $0x0  }
0x7a: {  	p0 =	sne.s32 s21, s8;
	[sflag:s12] =	ssyncadd.s32 $0xFFFFD800  }
.Ltmp1:
0x7b: {  	[bflag:$0x0] =	sbarrier.arrive $0xFFFF;
	(pc) =	sbr.rel @p0 .LBB2_1-.Ltmp1, $4  }
0x7c: {  	[hbm:s7], [sflag:s6] =	dma.local [spmem:s11], $0x2800  }
0x7d: {  	_ =	swait.ge [sflag:s12], $0x2800  }
0x7e: {  	[sflag:s12] =	ssyncset.done $0x0  }
0x7f: {  	[sflag:s12] =	ssyncadd.s32 $0xFFFFD800  }
0x80: {  	_ =	sfence.sel $0x180000  }
0x81: {  	[bflag:$0x0] =	sbarrier.arrive $0xFFFF  }
0x82: {  	p0 =	sne.s32 s1, $0x0;
	_ =	strace $0x9000004A  }
0x83: {  	s0 =	sadd.s32 @!p0 $0x100000, s0;
	[bflag:$0x2] =	sbarrier.arrive $0xFFFF  }
0x84: {  	[sflag:s0] =	ssyncadd.tile.s32 @!p0 $0x1;
	_ =	shalt  }
.Lfunc_end2:
_tile_overlayer_lowered:
.L_overlay_start_2:
0x85: {  	(tag) =	ssettag $0x2  }
0x86: {  	s0 =	rddreg [dreg:$0x0];
	s2 =	stileid.u32  }
0x87: {  	s1 =	rddreg [dreg:$0x1];
	p0 =	sne.s32 s2, $0x0  }
0x88: {  	s3 =	rddreg [dreg:$0x2];
	[bflag:$0x3] =	sbarrier.arrive $0xFFFF;
	s2 =	simm.s32 @!p0 $0x1C03  }
0x89: {  	[timem:s3], [sflag:s2] =	dma.local @!p0 [hbm:s0], s1  }
0x8a: {  	s0 =	simm.s32 @!p0 $0x3  }
0x8b: {  	_ =	swait.ge @!p0 [sflag:s0], s1  }
0x8c: {  	s1 =	ssub.s32 @!p0 $0x0, s1;
	[sflag:s0] =	ssyncset.done @!p0 $0x0  }
0x8d: {  	[sflag:s0] =	ssyncadd.s32 @!p0 s1  }
0x8e: {  	[bflag:$0x3] =	sbarrier.arrive $0xFFFF  }
0x8f: {  	_ =	shalt  }

// kernel: kernel.18.cloned.1.call-start
scs
__scs_entry_jumppad:
0x0: {  	(pc) =	sbr.rel $0x88, $3  }
0x1: {  	(tag) =	ssettag $0x0;
	lr =	simm.s32 $0x1  }
0x2: {  	[smem:$0x3F94] =	sst lr;
	_ =	strace $0xD0000000  }
0x3: {  	_ = 	snop  }
0x4: {  	_ = 	snop  }
0x5: {  	_ = 	snop  }
0x6: {  	_ = 	snop  }
0x7: {  	_ = 	snop  }
__scs_overlays_trampoline_lowered:
0x8: {  	[smem:$0x3FA3] =	sst s0  }
0x9: {  	[smem:$0x3FA4] =	sst s1  }
0xa: {  	[smem:$0x3FA5] =	sst s2  }
0xb: {  	[smem:$0x3FA6] =	sst s3  }
0xc: {  	[smem:$0x3FA7] =	sst s4  }
0xd: {  	[smem:$0x3FA8] =	sst s5  }
0xe: {  	[smem:$0x3FA9] =	sst s6  }
0xf: {  	[smem:$0x3FAA] =	sst s7  }
0x10: {  	[smem:$0x3FAB] =	sst s8  }
0x11: {  	[smem:$0x3FAC] =	sst s9;
	s0 =	simm.s32 @!p0 $0x0  }
0x12: {  	s1 =	sld [smem:$0x3F92];
	s0 =	simm.s32 @p0 $0x1  }
0x13: {  	[smem:$0x3FAD] =	sst s0;
	s0 =	simm.s32 @!p1 $0x0  }
0x14: {  	s2 =	sld [smem:$0x3F91];
	s0 =	simm.s32 @p1 $0x1  }
0x15: {  	[smem:$0x3FAE] =	sst s0;
	s0 =	simm.s32 @!p2 $0x0  }
0x16: {  	s3 =	sld [smem:$0x3FDB];
	s0 =	simm.s32 @p2 $0x1  }
0x17: {  	s4 =	simm.s32 $0x1BF5;
	[smem:$0x3FB0] =	sst s0  }
0x18: {  	s0 =	sld [smem:$0x3F93];
	_ =	swait.ge [sflag:s4], $0x0  }
0x19: {  	s7 =	sld [smem:$0x3F94]  }
0x1a: {  	s8 =	sadd.s32 $0xFFFFE003, lr  }
0x1b: {  	s9 =	sadd.s32 $0xFFFFFEF7, lr;
	s5 =	simm.s32 $0xFFFFFFFF;
	p2 =	slt.u32 s8, $0xFFFFF086  }
0x1c: {  	p1 =	slt.u32 s9, $0xF7A;
	s5 =	simm.s32 @!p2 $0x0  }
0x1d: {  	s5 =	simm.s32 @p1 $0x1;
	p0 =	seq.s32 s7, s2  }
0x1e: {  	s7 =	smul.u32 @!p0 $0xF7A, s2;
	p2 =	seq.s32 @!p0 s5, $0x0  }
0x1f: {  	s9 =	smul.u32 $0xF7A, s1;
	s8 =	simm.s32 @!p0 $0x1BF5;
	p2 =	por !p2, p0  }
0x20: {  	[sflag:s8] =	ssyncset.s32 @!p0 $0xFFFFF086;
	s6 =	sadd.s32 @!p0 s3, s7;
	s7 =	simm.s32 @!p0 $0x108  }
0x21: {  	s3 =	sadd.s32 s3, s9;
	s6 =	sadd.s32 @!p0 $0x88, s6;
	s7 =	simm.s32 @p2 $0x1082  }
0x22: {  	[simem:s7], [sflag:s8] =	dma.local @!p0 [hbm:s6], $0xF7A  }
0x23: {  	s9 =	sor.u32 $0xD0000000, s2;
	s6 =	simm.s32 $0x108;
	_ =	swait.ge @!p0 [sflag:s8], $0x0  }
0x24: {  	s3 =	sadd.s32 $0x88, s3;
	s6 =	simm.s32 @!p1 $0x1082;
	[sflag:s4] =	ssyncset.s32 $0xFFFFF086  }
0x25: {  	[simem:s6], [sflag:s4] =	dma.local [hbm:s3], $0xF7A  }
0x26: {  	[smem:$0x3F94] =	sst s1;
	(tag) =	ssettag s2;
	_ =	strace s9  }
0x27: {  	s1 =	sld [smem:$0x3FA4]  }
0x28: {  	s2 =	sld [smem:$0x3FA5]  }
0x29: {  	s4 =	sld [smem:$0x3FA7]  }
0x2a: {  	p0 =	seq.s32 s5, $0x0;
	s5 =	sld [smem:$0x3FA8]  }
0x2b: {  	s6 =	sld [smem:$0x3FA9]  }
0x2c: {  	s7 =	sld [smem:$0x3FAA]  }
0x2d: {  	s3 =	simm.s32 $0x108;
	s8 =	sld [smem:$0x3FAB]  }
0x2e: {  	s3 =	simm.s32 @!p0 $0x1082;
	s9 =	sld [smem:$0x3FAC]  }
0x2f: {  	lr =	sadd.s32 s0, s3;
	s0 =	sld [smem:$0x3FA3]  }
0x30: {  	s3 =	sld [smem:$0x3FA6]  }
0x31: {  	[smem:$0x3FAF] =	sst s10  }
0x32: {  	s10 =	sld [smem:$0x3FAD];
	_ =	sdelay $0x3  }
0x33: {  	p0 =	seq.s32 s10, $0x1;
	s10 =	sld [smem:$0x3FAF];
	_ =	sdelay $0x3  }
0x34: {  	[smem:$0x3FAF] =	sst s10  }
0x35: {  	s10 =	sld [smem:$0x3FAE];
	_ =	sdelay $0x3  }
0x36: {  	p1 =	seq.s32 s10, $0x1;
	s10 =	sld [smem:$0x3FAF];
	_ =	sdelay $0x3  }
0x37: {  	[smem:$0x3FAF] =	sst s10  }
0x38: {  	s10 =	sld [smem:$0x3FB0]  }
0x39: {  	_ = 	snop;
	(pc) =	sbr.ind lr, $3  }
0x3a: {  	_ = 	snop  }
0x3b: {  	_ = 	snop  }
0x3c: {  	p2 =	seq.s32 s10, $0x1;
	s10 =	sld [smem:$0x3FAF]  }
0x3d: {  	_ =	shalt  }
0x3e: {  	_ =	shalt  }
0x3f: {  	_ =	shalt  }
0x40: {  	_ =	shalt  }
0x41: {  	_ =	shalt  }
0x42: {  	_ =	shalt  }
0x43: {  	_ =	shalt  }
0x44: {  	_ =	shalt  }
0x45: {  	_ =	shalt  }
0x46: {  	_ =	shalt  }
0x47: {  	_ =	shalt  }
0x48: {  	_ =	shalt  }
0x49: {  	_ =	shalt  }
0x4a: {  	_ =	shalt  }
0x4b: {  	_ =	shalt  }
0x4c: {  	_ =	shalt  }
0x4d: {  	_ =	shalt  }
0x4e: {  	_ =	shalt  }
0x4f: {  	_ =	shalt  }
0x50: {  	_ =	shalt  }
0x51: {  	_ =	shalt  }
0x52: {  	_ =	shalt  }
0x53: {  	_ =	shalt  }
0x54: {  	_ =	shalt  }
0x55: {  	_ =	shalt  }
0x56: {  	_ =	shalt  }
0x57: {  	_ =	shalt  }
0x58: {  	_ =	shalt  }
0x59: {  	_ =	shalt  }
0x5a: {  	_ =	shalt  }
0x5b: {  	_ =	shalt  }
0x5c: {  	_ =	shalt  }
0x5d: {  	_ =	shalt  }
0x5e: {  	_ =	shalt  }
0x5f: {  	_ =	shalt  }
0x60: {  	_ =	shalt  }
0x61: {  	_ =	shalt  }
0x62: {  	_ =	shalt  }
0x63: {  	_ =	shalt  }
0x64: {  	_ =	shalt  }
0x65: {  	_ =	shalt  }
0x66: {  	_ =	shalt  }
0x67: {  	_ =	shalt  }
0x68: {  	_ =	shalt  }
0x69: {  	_ =	shalt  }
0x6a: {  	_ =	shalt  }
0x6b: {  	_ =	shalt  }
0x6c: {  	_ =	shalt  }
0x6d: {  	_ =	shalt  }
0x6e: {  	_ =	shalt  }
0x6f: {  	_ =	shalt  }
0x70: {  	_ =	shalt  }
0x71: {  	_ =	shalt  }
0x72: {  	_ =	shalt  }
0x73: {  	_ =	shalt  }
0x74: {  	_ =	shalt  }
0x75: {  	_ =	shalt  }
0x76: {  	_ =	shalt  }
0x77: {  	_ =	shalt  }
0x78: {  	_ =	shalt  }
0x79: {  	_ =	shalt  }
0x7a: {  	_ =	shalt  }
0x7b: {  	_ =	shalt  }
0x7c: {  	_ =	shalt  }
0x7d: {  	_ =	shalt  }
0x7e: {  	_ =	shalt  }
0x7f: {  	_ =	shalt  }
0x80: {  	_ =	shalt  }
0x81: {  	_ =	shalt  }
0x82: {  	_ =	shalt  }
0x83: {  	_ =	shalt  }
0x84: {  	_ =	shalt  }
0x85: {  	_ =	shalt  }
0x86: {  	_ =	shalt  }
0x87: {  	_ =	shalt  }
.Lfunc_end0:
.L_simem_size_0:
called_computation.2_lowered:
.L_overlay_start_0:
0x88: {  	s2 =	sld [smem:$0x3FD9]  }
0x89: {  	s3 =	sld [smem:$0x3FFE];
	_ =	sdelay $0x1  }
0x8a: {  	s1 =	srdreg.scid  }
0x8b: {  	s0 =	sand.u32 $0x1, s1  }
0x8c: {  	s16 =	sshll.u32 s0, $0xA;
	s2 =	sadd.s32 s3, s2  }
0x8d: {  	s2 =	sadd.s32 s2, s16  }
0x8e: {  	[smem:$0x3FBB] =	sst s2  }
0x8f: {  	_ = 	snop  }
0x90: {  	(tm) =	ssettm $0x1  }
0x91: {  	s17 =	sld [smem:$0x3FFB];
	_ =	sdelay $0x3  }
0x92: {  	_ =	strace s17  }
0x93: {  	s2 =	sld [smem:$0x3FFC];
	_ =	sdelay $0x3  }
0x94: {  	_ =	strace s2  }
0x95: {  	s2 =	sld [smem:$0x3FFD];
	_ =	sdelay $0x3  }
0x96: {  	_ =	strace s2  }
0x97: {  	_ =	strace $0x8FFFFFFF  }
0x98: {  	s18 =	sld [smem:$0x3FDB];
	_ =	sdelay $0x1  }
0x99: {  	s19 =	simm.s32 $_scs_section_size  }
0x9a: {  	s4 =	simm.s32 $_size__tile_overlayer_lowered;
	s5 =	simm.s32 $_tile_overlayer_lowered  }
0x9b: {  	s22 =	simm.s32 $0x1BFF;
	s21 =	sshll.u32 s5, $0x1;
	s2 =	sadd.s32 s19, s18  }
0x9c: {  	s6 =	simm.s32 $0x0;
	s20 =	sshll.u32 s4, $0x1;
	s4 =	sadd.s32 s21, s2  }
0x9d: {  	[timem:s6], [sflag:s22] =	dma.local [hbm:s4], s20  }
0x9e: {  	_ =	swait.ge [sflag:s22], s20  }
0x9f: {  	s3 =	ssub.s32 $0x0, s20;
	[sflag:s22] =	ssyncset.done $0x0  }
0xa0: {  	[sflag:s22] =	ssyncadd.s32 s3;
	_ =	sdelay $0x1  }
0xa1: {  	s23 =	simm.s32 $0x1B8B  }
0xa2: {  	_ =	swait.ge [sflag:s23], $0x1  }
0xa3: {  	[sflag:s23] =	ssyncset.done $0x0  }
0xa4: {  	s25 =	simm.s32 $0x1B8E;
	s24 =	sld [smem:$0x3FFE];
	[sflag:s23] =	ssyncadd.s32 $0xFFFFFFFF  }
0xa5: {  	s26 =	simm.s32 $execute0_lowered;
	[smem:$0x3FD2] =	sst s25  }
0xa6: {  	s4 =	sshll.u32 s26, $0x1;
	_ =	strace $0x8000004C;
	[dreg:$0x1] =	wrdreg $0xFFFFFFFF  }
0xa7: {  	s28 =	simm.s32 $_size_execute0_lowered;
	s2 =	sadd.s32 s2, s4;
	[dreg:$0x0] =	wrdreg $0x0  }
0xa8: {  	s4 =	sshll.u32 s28, $0x1;
	[dreg:$0x2] =	wrdreg s2  }
0xa9: {  	[dreg:$0x3] =	wrdreg s4  }
0xaa: {  	[dreg:$0x4] =	wrdreg $0xC0  }
0xab: {  	_ =	task [dreg:s6], $0x5FFFF  }
0xac: {  	[dreg:$0x1] =	wrdreg $0xFFFFFFFF  }
0xad: {  	[dreg:$0x0] =	wrdreg $0x60  }
0xae: {  	[dreg:$0x2] =	wrdreg s24  }
0xaf: {  	[dreg:$0x3] =	wrdreg $0x52000  }
0xb0: {  	[dreg:$0x4] =	wrdreg $0x9  }
0xb1: {  	_ =	task.clear_ibuf [dreg:s6], $0x5FFFF;
	_ =	strace $0x9000004C  }
0xb2: {  	s29 =	simm.s32 $0x9;
	_ =	strace $0x8000004E  }
0xb3: {  	_ =	swait.ge [sflag:s29], $0x1  }
0xb4: {  	[sflag:s29] =	ssyncadd.s32 $0xFFFFFFFF  }
0xb5: {  	_ =	strace $0x9000004E  }
0xb6: {  	_ =	sfence  }
0xb7: {  	s30 =	sld [smem:$0x0];
	_ =	sdelay $0x2  }
0xb8: {  	s31 =	sshll.u32 s1, $0xD;
	s1 =	sshrl.u32 s1, $0x2  }
0xb9: {  	s3 =	sand.u32 $0x4000, s31;
	s1 =	sadd.s32 s1, s30  }
0xba: {  	s0 =	sor.u32 s3, s0;
	s1 =	sshll.u32 s1, $0x11  }
0xbb: {  	s0 =	sor.u32 s1, s0  }
0xbc: {  	s0 =	sadd.s32 $0x8F2B, s0  }
0xbd: {  	[sflag:s0] =	ssyncadd.remote.s32 $0x1  }
0xbe: {  	_ =	sfence.sel $0xFFFF  }
0xbf: {  	[dreg:$0x0] =	wrdreg $0xFFFFFFFF;
	(pc) =	sbr.abs _section_cstart, $3  }
0xc0: {  	[dreg:$0x1] =	wrdreg $0xFFFFFFFF  }
0xc1: {  	_ =	task.clear_ibuf [dreg:s6], $0x2FFFF;
	_ =	strace $0x9FFFFFFF  }
0xc2: {  	(tm) =	ssettm $0x7FFFFFFF  }
0xc3: {  	_ =	shalt  }
tec
execute0_lowered:
.L_overlay_start_1:
0x0: {  	(tag) =	ssettag $0x1  }
0x1: {  	s5 =	rddreg [dreg:$0x0]  }
0x2: {  	s2 =	rddreg [dreg:$0x1]  }
0x3: {  	s0 =	rddreg [dreg:$0x2];
	s4 =	srdreg.scid  }
0x4: {  	s3 =	simm.s32 $0x0;
	s1 =	stileid.u32;
	s13 =	simm.s32 $0x100  }
0x5: {  	s14 =	simm.s32 $0x50;
	s15 =	simm.s32 $0x200;
	s16 =	simm.s32 $0x80  }
0x6: {  	s17 =	simm.s32 $0x180;
	s18 =	simm.s32 $0x2A00;
	s19 =	simm.s32 $0x1  }
0x7: {  	s20 =	simm.s32 $0x2;
	s21 =	simm.s32 $0x0;
	s9 =	smul.u32 $0x14000, s1  }
0x8: {  	s6 =	sand.u32 $0x1, s4;
	s7 =	sshll.u32 s1, $0xE;
	s26 =	smul.u32 $0x2800, s1  }
0x9: {  	[smem:$0x7FF] =	sst s3;
	s28 =	smul.u32 $0x50000, s1;
	s31 =	sshll.u32 s1, $0x6  }
0xa: {  	s4 =	sshll.u32 s6, $0x12;
	s8 =	smul.u32 $0x140000, s6;
	_ =	strace $0x8000004D  }
0xb: {  	s6 =	ssub.s32 $0x2, s6;
	s7 =	sor.u32 s7, s4;
	s4 =	sadd.s32 $0x4C600, s5  }
0xc: {  	s29 =	sshrl.u32 s6, $0x1;
	s30 =	sshrl.u32 s28, $0x2;
	s7 =	sshrl.u32 s7, $0x3  }
0xd: {  	s8 =	sadd.s32 s9, s8;
	s11 =	ssub.s32 s6, s29;
	s12 =	sadd.s32 s30, s2  }
0xe: {  	s10 =	sadd.s32 s7, s5;
	s8 =	sshrl.u32 s8, $0x3;
	s7 =	sadd.s32 s26, s5  }
0xf: {  	s6 =	sor.u32 $0x1C03, s31;
	s8 =	sadd.s32 s8, s5;
	s5 =	sadd.s32 $0x24600, s7  }
0x10: {  	s9 =	sadd.s32 $0x14600, s10;
	s10 =	sadd.s32 $0x4600, s10;
	s7 =	sadd.s32 $0xC3800, s8  }
0x11: {  	s8 =	smax.u32 s11, $0x1;
	s11 =	sshrl.u32 s12, $0x3;
	s12 =	simm.s32 $0x3  }
.LBB2_1:
0x12: {  	[spmem:s11], [sflag:s6] =	dma.local [hbm:s5], $0x2800  }
0x13: {  	_ =	swait.ge [sflag:s12], $0x2800  }
0x14: {  	[sflag:s12] =	ssyncset.done $0x0  }
0x15: {  	[sflag:s12] =	ssyncadd.s32 $0xFFFFD800  }
0x16: {  	s22 =	sadd.s32 $0x0, s9;
	[bflag:$0x0] =	sbarrier.arrive $0xFFFF  }
0x17: {  	[tilespmem:s3], [sflag:$0x3] =	stream.linear.gather [hbm4b:s22+s3], $0x80, $0x38;
	[tilespmem:$0x19200] =	vst v63  }
0x18: {  	_ =	swait.ge [sflag:s12], $0x80  }
0x19: {  	[sflag:s12] =	ssyncset.done $0x0  }
0x1a: {  	s23 =	sadd.s32 $0x0, s10;
	[sflag:s12] =	ssyncadd.s32 $0xFFFFFF80  }
0x1b: {  	[tilespmem:s13], [sflag:$0x3] =	stream.linear.gather [hbm4b:s23+s3], $0x80, $0x38;
	[tilespmem:$0x19200] =	vst v63  }
0x1c: {  	_ =	swait.ge [sflag:s12], $0x80  }
0x1d: {  	[sflag:s12] =	ssyncset.done $0x0  }
0x1e: {  	[sflag:s12] =	ssyncadd.s32 $0xFFFFFF80  }
0x1f: {  	[tilespmem:s15], [sflag:$0x1] =	stream.indirect.gather [hbm4b:s4+s14], $0x80, s3, s14, $0xb8;
	[tilespmem:$0x19200] =	vst v63  }
0x20: {  	s22 =	sadd.s32 $0x10, s22  }
0x21: {  	[tilespmem:s16], [sflag:$0x3] =	stream.linear.gather [hbm4b:s22+s3], $0x80, $0x38;
	[tilespmem:$0x19200] =	vst v63  }
0x22: {  	_ =	swait.ge [sflag:s12], $0x80  }
0x23: {  	[sflag:s12] =	ssyncset.done $0x0  }
0x24: {  	s31 =	sadd.s32 $0x10, s23;
	[sflag:s12] =	ssyncadd.s32 $0xFFFFFF80  }
0x25: {  	[tilespmem:s17], [sflag:$0x3] =	stream.linear.gather [hbm4b:s31+s3], $0x80, $0x38;
	[tilespmem:$0x19200] =	vst v63  }
0x26: {  	_ =	swait.ge [sflag:s12], $0x80  }
0x27: {  	[sflag:s12] =	ssyncset.done $0x0  }
0x28: {  	[sflag:s12] =	ssyncadd.s32 $0xFFFFFF80  }
0x29: {  	[tilespmem:s18], [sflag:$0x2] =	stream.indirect.gather [hbm4b:s4+s14], $0x80, s16, s14, $0xb8;
	[tilespmem:$0x19200] =	vst v63  }
0x2a: {  	_ =	swait.ge [sflag:s19], $0x2800  }
0x2b: {  	[sflag:s19] =	ssyncset.done $0x0  }
0x2c: {  	[sflag:s19] =	ssyncadd.s32 $0xFFFFD800  }
0x2d: {  	[spmem:s2] =	stream.indirect.scatter.add.f32 [tilespmem:s15], [sflag:$0x3], $0x80, s13, s14, $0xb8;
	[tilespmem:$0x19200] =	vst v63  }
0x2e: {  	_ =	swait.ge [sflag:s12], $0x2800  }
0x2f: {  	[sflag:s12] =	ssyncset.done $0x0  }
0x30: {  	[sflag:s12] =	ssyncadd.s32 $0xFFFFD800  }
0x31: {  	_ =	swait.ge [sflag:s20], $0x2800  }
0x32: {  	[sflag:s20] =	ssyncset.done $0x0  }
0x33: {  	[sflag:s20] =	ssyncadd.s32 $0xFFFFD800  }
0x34: {  	[spmem:s2] =	stream.indirect.scatter.add.f32 [tilespmem:s18], [sflag:$0x3], $0x80, s17, s14, $0xb8;
	[tilespmem:$0x19200] =	vst v63  }
0x35: {  	_ =	swait.ge [sflag:s12], $0x2800  }
0x36: {  	s24 =	simm.s32 $0x40;
	s22 =	simm.s32 $0x20;
	[sflag:s12] =	ssyncset.done $0x0  }
.LBB2_2:
0x37: {  	s25 =	sadd.s32 s22, s9  }
0x38: {  	[sflag:s12] =	ssyncadd.s32 $0xFFFFD800;
	s26 =	smov.u32 s24;
	s23 =	sadd.s32 $0x20, s24  }
0x39: {  	[tilespmem:s3], [sflag:$0x3] =	stream.linear.gather [hbm4b:s25+s3], $0x80, $0x38;
	[tilespmem:$0x19200] =	vst v63  }
0x3a: {  	p0 =	sne.s32 s24, $0x7E0;
	_ =	swait.ge [sflag:s12], $0x80  }
0x3b: {  	[sflag:s12] =	ssyncset.done $0x0  }
0x3c: {  	s24 =	sadd.s32 s22, s10;
	s22 =	smov.u32 s26;
	[sflag:s12] =	ssyncadd.s32 $0xFFFFFF80  }
0x3d: {  	[tilespmem:s13], [sflag:$0x3] =	stream.linear.gather [hbm4b:s24+s3], $0x80, $0x38;
	[tilespmem:$0x19200] =	vst v63  }
0x3e: {  	_ =	swait.ge [sflag:s12], $0x80  }
0x3f: {  	[sflag:s12] =	ssyncset.done $0x0  }
0x40: {  	[sflag:s12] =	ssyncadd.s32 $0xFFFFFF80  }
0x41: {  	[tilespmem:s15], [sflag:$0x1] =	stream.indirect.gather [hbm4b:s4+s14], $0x80, s3, s14, $0xb8;
	[tilespmem:$0x19200] =	vst v63  }
0x42: {  	s25 =	sadd.s32 $0x10, s25  }
0x43: {  	[tilespmem:s16], [sflag:$0x3] =	stream.linear.gather [hbm4b:s25+s3], $0x80, $0x38;
	[tilespmem:$0x19200] =	vst v63  }
0x44: {  	_ =	swait.ge [sflag:s12], $0x80  }
0x45: {  	[sflag:s12] =	ssyncset.done $0x0  }
0x46: {  	s24 =	sadd.s32 $0x10, s24;
	[sflag:s12] =	ssyncadd.s32 $0xFFFFFF80  }
0x47: {  	[tilespmem:s17], [sflag:$0x3] =	stream.linear.gather [hbm4b:s24+s3], $0x80, $0x38;
	[tilespmem:$0x19200] =	vst v63  }
0x48: {  	_ =	swait.ge [sflag:s12], $0x80  }
0x49: {  	[sflag:s12] =	ssyncset.done $0x0  }
0x4a: {  	[sflag:s12] =	ssyncadd.s32 $0xFFFFFF80  }
0x4b: {  	[tilespmem:s18], [sflag:$0x2] =	stream.indirect.gather [hbm4b:s4+s14], $0x80, s16, s14, $0xb8;
	[tilespmem:$0x19200] =	vst v63  }
0x4c: {  	_ =	swait.ge [sflag:s19], $0x2800  }
0x4d: {  	[sflag:s19] =	ssyncset.done $0x0  }
0x4e: {  	[sflag:s19] =	ssyncadd.s32 $0xFFFFD800  }
0x4f: {  	[spmem:s2] =	stream.indirect.scatter.add.f32 [tilespmem:s15], [sflag:$0x3], $0x80, s13, s14, $0xb8;
	[tilespmem:$0x19200] =	vst v63  }
0x50: {  	_ =	swait.ge [sflag:s12], $0x2800  }
0x51: {  	[sflag:s12] =	ssyncset.done $0x0  }
0x52: {  	[sflag:s12] =	ssyncadd.s32 $0xFFFFD800  }
0x53: {  	_ =	swait.ge [sflag:s20], $0x2800  }
.Ltmp0:
0x54: {  	[sflag:s20] =	ssyncset.done $0x0;
	(pc) =	sbr.rel @p0 .LBB2_2-.Ltmp0, $4  }
0x55: {  	[sflag:s20] =	ssyncadd.s32 $0xFFFFD800  }
0x56: {  	[spmem:s2] =	stream.indirect.scatter.add.f32 [tilespmem:s18], [sflag:$0x3], $0x80, s17, s14, $0xb8;
	[tilespmem:$0x19200] =	vst v63  }
0x57: {  	_ =	swait.ge [sflag:s12], $0x2800  }
0x58: {  	s24 =	smov.u32 s23;
	[sflag:s12] =	ssyncset.done $0x0  }
0x59: {  	s23 =	sadd.s32 s22, s9;
	[sflag:s12] =	ssyncadd.s32 $0xFFFFD800  }
0x5a: {  	[tilespmem:s3], [sflag:$0x3] =	stream.linear.gather [hbm4b:s23+s3], $0x80, $0x38;
	[tilespmem:$0x19200] =	vst v63  }
0x5b: {  	_ =	swait.ge [sflag:s12], $0x80  }
0x5c: {  	[sflag:s12] =	ssyncset.done $0x0  }
0x5d: {  	s31 =	sadd.s32 s22, s10;
	[sflag:s12] =	ssyncadd.s32 $0xFFFFFF80  }
0x5e: {  	[tilespmem:s13], [sflag:$0x3] =	stream.linear.gather [hbm4b:s31+s3], $0x80, $0x38;
	[tilespmem:$0x19200] =	vst v63  }
0x5f: {  	_ =	swait.ge [sflag:s12], $0x80  }
0x60: {  	[sflag:s12] =	ssyncset.done $0x0  }
0x61: {  	[sflag:s12] =	ssyncadd.s32 $0xFFFFFF80  }
0x62: {  	[tilespmem:s15], [sflag:$0x1] =	stream.indirect.gather [hbm4b:s4+s14], $0x80, s3, s14, $0xb8;
	[tilespmem:$0x19200] =	vst v63  }
0x63: {  	s23 =	sadd.s32 $0x10, s23  }
0x64: {  	[tilespmem:s16], [sflag:$0x3] =	stream.linear.gather [hbm4b:s23+s3], $0x80, $0x38;
	[tilespmem:$0x19200] =	vst v63  }
0x65: {  	_ =	swait.ge [sflag:s12], $0x80  }
0x66: {  	[sflag:s12] =	ssyncset.done $0x0  }
0x67: {  	s22 =	sadd.s32 $0x10, s31;
	[sflag:s12] =	ssyncadd.s32 $0xFFFFFF80  }
0x68: {  	[tilespmem:s17], [sflag:$0x3] =	stream.linear.gather [hbm4b:s22+s3], $0x80, $0x38;
	[tilespmem:$0x19200] =	vst v63  }
0x69: {  	_ =	swait.ge [sflag:s12], $0x80  }
0x6a: {  	[sflag:s12] =	ssyncset.done $0x0  }
0x6b: {  	[sflag:s12] =	ssyncadd.s32 $0xFFFFFF80  }
0x6c: {  	[tilespmem:s18], [sflag:$0x2] =	stream.indirect.gather [hbm4b:s4+s14], $0x80, s16, s14, $0xb8;
	[tilespmem:$0x19200] =	vst v63  }
0x6d: {  	_ =	swait.ge [sflag:s19], $0x2800  }
0x6e: {  	[sflag:s19] =	ssyncset.done $0x0  }
0x6f: {  	[sflag:s19] =	ssyncadd.s32 $0xFFFFD800  }
0x70: {  	[spmem:s2] =	stream.indirect.scatter.add.f32 [tilespmem:s15], [sflag:$0x3], $0x80, s13, s14, $0xb8;
	[tilespmem:$0x19200] =	vst v63  }
0x71: {  	_ =	swait.ge [sflag:s12], $0x2800  }
0x72: {  	[sflag:s12] =	ssyncset.done $0x0  }
0x73: {  	[sflag:s12] =	ssyncadd.s32 $0xFFFFD800  }
0x74: {  	_ =	swait.ge [sflag:s20], $0x2800  }
0x75: {  	[sflag:s20] =	ssyncset.done $0x0  }
0x76: {  	[sflag:s20] =	ssyncadd.s32 $0xFFFFD800  }
0x77: {  	[spmem:s2] =	stream.indirect.scatter.add.f32 [tilespmem:s18], [sflag:$0x3], $0x80, s17, s14, $0xb8;
	[tilespmem:$0x19200] =	vst v63  }
0x78: {  	_ =	swait.ge [sflag:s12], $0x2800  }
0x79: {  	s21 =	sadd.s32 $0x1, s21;
	[sflag:s12] =	ssyncset.done $0x0  }
0x7a: {  	p0 =	sne.s32 s21, s8;
	[sflag:s12] =	ssyncadd.s32 $0xFFFFD800  }
.Ltmp1:
0x7b: {  	[bflag:$0x0] =	sbarrier.arrive $0xFFFF;
	(pc) =	sbr.rel @p0 .LBB2_1-.Ltmp1, $4  }
0x7c: {  	[hbm:s7], [sflag:s6] =	dma.local [spmem:s11], $0x2800  }
0x7d: {  	_ =	swait.ge [sflag:s12], $0x2800  }
0x7e: {  	[sflag:s12] =	ssyncset.done $0x0  }
0x7f: {  	[sflag:s12] =	ssyncadd.s32 $0xFFFFD800  }
0x80: {  	_ =	sfence.sel $0x180000  }
0x81: {  	[bflag:$0x0] =	sbarrier.arrive $0xFFFF  }
0x82: {  	p0 =	sne.s32 s1, $0x0;
	_ =	strace $0x9000004D  }
0x83: {  	s0 =	sadd.s32 @!p0 $0x100000, s0;
	[bflag:$0x2] =	sbarrier.arrive $0xFFFF  }
0x84: {  	[sflag:s0] =	ssyncadd.tile.s32 @!p0 $0x1;
	_ =	shalt  }
.Lfunc_end2:
_tile_overlayer_lowered:
.L_overlay_start_2:
0x85: {  	(tag) =	ssettag $0x2  }
0x86: {  	s0 =	rddreg [dreg:$0x0];
	s2 =	stileid.u32  }
0x87: {  	s1 =	rddreg [dreg:$0x1];
	p0 =	sne.s32 s2, $0x0  }
0x88: {  	s3 =	rddreg [dreg:$0x2];
	[bflag:$0x3] =	sbarrier.arrive $0xFFFF;
	s2 =	simm.s32 @!p0 $0x1C03  }
0x89: {  	[timem:s3], [sflag:s2] =	dma.local @!p0 [hbm:s0], s1  }
0x8a: {  	s0 =	simm.s32 @!p0 $0x3  }
0x8b: {  	_ =	swait.ge @!p0 [sflag:s0], s1  }
0x8c: {  	s1 =	ssub.s32 @!p0 $0x0, s1;
	[sflag:s0] =	ssyncset.done @!p0 $0x0  }
0x8d: {  	[sflag:s0] =	ssyncadd.s32 @!p0 s1  }
0x8e: {  	[bflag:$0x3] =	sbarrier.arrive $0xFFFF  }
0x8f: {  	_ =	shalt  }

// kernel: kernel.21.cloned.1.call-start
scs
__scs_entry_jumppad:
0x0: {  	(pc) =	sbr.rel $0x88, $3  }
0x1: {  	(tag) =	ssettag $0x0;
	lr =	simm.s32 $0x1  }
0x2: {  	[smem:$0x3F94] =	sst lr;
	_ =	strace $0xD0000000  }
0x3: {  	_ = 	snop  }
0x4: {  	_ = 	snop  }
0x5: {  	_ = 	snop  }
0x6: {  	_ = 	snop  }
0x7: {  	_ = 	snop  }
__scs_overlays_trampoline_lowered:
0x8: {  	[smem:$0x3FA3] =	sst s0  }
0x9: {  	[smem:$0x3FA4] =	sst s1  }
0xa: {  	[smem:$0x3FA5] =	sst s2  }
0xb: {  	[smem:$0x3FA6] =	sst s3  }
0xc: {  	[smem:$0x3FA7] =	sst s4  }
0xd: {  	[smem:$0x3FA8] =	sst s5  }
0xe: {  	[smem:$0x3FA9] =	sst s6  }
0xf: {  	[smem:$0x3FAA] =	sst s7  }
0x10: {  	[smem:$0x3FAB] =	sst s8  }
0x11: {  	[smem:$0x3FAC] =	sst s9;
	s0 =	simm.s32 @!p0 $0x0  }
0x12: {  	s1 =	sld [smem:$0x3F92];
	s0 =	simm.s32 @p0 $0x1  }
0x13: {  	[smem:$0x3FAD] =	sst s0;
	s0 =	simm.s32 @!p1 $0x0  }
0x14: {  	s2 =	sld [smem:$0x3F91];
	s0 =	simm.s32 @p1 $0x1  }
0x15: {  	[smem:$0x3FAE] =	sst s0;
	s0 =	simm.s32 @!p2 $0x0  }
0x16: {  	s3 =	sld [smem:$0x3FDB];
	s0 =	simm.s32 @p2 $0x1  }
0x17: {  	s4 =	simm.s32 $0x1BF5;
	[smem:$0x3FB0] =	sst s0  }
0x18: {  	s0 =	sld [smem:$0x3F93];
	_ =	swait.ge [sflag:s4], $0x0  }
0x19: {  	s7 =	sld [smem:$0x3F94]  }
0x1a: {  	s8 =	sadd.s32 $0xFFFFE003, lr  }
0x1b: {  	s9 =	sadd.s32 $0xFFFFFEF7, lr;
	s5 =	simm.s32 $0xFFFFFFFF;
	p2 =	slt.u32 s8, $0xFFFFF086  }
0x1c: {  	p1 =	slt.u32 s9, $0xF7A;
	s5 =	simm.s32 @!p2 $0x0  }
0x1d: {  	s5 =	simm.s32 @p1 $0x1;
	p0 =	seq.s32 s7, s2  }
0x1e: {  	s7 =	smul.u32 @!p0 $0xF7A, s2;
	p2 =	seq.s32 @!p0 s5, $0x0  }
0x1f: {  	s9 =	smul.u32 $0xF7A, s1;
	s8 =	simm.s32 @!p0 $0x1BF5;
	p2 =	por !p2, p0  }
0x20: {  	[sflag:s8] =	ssyncset.s32 @!p0 $0xFFFFF086;
	s6 =	sadd.s32 @!p0 s3, s7;
	s7 =	simm.s32 @!p0 $0x108  }
0x21: {  	s3 =	sadd.s32 s3, s9;
	s6 =	sadd.s32 @!p0 $0x88, s6;
	s7 =	simm.s32 @p2 $0x1082  }
0x22: {  	[simem:s7], [sflag:s8] =	dma.local @!p0 [hbm:s6], $0xF7A  }
0x23: {  	s9 =	sor.u32 $0xD0000000, s2;
	s6 =	simm.s32 $0x108;
	_ =	swait.ge @!p0 [sflag:s8], $0x0  }
0x24: {  	s3 =	sadd.s32 $0x88, s3;
	s6 =	simm.s32 @!p1 $0x1082;
	[sflag:s4] =	ssyncset.s32 $0xFFFFF086  }
0x25: {  	[simem:s6], [sflag:s4] =	dma.local [hbm:s3], $0xF7A  }
0x26: {  	[smem:$0x3F94] =	sst s1;
	(tag) =	ssettag s2;
	_ =	strace s9  }
0x27: {  	s1 =	sld [smem:$0x3FA4]  }
0x28: {  	s2 =	sld [smem:$0x3FA5]  }
0x29: {  	s4 =	sld [smem:$0x3FA7]  }
0x2a: {  	p0 =	seq.s32 s5, $0x0;
	s5 =	sld [smem:$0x3FA8]  }
0x2b: {  	s6 =	sld [smem:$0x3FA9]  }
0x2c: {  	s7 =	sld [smem:$0x3FAA]  }
0x2d: {  	s3 =	simm.s32 $0x108;
	s8 =	sld [smem:$0x3FAB]  }
0x2e: {  	s3 =	simm.s32 @!p0 $0x1082;
	s9 =	sld [smem:$0x3FAC]  }
0x2f: {  	lr =	sadd.s32 s0, s3;
	s0 =	sld [smem:$0x3FA3]  }
0x30: {  	s3 =	sld [smem:$0x3FA6]  }
0x31: {  	[smem:$0x3FAF] =	sst s10  }
0x32: {  	s10 =	sld [smem:$0x3FAD];
	_ =	sdelay $0x3  }
0x33: {  	p0 =	seq.s32 s10, $0x1;
	s10 =	sld [smem:$0x3FAF];
	_ =	sdelay $0x3  }
0x34: {  	[smem:$0x3FAF] =	sst s10  }
0x35: {  	s10 =	sld [smem:$0x3FAE];
	_ =	sdelay $0x3  }
0x36: {  	p1 =	seq.s32 s10, $0x1;
	s10 =	sld [smem:$0x3FAF];
	_ =	sdelay $0x3  }
0x37: {  	[smem:$0x3FAF] =	sst s10  }
0x38: {  	s10 =	sld [smem:$0x3FB0]  }
0x39: {  	_ = 	snop;
	(pc) =	sbr.ind lr, $3  }
0x3a: {  	_ = 	snop  }
0x3b: {  	_ = 	snop  }
0x3c: {  	p2 =	seq.s32 s10, $0x1;
	s10 =	sld [smem:$0x3FAF]  }
0x3d: {  	_ =	shalt  }
0x3e: {  	_ =	shalt  }
0x3f: {  	_ =	shalt  }
0x40: {  	_ =	shalt  }
0x41: {  	_ =	shalt  }
0x42: {  	_ =	shalt  }
0x43: {  	_ =	shalt  }
0x44: {  	_ =	shalt  }
0x45: {  	_ =	shalt  }
0x46: {  	_ =	shalt  }
0x47: {  	_ =	shalt  }
0x48: {  	_ =	shalt  }
0x49: {  	_ =	shalt  }
0x4a: {  	_ =	shalt  }
0x4b: {  	_ =	shalt  }
0x4c: {  	_ =	shalt  }
0x4d: {  	_ =	shalt  }
0x4e: {  	_ =	shalt  }
0x4f: {  	_ =	shalt  }
0x50: {  	_ =	shalt  }
0x51: {  	_ =	shalt  }
0x52: {  	_ =	shalt  }
0x53: {  	_ =	shalt  }
0x54: {  	_ =	shalt  }
0x55: {  	_ =	shalt  }
0x56: {  	_ =	shalt  }
0x57: {  	_ =	shalt  }
0x58: {  	_ =	shalt  }
0x59: {  	_ =	shalt  }
0x5a: {  	_ =	shalt  }
0x5b: {  	_ =	shalt  }
0x5c: {  	_ =	shalt  }
0x5d: {  	_ =	shalt  }
0x5e: {  	_ =	shalt  }
0x5f: {  	_ =	shalt  }
0x60: {  	_ =	shalt  }
0x61: {  	_ =	shalt  }
0x62: {  	_ =	shalt  }
0x63: {  	_ =	shalt  }
0x64: {  	_ =	shalt  }
0x65: {  	_ =	shalt  }
0x66: {  	_ =	shalt  }
0x67: {  	_ =	shalt  }
0x68: {  	_ =	shalt  }
0x69: {  	_ =	shalt  }
0x6a: {  	_ =	shalt  }
0x6b: {  	_ =	shalt  }
0x6c: {  	_ =	shalt  }
0x6d: {  	_ =	shalt  }
0x6e: {  	_ =	shalt  }
0x6f: {  	_ =	shalt  }
0x70: {  	_ =	shalt  }
0x71: {  	_ =	shalt  }
0x72: {  	_ =	shalt  }
0x73: {  	_ =	shalt  }
0x74: {  	_ =	shalt  }
0x75: {  	_ =	shalt  }
0x76: {  	_ =	shalt  }
0x77: {  	_ =	shalt  }
0x78: {  	_ =	shalt  }
0x79: {  	_ =	shalt  }
0x7a: {  	_ =	shalt  }
0x7b: {  	_ =	shalt  }
0x7c: {  	_ =	shalt  }
0x7d: {  	_ =	shalt  }
0x7e: {  	_ =	shalt  }
0x7f: {  	_ =	shalt  }
0x80: {  	_ =	shalt  }
0x81: {  	_ =	shalt  }
0x82: {  	_ =	shalt  }
0x83: {  	_ =	shalt  }
0x84: {  	_ =	shalt  }
0x85: {  	_ =	shalt  }
0x86: {  	_ =	shalt  }
0x87: {  	_ =	shalt  }
.Lfunc_end0:
.L_simem_size_0:
called_computation.3_lowered:
.L_overlay_start_0:
0x88: {  	s2 =	sld [smem:$0x3FD9]  }
0x89: {  	s3 =	sld [smem:$0x3FFE];
	_ =	sdelay $0x1  }
0x8a: {  	s1 =	srdreg.scid  }
0x8b: {  	s0 =	sand.u32 $0x1, s1  }
0x8c: {  	s16 =	sshll.u32 s0, $0xA;
	s2 =	sadd.s32 s3, s2  }
0x8d: {  	s2 =	sadd.s32 s2, s16  }
0x8e: {  	[smem:$0x3FBB] =	sst s2  }
0x8f: {  	_ = 	snop  }
0x90: {  	(tm) =	ssettm $0x1  }
0x91: {  	s17 =	sld [smem:$0x3FFB];
	_ =	sdelay $0x3  }
0x92: {  	_ =	strace s17  }
0x93: {  	s2 =	sld [smem:$0x3FFC];
	_ =	sdelay $0x3  }
0x94: {  	_ =	strace s2  }
0x95: {  	s2 =	sld [smem:$0x3FFD];
	_ =	sdelay $0x3  }
0x96: {  	_ =	strace s2  }
0x97: {  	_ =	strace $0x8FFFFFFF  }
0x98: {  	s18 =	sld [smem:$0x3FDB];
	_ =	sdelay $0x1  }
0x99: {  	s19 =	simm.s32 $_scs_section_size  }
0x9a: {  	s4 =	simm.s32 $_size__tile_overlayer_lowered;
	s5 =	simm.s32 $_tile_overlayer_lowered  }
0x9b: {  	s22 =	simm.s32 $0x1BFF;
	s21 =	sshll.u32 s5, $0x1;
	s2 =	sadd.s32 s19, s18  }
0x9c: {  	s6 =	simm.s32 $0x0;
	s20 =	sshll.u32 s4, $0x1;
	s4 =	sadd.s32 s21, s2  }
0x9d: {  	[timem:s6], [sflag:s22] =	dma.local [hbm:s4], s20  }
0x9e: {  	_ =	swait.ge [sflag:s22], s20  }
0x9f: {  	s3 =	ssub.s32 $0x0, s20;
	[sflag:s22] =	ssyncset.done $0x0  }
0xa0: {  	[sflag:s22] =	ssyncadd.s32 s3;
	_ =	sdelay $0x1  }
0xa1: {  	s23 =	simm.s32 $0x1B8B  }
0xa2: {  	_ =	swait.ge [sflag:s23], $0x1  }
0xa3: {  	[sflag:s23] =	ssyncset.done $0x0  }
0xa4: {  	s25 =	simm.s32 $0x1B8E;
	s24 =	sld [smem:$0x3FFE];
	[sflag:s23] =	ssyncadd.s32 $0xFFFFFFFF  }
0xa5: {  	s26 =	simm.s32 $execute0_lowered;
	[smem:$0x3FD2] =	sst s25  }
0xa6: {  	s4 =	sshll.u32 s26, $0x1;
	_ =	strace $0x8000004F;
	[dreg:$0x1] =	wrdreg $0xFFFFFFFF  }
0xa7: {  	s28 =	simm.s32 $_size_execute0_lowered;
	s2 =	sadd.s32 s2, s4;
	[dreg:$0x0] =	wrdreg $0x0  }
0xa8: {  	s4 =	sshll.u32 s28, $0x1;
	[dreg:$0x2] =	wrdreg s2  }
0xa9: {  	[dreg:$0x3] =	wrdreg s4  }
0xaa: {  	[dreg:$0x4] =	wrdreg $0xC0  }
0xab: {  	_ =	task [dreg:s6], $0x5FFFF  }
0xac: {  	[dreg:$0x1] =	wrdreg $0xFFFFFFFF  }
0xad: {  	[dreg:$0x0] =	wrdreg $0x60  }
0xae: {  	[dreg:$0x2] =	wrdreg s24  }
0xaf: {  	[dreg:$0x3] =	wrdreg $0x52000  }
0xb0: {  	[dreg:$0x4] =	wrdreg $0x9  }
0xb1: {  	_ =	task.clear_ibuf [dreg:s6], $0x5FFFF;
	_ =	strace $0x9000004F  }
0xb2: {  	s29 =	simm.s32 $0x9;
	_ =	strace $0x80000051  }
0xb3: {  	_ =	swait.ge [sflag:s29], $0x1  }
0xb4: {  	[sflag:s29] =	ssyncadd.s32 $0xFFFFFFFF  }
0xb5: {  	_ =	strace $0x90000051  }
0xb6: {  	_ =	sfence  }
0xb7: {  	s30 =	sld [smem:$0x0];
	_ =	sdelay $0x2  }
0xb8: {  	s31 =	sshll.u32 s1, $0xD;
	s1 =	sshrl.u32 s1, $0x2  }
0xb9: {  	s3 =	sand.u32 $0x4000, s31;
	s1 =	sadd.s32 s1, s30  }
0xba: {  	s0 =	sor.u32 s3, s0;
	s1 =	sshll.u32 s1, $0x11  }
0xbb: {  	s0 =	sor.u32 s1, s0  }
0xbc: {  	s0 =	sadd.s32 $0x8F2B, s0  }
0xbd: {  	[sflag:s0] =	ssyncadd.remote.s32 $0x1  }
0xbe: {  	_ =	sfence.sel $0xFFFF  }
0xbf: {  	[dreg:$0x0] =	wrdreg $0xFFFFFFFF;
	(pc) =	sbr.abs _section_cstart, $3  }
0xc0: {  	[dreg:$0x1] =	wrdreg $0xFFFFFFFF  }
0xc1: {  	_ =	task.clear_ibuf [dreg:s6], $0x2FFFF;
	_ =	strace $0x9FFFFFFF  }
0xc2: {  	(tm) =	ssettm $0x7FFFFFFF  }
0xc3: {  	_ =	shalt  }
tec
execute0_lowered:
.L_overlay_start_1:
0x0: {  	(tag) =	ssettag $0x1  }
0x1: {  	s5 =	rddreg [dreg:$0x0]  }
0x2: {  	s2 =	rddreg [dreg:$0x1]  }
0x3: {  	s0 =	rddreg [dreg:$0x2];
	s4 =	srdreg.scid  }
0x4: {  	s3 =	simm.s32 $0x0;
	s1 =	stileid.u32;
	s13 =	simm.s32 $0x100  }
0x5: {  	s14 =	simm.s32 $0x50;
	s15 =	simm.s32 $0x200;
	s16 =	simm.s32 $0x80  }
0x6: {  	s17 =	simm.s32 $0x180;
	s18 =	simm.s32 $0x2A00;
	s19 =	simm.s32 $0x1  }
0x7: {  	s20 =	simm.s32 $0x2;
	s21 =	simm.s32 $0x0;
	s9 =	smul.u32 $0x14000, s1  }
0x8: {  	s6 =	sand.u32 $0x1, s4;
	s7 =	sshll.u32 s1, $0xE;
	s26 =	smul.u32 $0x2800, s1  }
0x9: {  	[smem:$0x7FF] =	sst s3;
	s28 =	smul.u32 $0x50000, s1;
	s31 =	sshll.u32 s1, $0x6  }
0xa: {  	s4 =	sshll.u32 s6, $0x12;
	s8 =	smul.u32 $0x140000, s6;
	_ =	strace $0x80000050  }
0xb: {  	s6 =	ssub.s32 $0x2, s6;
	s7 =	sor.u32 s7, s4;
	s4 =	sadd.s32 $0x4C600, s5  }
0xc: {  	s29 =	sshrl.u32 s6, $0x1;
	s30 =	sshrl.u32 s28, $0x2;
	s7 =	sshrl.u32 s7, $0x3  }
0xd: {  	s8 =	sadd.s32 s9, s8;
	s11 =	ssub.s32 s6, s29;
	s12 =	sadd.s32 s30, s2  }
0xe: {  	s10 =	sadd.s32 s7, s5;
	s8 =	sshrl.u32 s8, $0x3;
	s7 =	sadd.s32 s26, s5  }
0xf: {  	s6 =	sor.u32 $0x1C03, s31;
	s8 =	sadd.s32 s8, s5;
	s5 =	sadd.s32 $0x24600, s7  }
0x10: {  	s9 =	sadd.s32 $0x14600, s10;
	s10 =	sadd.s32 $0x4600, s10;
	s7 =	sadd.s32 $0xC3800, s8  }
0x11: {  	s8 =	smax.u32 s11, $0x1;
	s11 =	sshrl.u32 s12, $0x3;
	s12 =	simm.s32 $0x3  }
.LBB2_1:
0x12: {  	[spmem:s11], [sflag:s6] =	dma.local [hbm:s5], $0x2800  }
0x13: {  	_ =	swait.ge [sflag:s12], $0x2800  }
0x14: {  	[sflag:s12] =	ssyncset.done $0x0  }
0x15: {  	[sflag:s12] =	ssyncadd.s32 $0xFFFFD800  }
0x16: {  	s22 =	sadd.s32 $0x0, s9;
	[bflag:$0x0] =	sbarrier.arrive $0xFFFF  }
0x17: {  	[tilespmem:s3], [sflag:$0x3] =	stream.linear.gather [hbm4b:s22+s3], $0x80, $0x38;
	[tilespmem:$0x19200] =	vst v63  }
0x18: {  	_ =	swait.ge [sflag:s12], $0x80  }
0x19: {  	[sflag:s12] =	ssyncset.done $0x0  }
0x1a: {  	s23 =	sadd.s32 $0x0, s10;
	[sflag:s12] =	ssyncadd.s32 $0xFFFFFF80  }
0x1b: {  	[tilespmem:s13], [sflag:$0x3] =	stream.linear.gather [hbm4b:s23+s3], $0x80, $0x38;
	[tilespmem:$0x19200] =	vst v63  }
0x1c: {  	_ =	swait.ge [sflag:s12], $0x80  }
0x1d: {  	[sflag:s12] =	ssyncset.done $0x0  }
0x1e: {  	[sflag:s12] =	ssyncadd.s32 $0xFFFFFF80  }
0x1f: {  	[tilespmem:s15], [sflag:$0x1] =	stream.indirect.gather [hbm4b:s4+s14], $0x80, s3, s14, $0xb8;
	[tilespmem:$0x19200] =	vst v63  }
0x20: {  	s22 =	sadd.s32 $0x10, s22  }
0x21: {  	[tilespmem:s16], [sflag:$0x3] =	stream.linear.gather [hbm4b:s22+s3], $0x80, $0x38;
	[tilespmem:$0x19200] =	vst v63  }
0x22: {  	_ =	swait.ge [sflag:s12], $0x80  }
0x23: {  	[sflag:s12] =	ssyncset.done $0x0  }
0x24: {  	s31 =	sadd.s32 $0x10, s23;
	[sflag:s12] =	ssyncadd.s32 $0xFFFFFF80  }
0x25: {  	[tilespmem:s17], [sflag:$0x3] =	stream.linear.gather [hbm4b:s31+s3], $0x80, $0x38;
	[tilespmem:$0x19200] =	vst v63  }
0x26: {  	_ =	swait.ge [sflag:s12], $0x80  }
0x27: {  	[sflag:s12] =	ssyncset.done $0x0  }
0x28: {  	[sflag:s12] =	ssyncadd.s32 $0xFFFFFF80  }
0x29: {  	[tilespmem:s18], [sflag:$0x2] =	stream.indirect.gather [hbm4b:s4+s14], $0x80, s16, s14, $0xb8;
	[tilespmem:$0x19200] =	vst v63  }
0x2a: {  	_ =	swait.ge [sflag:s19], $0x2800  }
0x2b: {  	[sflag:s19] =	ssyncset.done $0x0  }
0x2c: {  	[sflag:s19] =	ssyncadd.s32 $0xFFFFD800  }
0x2d: {  	[spmem:s2] =	stream.indirect.scatter.add.f32 [tilespmem:s15], [sflag:$0x3], $0x80, s13, s14, $0xb8;
	[tilespmem:$0x19200] =	vst v63  }
0x2e: {  	_ =	swait.ge [sflag:s12], $0x2800  }
0x2f: {  	[sflag:s12] =	ssyncset.done $0x0  }
0x30: {  	[sflag:s12] =	ssyncadd.s32 $0xFFFFD800  }
0x31: {  	_ =	swait.ge [sflag:s20], $0x2800  }
0x32: {  	[sflag:s20] =	ssyncset.done $0x0  }
0x33: {  	[sflag:s20] =	ssyncadd.s32 $0xFFFFD800  }
0x34: {  	[spmem:s2] =	stream.indirect.scatter.add.f32 [tilespmem:s18], [sflag:$0x3], $0x80, s17, s14, $0xb8;
	[tilespmem:$0x19200] =	vst v63  }
0x35: {  	_ =	swait.ge [sflag:s12], $0x2800  }
0x36: {  	s24 =	simm.s32 $0x40;
	s22 =	simm.s32 $0x20;
	[sflag:s12] =	ssyncset.done $0x0  }
.LBB2_2:
0x37: {  	s25 =	sadd.s32 s22, s9  }
0x38: {  	[sflag:s12] =	ssyncadd.s32 $0xFFFFD800;
	s26 =	smov.u32 s24;
	s23 =	sadd.s32 $0x20, s24  }
0x39: {  	[tilespmem:s3], [sflag:$0x3] =	stream.linear.gather [hbm4b:s25+s3], $0x80, $0x38;
	[tilespmem:$0x19200] =	vst v63  }
0x3a: {  	p0 =	sne.s32 s24, $0x7E0;
	_ =	swait.ge [sflag:s12], $0x80  }
0x3b: {  	[sflag:s12] =	ssyncset.done $0x0  }
0x3c: {  	s24 =	sadd.s32 s22, s10;
	s22 =	smov.u32 s26;
	[sflag:s12] =	ssyncadd.s32 $0xFFFFFF80  }
0x3d: {  	[tilespmem:s13], [sflag:$0x3] =	stream.linear.gather [hbm4b:s24+s3], $0x80, $0x38;
	[tilespmem:$0x19200] =	vst v63  }
0x3e: {  	_ =	swait.ge [sflag:s12], $0x80  }
0x3f: {  	[sflag:s12] =	ssyncset.done $0x0  }
0x40: {  	[sflag:s12] =	ssyncadd.s32 $0xFFFFFF80  }
0x41: {  	[tilespmem:s15], [sflag:$0x1] =	stream.indirect.gather [hbm4b:s4+s14], $0x80, s3, s14, $0xb8;
	[tilespmem:$0x19200] =	vst v63  }
0x42: {  	s25 =	sadd.s32 $0x10, s25  }
0x43: {  	[tilespmem:s16], [sflag:$0x3] =	stream.linear.gather [hbm4b:s25+s3], $0x80, $0x38;
	[tilespmem:$0x19200] =	vst v63  }
0x44: {  	_ =	swait.ge [sflag:s12], $0x80  }
0x45: {  	[sflag:s12] =	ssyncset.done $0x0  }
0x46: {  	s24 =	sadd.s32 $0x10, s24;
	[sflag:s12] =	ssyncadd.s32 $0xFFFFFF80  }
0x47: {  	[tilespmem:s17], [sflag:$0x3] =	stream.linear.gather [hbm4b:s24+s3], $0x80, $0x38;
	[tilespmem:$0x19200] =	vst v63  }
0x48: {  	_ =	swait.ge [sflag:s12], $0x80  }
0x49: {  	[sflag:s12] =	ssyncset.done $0x0  }
0x4a: {  	[sflag:s12] =	ssyncadd.s32 $0xFFFFFF80  }
0x4b: {  	[tilespmem:s18], [sflag:$0x2] =	stream.indirect.gather [hbm4b:s4+s14], $0x80, s16, s14, $0xb8;
	[tilespmem:$0x19200] =	vst v63  }
0x4c: {  	_ =	swait.ge [sflag:s19], $0x2800  }
0x4d: {  	[sflag:s19] =	ssyncset.done $0x0  }
0x4e: {  	[sflag:s19] =	ssyncadd.s32 $0xFFFFD800  }
0x4f: {  	[spmem:s2] =	stream.indirect.scatter.add.f32 [tilespmem:s15], [sflag:$0x3], $0x80, s13, s14, $0xb8;
	[tilespmem:$0x19200] =	vst v63  }
0x50: {  	_ =	swait.ge [sflag:s12], $0x2800  }
0x51: {  	[sflag:s12] =	ssyncset.done $0x0  }
0x52: {  	[sflag:s12] =	ssyncadd.s32 $0xFFFFD800  }
0x53: {  	_ =	swait.ge [sflag:s20], $0x2800  }
.Ltmp0:
0x54: {  	[sflag:s20] =	ssyncset.done $0x0;
	(pc) =	sbr.rel @p0 .LBB2_2-.Ltmp0, $4  }
0x55: {  	[sflag:s20] =	ssyncadd.s32 $0xFFFFD800  }
0x56: {  	[spmem:s2] =	stream.indirect.scatter.add.f32 [tilespmem:s18], [sflag:$0x3], $0x80, s17, s14, $0xb8;
	[tilespmem:$0x19200] =	vst v63  }
0x57: {  	_ =	swait.ge [sflag:s12], $0x2800  }
0x58: {  	s24 =	smov.u32 s23;
	[sflag:s12] =	ssyncset.done $0x0  }
0x59: {  	s23 =	sadd.s32 s22, s9;
	[sflag:s12] =	ssyncadd.s32 $0xFFFFD800  }
0x5a: {  	[tilespmem:s3], [sflag:$0x3] =	stream.linear.gather [hbm4b:s23+s3], $0x80, $0x38;
	[tilespmem:$0x19200] =	vst v63  }
0x5b: {  	_ =	swait.ge [sflag:s12], $0x80  }
0x5c: {  	[sflag:s12] =	ssyncset.done $0x0  }
0x5d: {  	s31 =	sadd.s32 s22, s10;
	[sflag:s12] =	ssyncadd.s32 $0xFFFFFF80  }
0x5e: {  	[tilespmem:s13], [sflag:$0x3] =	stream.linear.gather [hbm4b:s31+s3], $0x80, $0x38;
	[tilespmem:$0x19200] =	vst v63  }
0x5f: {  	_ =	swait.ge [sflag:s12], $0x80  }
0x60: {  	[sflag:s12] =	ssyncset.done $0x0  }
0x61: {  	[sflag:s12] =	ssyncadd.s32 $0xFFFFFF80  }
0x62: {  	[tilespmem:s15], [sflag:$0x1] =	stream.indirect.gather [hbm4b:s4+s14], $0x80, s3, s14, $0xb8;
	[tilespmem:$0x19200] =	vst v63  }
0x63: {  	s23 =	sadd.s32 $0x10, s23  }
0x64: {  	[tilespmem:s16], [sflag:$0x3] =	stream.linear.gather [hbm4b:s23+s3], $0x80, $0x38;
	[tilespmem:$0x19200] =	vst v63  }
0x65: {  	_ =	swait.ge [sflag:s12], $0x80  }
0x66: {  	[sflag:s12] =	ssyncset.done $0x0  }
0x67: {  	s22 =	sadd.s32 $0x10, s31;
	[sflag:s12] =	ssyncadd.s32 $0xFFFFFF80  }
0x68: {  	[tilespmem:s17], [sflag:$0x3] =	stream.linear.gather [hbm4b:s22+s3], $0x80, $0x38;
	[tilespmem:$0x19200] =	vst v63  }
0x69: {  	_ =	swait.ge [sflag:s12], $0x80  }
0x6a: {  	[sflag:s12] =	ssyncset.done $0x0  }
0x6b: {  	[sflag:s12] =	ssyncadd.s32 $0xFFFFFF80  }
0x6c: {  	[tilespmem:s18], [sflag:$0x2] =	stream.indirect.gather [hbm4b:s4+s14], $0x80, s16, s14, $0xb8;
	[tilespmem:$0x19200] =	vst v63  }
0x6d: {  	_ =	swait.ge [sflag:s19], $0x2800  }
0x6e: {  	[sflag:s19] =	ssyncset.done $0x0  }
0x6f: {  	[sflag:s19] =	ssyncadd.s32 $0xFFFFD800  }
0x70: {  	[spmem:s2] =	stream.indirect.scatter.add.f32 [tilespmem:s15], [sflag:$0x3], $0x80, s13, s14, $0xb8;
	[tilespmem:$0x19200] =	vst v63  }
0x71: {  	_ =	swait.ge [sflag:s12], $0x2800  }
0x72: {  	[sflag:s12] =	ssyncset.done $0x0  }
0x73: {  	[sflag:s12] =	ssyncadd.s32 $0xFFFFD800  }
0x74: {  	_ =	swait.ge [sflag:s20], $0x2800  }
0x75: {  	[sflag:s20] =	ssyncset.done $0x0  }
0x76: {  	[sflag:s20] =	ssyncadd.s32 $0xFFFFD800  }
0x77: {  	[spmem:s2] =	stream.indirect.scatter.add.f32 [tilespmem:s18], [sflag:$0x3], $0x80, s17, s14, $0xb8;
	[tilespmem:$0x19200] =	vst v63  }
0x78: {  	_ =	swait.ge [sflag:s12], $0x2800  }
0x79: {  	s21 =	sadd.s32 $0x1, s21;
	[sflag:s12] =	ssyncset.done $0x0  }
0x7a: {  	p0 =	sne.s32 s21, s8;
	[sflag:s12] =	ssyncadd.s32 $0xFFFFD800  }
.Ltmp1:
0x7b: {  	[bflag:$0x0] =	sbarrier.arrive $0xFFFF;
	(pc) =	sbr.rel @p0 .LBB2_1-.Ltmp1, $4  }
0x7c: {  	[hbm:s7], [sflag:s6] =	dma.local [spmem:s11], $0x2800  }
0x7d: {  	_ =	swait.ge [sflag:s12], $0x2800  }
0x7e: {  	[sflag:s12] =	ssyncset.done $0x0  }
0x7f: {  	[sflag:s12] =	ssyncadd.s32 $0xFFFFD800  }
0x80: {  	_ =	sfence.sel $0x180000  }
0x81: {  	[bflag:$0x0] =	sbarrier.arrive $0xFFFF  }
0x82: {  	p0 =	sne.s32 s1, $0x0;
	_ =	strace $0x90000050  }
0x83: {  	s0 =	sadd.s32 @!p0 $0x100000, s0;
	[bflag:$0x2] =	sbarrier.arrive $0xFFFF  }
0x84: {  	[sflag:s0] =	ssyncadd.tile.s32 @!p0 $0x1;
	_ =	shalt  }
.Lfunc_end2:
_tile_overlayer_lowered:
.L_overlay_start_2:
0x85: {  	(tag) =	ssettag $0x2  }
0x86: {  	s0 =	rddreg [dreg:$0x0];
	s2 =	stileid.u32  }
0x87: {  	s1 =	rddreg [dreg:$0x1];
	p0 =	sne.s32 s2, $0x0  }
0x88: {  	s3 =	rddreg [dreg:$0x2];
	[bflag:$0x3] =	sbarrier.arrive $0xFFFF;
	s2 =	simm.s32 @!p0 $0x1C03  }
0x89: {  	[timem:s3], [sflag:s2] =	dma.local @!p0 [hbm:s0], s1  }
0x8a: {  	s0 =	simm.s32 @!p0 $0x3  }
0x8b: {  	_ =	swait.ge @!p0 [sflag:s0], s1  }
0x8c: {  	s1 =	ssub.s32 @!p0 $0x0, s1;
	[sflag:s0] =	ssyncset.done @!p0 $0x0  }
0x8d: {  	[sflag:s0] =	ssyncadd.s32 @!p0 s1  }
0x8e: {  	[bflag:$0x3] =	sbarrier.arrive $0xFFFF  }
0x8f: {  	_ =	shalt  }

// kernel: kernel.24.cloned.1.call-start
scs
__scs_entry_jumppad:
0x0: {  	(pc) =	sbr.rel $0x88, $3  }
0x1: {  	(tag) =	ssettag $0x0;
	lr =	simm.s32 $0x1  }
0x2: {  	[smem:$0x3F94] =	sst lr;
	_ =	strace $0xD0000000  }
0x3: {  	_ = 	snop  }
0x4: {  	_ = 	snop  }
0x5: {  	_ = 	snop  }
0x6: {  	_ = 	snop  }
0x7: {  	_ = 	snop  }
__scs_overlays_trampoline_lowered:
0x8: {  	[smem:$0x3FA3] =	sst s0  }
0x9: {  	[smem:$0x3FA4] =	sst s1  }
0xa: {  	[smem:$0x3FA5] =	sst s2  }
0xb: {  	[smem:$0x3FA6] =	sst s3  }
0xc: {  	[smem:$0x3FA7] =	sst s4  }
0xd: {  	[smem:$0x3FA8] =	sst s5  }
0xe: {  	[smem:$0x3FA9] =	sst s6  }
0xf: {  	[smem:$0x3FAA] =	sst s7  }
0x10: {  	[smem:$0x3FAB] =	sst s8  }
0x11: {  	[smem:$0x3FAC] =	sst s9;
	s0 =	simm.s32 @!p0 $0x0  }
0x12: {  	s1 =	sld [smem:$0x3F92];
	s0 =	simm.s32 @p0 $0x1  }
0x13: {  	[smem:$0x3FAD] =	sst s0;
	s0 =	simm.s32 @!p1 $0x0  }
0x14: {  	s2 =	sld [smem:$0x3F91];
	s0 =	simm.s32 @p1 $0x1  }
0x15: {  	[smem:$0x3FAE] =	sst s0;
	s0 =	simm.s32 @!p2 $0x0  }
0x16: {  	s3 =	sld [smem:$0x3FDB];
	s0 =	simm.s32 @p2 $0x1  }
0x17: {  	s4 =	simm.s32 $0x1BF5;
	[smem:$0x3FB0] =	sst s0  }
0x18: {  	s0 =	sld [smem:$0x3F93];
	_ =	swait.ge [sflag:s4], $0x0  }
0x19: {  	s7 =	sld [smem:$0x3F94]  }
0x1a: {  	s8 =	sadd.s32 $0xFFFFE003, lr  }
0x1b: {  	s9 =	sadd.s32 $0xFFFFFEF7, lr;
	s5 =	simm.s32 $0xFFFFFFFF;
	p2 =	slt.u32 s8, $0xFFFFF086  }
0x1c: {  	p1 =	slt.u32 s9, $0xF7A;
	s5 =	simm.s32 @!p2 $0x0  }
0x1d: {  	s5 =	simm.s32 @p1 $0x1;
	p0 =	seq.s32 s7, s2  }
0x1e: {  	s7 =	smul.u32 @!p0 $0xF7A, s2;
	p2 =	seq.s32 @!p0 s5, $0x0  }
0x1f: {  	s9 =	smul.u32 $0xF7A, s1;
	s8 =	simm.s32 @!p0 $0x1BF5;
	p2 =	por !p2, p0  }
0x20: {  	[sflag:s8] =	ssyncset.s32 @!p0 $0xFFFFF086;
	s6 =	sadd.s32 @!p0 s3, s7;
	s7 =	simm.s32 @!p0 $0x108  }
0x21: {  	s3 =	sadd.s32 s3, s9;
	s6 =	sadd.s32 @!p0 $0x88, s6;
	s7 =	simm.s32 @p2 $0x1082  }
0x22: {  	[simem:s7], [sflag:s8] =	dma.local @!p0 [hbm:s6], $0xF7A  }
0x23: {  	s9 =	sor.u32 $0xD0000000, s2;
	s6 =	simm.s32 $0x108;
	_ =	swait.ge @!p0 [sflag:s8], $0x0  }
0x24: {  	s3 =	sadd.s32 $0x88, s3;
	s6 =	simm.s32 @!p1 $0x1082;
	[sflag:s4] =	ssyncset.s32 $0xFFFFF086  }
0x25: {  	[simem:s6], [sflag:s4] =	dma.local [hbm:s3], $0xF7A  }
0x26: {  	[smem:$0x3F94] =	sst s1;
	(tag) =	ssettag s2;
	_ =	strace s9  }
0x27: {  	s1 =	sld [smem:$0x3FA4]  }
0x28: {  	s2 =	sld [smem:$0x3FA5]  }
0x29: {  	s4 =	sld [smem:$0x3FA7]  }
0x2a: {  	p0 =	seq.s32 s5, $0x0;
	s5 =	sld [smem:$0x3FA8]  }
0x2b: {  	s6 =	sld [smem:$0x3FA9]  }
0x2c: {  	s7 =	sld [smem:$0x3FAA]  }
0x2d: {  	s3 =	simm.s32 $0x108;
	s8 =	sld [smem:$0x3FAB]  }
0x2e: {  	s3 =	simm.s32 @!p0 $0x1082;
	s9 =	sld [smem:$0x3FAC]  }
0x2f: {  	lr =	sadd.s32 s0, s3;
	s0 =	sld [smem:$0x3FA3]  }
0x30: {  	s3 =	sld [smem:$0x3FA6]  }
0x31: {  	[smem:$0x3FAF] =	sst s10  }
0x32: {  	s10 =	sld [smem:$0x3FAD];
	_ =	sdelay $0x3  }
0x33: {  	p0 =	seq.s32 s10, $0x1;
	s10 =	sld [smem:$0x3FAF];
	_ =	sdelay $0x3  }
0x34: {  	[smem:$0x3FAF] =	sst s10  }
0x35: {  	s10 =	sld [smem:$0x3FAE];
	_ =	sdelay $0x3  }
0x36: {  	p1 =	seq.s32 s10, $0x1;
	s10 =	sld [smem:$0x3FAF];
	_ =	sdelay $0x3  }
0x37: {  	[smem:$0x3FAF] =	sst s10  }
0x38: {  	s10 =	sld [smem:$0x3FB0]  }
0x39: {  	_ = 	snop;
	(pc) =	sbr.ind lr, $3  }
0x3a: {  	_ = 	snop  }
0x3b: {  	_ = 	snop  }
0x3c: {  	p2 =	seq.s32 s10, $0x1;
	s10 =	sld [smem:$0x3FAF]  }
0x3d: {  	_ =	shalt  }
0x3e: {  	_ =	shalt  }
0x3f: {  	_ =	shalt  }
0x40: {  	_ =	shalt  }
0x41: {  	_ =	shalt  }
0x42: {  	_ =	shalt  }
0x43: {  	_ =	shalt  }
0x44: {  	_ =	shalt  }
0x45: {  	_ =	shalt  }
0x46: {  	_ =	shalt  }
0x47: {  	_ =	shalt  }
0x48: {  	_ =	shalt  }
0x49: {  	_ =	shalt  }
0x4a: {  	_ =	shalt  }
0x4b: {  	_ =	shalt  }
0x4c: {  	_ =	shalt  }
0x4d: {  	_ =	shalt  }
0x4e: {  	_ =	shalt  }
0x4f: {  	_ =	shalt  }
0x50: {  	_ =	shalt  }
0x51: {  	_ =	shalt  }
0x52: {  	_ =	shalt  }
0x53: {  	_ =	shalt  }
0x54: {  	_ =	shalt  }
0x55: {  	_ =	shalt  }
0x56: {  	_ =	shalt  }
0x57: {  	_ =	shalt  }
0x58: {  	_ =	shalt  }
0x59: {  	_ =	shalt  }
0x5a: {  	_ =	shalt  }
0x5b: {  	_ =	shalt  }
0x5c: {  	_ =	shalt  }
0x5d: {  	_ =	shalt  }
0x5e: {  	_ =	shalt  }
0x5f: {  	_ =	shalt  }
0x60: {  	_ =	shalt  }
0x61: {  	_ =	shalt  }
0x62: {  	_ =	shalt  }
0x63: {  	_ =	shalt  }
0x64: {  	_ =	shalt  }
0x65: {  	_ =	shalt  }
0x66: {  	_ =	shalt  }
0x67: {  	_ =	shalt  }
0x68: {  	_ =	shalt  }
0x69: {  	_ =	shalt  }
0x6a: {  	_ =	shalt  }
0x6b: {  	_ =	shalt  }
0x6c: {  	_ =	shalt  }
0x6d: {  	_ =	shalt  }
0x6e: {  	_ =	shalt  }
0x6f: {  	_ =	shalt  }
0x70: {  	_ =	shalt  }
0x71: {  	_ =	shalt  }
0x72: {  	_ =	shalt  }
0x73: {  	_ =	shalt  }
0x74: {  	_ =	shalt  }
0x75: {  	_ =	shalt  }
0x76: {  	_ =	shalt  }
0x77: {  	_ =	shalt  }
0x78: {  	_ =	shalt  }
0x79: {  	_ =	shalt  }
0x7a: {  	_ =	shalt  }
0x7b: {  	_ =	shalt  }
0x7c: {  	_ =	shalt  }
0x7d: {  	_ =	shalt  }
0x7e: {  	_ =	shalt  }
0x7f: {  	_ =	shalt  }
0x80: {  	_ =	shalt  }
0x81: {  	_ =	shalt  }
0x82: {  	_ =	shalt  }
0x83: {  	_ =	shalt  }
0x84: {  	_ =	shalt  }
0x85: {  	_ =	shalt  }
0x86: {  	_ =	shalt  }
0x87: {  	_ =	shalt  }
.Lfunc_end0:
.L_simem_size_0:
called_computation.4_lowered:
.L_overlay_start_0:
0x88: {  	s2 =	sld [smem:$0x3FD9]  }
0x89: {  	s3 =	sld [smem:$0x3FFE];
	_ =	sdelay $0x1  }
0x8a: {  	s1 =	srdreg.scid  }
0x8b: {  	s0 =	sand.u32 $0x1, s1  }
0x8c: {  	s16 =	sshll.u32 s0, $0xA;
	s2 =	sadd.s32 s3, s2  }
0x8d: {  	s2 =	sadd.s32 s2, s16  }
0x8e: {  	[smem:$0x3FBB] =	sst s2  }
0x8f: {  	_ = 	snop  }
0x90: {  	(tm) =	ssettm $0x1  }
0x91: {  	s17 =	sld [smem:$0x3FFB];
	_ =	sdelay $0x3  }
0x92: {  	_ =	strace s17  }
0x93: {  	s2 =	sld [smem:$0x3FFC];
	_ =	sdelay $0x3  }
0x94: {  	_ =	strace s2  }
0x95: {  	s2 =	sld [smem:$0x3FFD];
	_ =	sdelay $0x3  }
0x96: {  	_ =	strace s2  }
0x97: {  	_ =	strace $0x8FFFFFFF  }
0x98: {  	s18 =	sld [smem:$0x3FDB];
	_ =	sdelay $0x1  }
0x99: {  	s19 =	simm.s32 $_scs_section_size  }
0x9a: {  	s4 =	simm.s32 $_size__tile_overlayer_lowered;
	s5 =	simm.s32 $_tile_overlayer_lowered  }
0x9b: {  	s22 =	simm.s32 $0x1BFF;
	s21 =	sshll.u32 s5, $0x1;
	s2 =	sadd.s32 s19, s18  }
0x9c: {  	s6 =	simm.s32 $0x0;
	s20 =	sshll.u32 s4, $0x1;
	s4 =	sadd.s32 s21, s2  }
0x9d: {  	[timem:s6], [sflag:s22] =	dma.local [hbm:s4], s20  }
0x9e: {  	_ =	swait.ge [sflag:s22], s20  }
0x9f: {  	s3 =	ssub.s32 $0x0, s20;
	[sflag:s22] =	ssyncset.done $0x0  }
0xa0: {  	[sflag:s22] =	ssyncadd.s32 s3;
	_ =	sdelay $0x1  }
0xa1: {  	s23 =	simm.s32 $0x1B8B  }
0xa2: {  	_ =	swait.ge [sflag:s23], $0x1  }
0xa3: {  	[sflag:s23] =	ssyncset.done $0x0  }
0xa4: {  	s25 =	simm.s32 $0x1B8E;
	s24 =	sld [smem:$0x3FFE];
	[sflag:s23] =	ssyncadd.s32 $0xFFFFFFFF  }
0xa5: {  	s26 =	simm.s32 $execute0_lowered;
	[smem:$0x3FD2] =	sst s25  }
0xa6: {  	s4 =	sshll.u32 s26, $0x1;
	_ =	strace $0x80000052;
	[dreg:$0x1] =	wrdreg $0xFFFFFFFF  }
0xa7: {  	s28 =	simm.s32 $_size_execute0_lowered;
	s2 =	sadd.s32 s2, s4;
	[dreg:$0x0] =	wrdreg $0x0  }
0xa8: {  	s4 =	sshll.u32 s28, $0x1;
	[dreg:$0x2] =	wrdreg s2  }
0xa9: {  	[dreg:$0x3] =	wrdreg s4  }
0xaa: {  	[dreg:$0x4] =	wrdreg $0xC0  }
0xab: {  	_ =	task [dreg:s6], $0x5FFFF  }
0xac: {  	[dreg:$0x1] =	wrdreg $0xFFFFFFFF  }
0xad: {  	[dreg:$0x0] =	wrdreg $0x60  }
0xae: {  	[dreg:$0x2] =	wrdreg s24  }
0xaf: {  	[dreg:$0x3] =	wrdreg $0x52000  }
0xb0: {  	[dreg:$0x4] =	wrdreg $0x9  }
0xb1: {  	_ =	task.clear_ibuf [dreg:s6], $0x5FFFF;
	_ =	strace $0x90000052  }
0xb2: {  	s29 =	simm.s32 $0x9;
	_ =	strace $0x80000054  }
0xb3: {  	_ =	swait.ge [sflag:s29], $0x1  }
0xb4: {  	[sflag:s29] =	ssyncadd.s32 $0xFFFFFFFF  }
0xb5: {  	_ =	strace $0x90000054  }
0xb6: {  	_ =	sfence  }
0xb7: {  	s30 =	sld [smem:$0x0];
	_ =	sdelay $0x2  }
0xb8: {  	s31 =	sshll.u32 s1, $0xD;
	s1 =	sshrl.u32 s1, $0x2  }
0xb9: {  	s3 =	sand.u32 $0x4000, s31;
	s1 =	sadd.s32 s1, s30  }
0xba: {  	s0 =	sor.u32 s3, s0;
	s1 =	sshll.u32 s1, $0x11  }
0xbb: {  	s0 =	sor.u32 s1, s0  }
0xbc: {  	s0 =	sadd.s32 $0x8F2B, s0  }
0xbd: {  	[sflag:s0] =	ssyncadd.remote.s32 $0x1  }
0xbe: {  	_ =	sfence.sel $0xFFFF  }
0xbf: {  	[dreg:$0x0] =	wrdreg $0xFFFFFFFF;
	(pc) =	sbr.abs _section_cstart, $3  }
0xc0: {  	[dreg:$0x1] =	wrdreg $0xFFFFFFFF  }
0xc1: {  	_ =	task.clear_ibuf [dreg:s6], $0x2FFFF;
	_ =	strace $0x9FFFFFFF  }
0xc2: {  	(tm) =	ssettm $0x7FFFFFFF  }
0xc3: {  	_ =	shalt  }
tec
execute0_lowered:
.L_overlay_start_1:
0x0: {  	(tag) =	ssettag $0x1  }
0x1: {  	s5 =	rddreg [dreg:$0x0]  }
0x2: {  	s2 =	rddreg [dreg:$0x1]  }
0x3: {  	s0 =	rddreg [dreg:$0x2];
	s4 =	srdreg.scid  }
0x4: {  	s3 =	simm.s32 $0x0;
	s1 =	stileid.u32;
	s13 =	simm.s32 $0x100  }
0x5: {  	s14 =	simm.s32 $0x50;
	s15 =	simm.s32 $0x200;
	s16 =	simm.s32 $0x80  }
0x6: {  	s17 =	simm.s32 $0x180;
	s18 =	simm.s32 $0x2A00;
	s19 =	simm.s32 $0x1  }
0x7: {  	s20 =	simm.s32 $0x2;
	s21 =	simm.s32 $0x0;
	s9 =	smul.u32 $0x14000, s1  }
0x8: {  	s6 =	sand.u32 $0x1, s4;
	s7 =	sshll.u32 s1, $0xE;
	s26 =	smul.u32 $0x2800, s1  }
0x9: {  	[smem:$0x7FF] =	sst s3;
	s28 =	smul.u32 $0x50000, s1;
	s31 =	sshll.u32 s1, $0x6  }
0xa: {  	s4 =	sshll.u32 s6, $0x12;
	s8 =	smul.u32 $0x140000, s6;
	_ =	strace $0x80000053  }
0xb: {  	s6 =	ssub.s32 $0x2, s6;
	s7 =	sor.u32 s7, s4;
	s4 =	sadd.s32 $0x4C600, s5  }
0xc: {  	s29 =	sshrl.u32 s6, $0x1;
	s30 =	sshrl.u32 s28, $0x2;
	s7 =	sshrl.u32 s7, $0x3  }
0xd: {  	s8 =	sadd.s32 s9, s8;
	s11 =	ssub.s32 s6, s29;
	s12 =	sadd.s32 s30, s2  }
0xe: {  	s10 =	sadd.s32 s7, s5;
	s8 =	sshrl.u32 s8, $0x3;
	s7 =	sadd.s32 s26, s5  }
0xf: {  	s6 =	sor.u32 $0x1C03, s31;
	s8 =	sadd.s32 s8, s5;
	s5 =	sadd.s32 $0x24600, s7  }
0x10: {  	s9 =	sadd.s32 $0x14600, s10;
	s10 =	sadd.s32 $0x4600, s10;
	s7 =	sadd.s32 $0xC3800, s8  }
0x11: {  	s8 =	smax.u32 s11, $0x1;
	s11 =	sshrl.u32 s12, $0x3;
	s12 =	simm.s32 $0x3  }
.LBB2_1:
0x12: {  	[spmem:s11], [sflag:s6] =	dma.local [hbm:s5], $0x2800  }
0x13: {  	_ =	swait.ge [sflag:s12], $0x2800  }
0x14: {  	[sflag:s12] =	ssyncset.done $0x0  }
0x15: {  	[sflag:s12] =	ssyncadd.s32 $0xFFFFD800  }
0x16: {  	s22 =	sadd.s32 $0x0, s9;
	[bflag:$0x0] =	sbarrier.arrive $0xFFFF  }
0x17: {  	[tilespmem:s3], [sflag:$0x3] =	stream.linear.gather [hbm4b:s22+s3], $0x80, $0x38;
	[tilespmem:$0x19200] =	vst v63  }
0x18: {  	_ =	swait.ge [sflag:s12], $0x80  }
0x19: {  	[sflag:s12] =	ssyncset.done $0x0  }
0x1a: {  	s23 =	sadd.s32 $0x0, s10;
	[sflag:s12] =	ssyncadd.s32 $0xFFFFFF80  }
0x1b: {  	[tilespmem:s13], [sflag:$0x3] =	stream.linear.gather [hbm4b:s23+s3], $0x80, $0x38;
	[tilespmem:$0x19200] =	vst v63  }
0x1c: {  	_ =	swait.ge [sflag:s12], $0x80  }
0x1d: {  	[sflag:s12] =	ssyncset.done $0x0  }
0x1e: {  	[sflag:s12] =	ssyncadd.s32 $0xFFFFFF80  }
0x1f: {  	[tilespmem:s15], [sflag:$0x1] =	stream.indirect.gather [hbm4b:s4+s14], $0x80, s3, s14, $0xb8;
	[tilespmem:$0x19200] =	vst v63  }
0x20: {  	s22 =	sadd.s32 $0x10, s22  }
0x21: {  	[tilespmem:s16], [sflag:$0x3] =	stream.linear.gather [hbm4b:s22+s3], $0x80, $0x38;
	[tilespmem:$0x19200] =	vst v63  }
0x22: {  	_ =	swait.ge [sflag:s12], $0x80  }
0x23: {  	[sflag:s12] =	ssyncset.done $0x0  }
0x24: {  	s31 =	sadd.s32 $0x10, s23;
	[sflag:s12] =	ssyncadd.s32 $0xFFFFFF80  }
0x25: {  	[tilespmem:s17], [sflag:$0x3] =	stream.linear.gather [hbm4b:s31+s3], $0x80, $0x38;
	[tilespmem:$0x19200] =	vst v63  }
0x26: {  	_ =	swait.ge [sflag:s12], $0x80  }
0x27: {  	[sflag:s12] =	ssyncset.done $0x0  }
0x28: {  	[sflag:s12] =	ssyncadd.s32 $0xFFFFFF80  }
0x29: {  	[tilespmem:s18], [sflag:$0x2] =	stream.indirect.gather [hbm4b:s4+s14], $0x80, s16, s14, $0xb8;
	[tilespmem:$0x19200] =	vst v63  }
0x2a: {  	_ =	swait.ge [sflag:s19], $0x2800  }
0x2b: {  	[sflag:s19] =	ssyncset.done $0x0  }
0x2c: {  	[sflag:s19] =	ssyncadd.s32 $0xFFFFD800  }
0x2d: {  	[spmem:s2] =	stream.indirect.scatter.add.f32 [tilespmem:s15], [sflag:$0x3], $0x80, s13, s14, $0xb8;
	[tilespmem:$0x19200] =	vst v63  }
0x2e: {  	_ =	swait.ge [sflag:s12], $0x2800  }
0x2f: {  	[sflag:s12] =	ssyncset.done $0x0  }
0x30: {  	[sflag:s12] =	ssyncadd.s32 $0xFFFFD800  }
0x31: {  	_ =	swait.ge [sflag:s20], $0x2800  }
0x32: {  	[sflag:s20] =	ssyncset.done $0x0  }
0x33: {  	[sflag:s20] =	ssyncadd.s32 $0xFFFFD800  }
0x34: {  	[spmem:s2] =	stream.indirect.scatter.add.f32 [tilespmem:s18], [sflag:$0x3], $0x80, s17, s14, $0xb8;
	[tilespmem:$0x19200] =	vst v63  }
0x35: {  	_ =	swait.ge [sflag:s12], $0x2800  }
0x36: {  	s24 =	simm.s32 $0x40;
	s22 =	simm.s32 $0x20;
	[sflag:s12] =	ssyncset.done $0x0  }
.LBB2_2:
0x37: {  	s25 =	sadd.s32 s22, s9  }
0x38: {  	[sflag:s12] =	ssyncadd.s32 $0xFFFFD800;
	s26 =	smov.u32 s24;
	s23 =	sadd.s32 $0x20, s24  }
0x39: {  	[tilespmem:s3], [sflag:$0x3] =	stream.linear.gather [hbm4b:s25+s3], $0x80, $0x38;
	[tilespmem:$0x19200] =	vst v63  }
0x3a: {  	p0 =	sne.s32 s24, $0x7E0;
	_ =	swait.ge [sflag:s12], $0x80  }
0x3b: {  	[sflag:s12] =	ssyncset.done $0x0  }
0x3c: {  	s24 =	sadd.s32 s22, s10;
	s22 =	smov.u32 s26;
	[sflag:s12] =	ssyncadd.s32 $0xFFFFFF80  }
0x3d: {  	[tilespmem:s13], [sflag:$0x3] =	stream.linear.gather [hbm4b:s24+s3], $0x80, $0x38;
	[tilespmem:$0x19200] =	vst v63  }
0x3e: {  	_ =	swait.ge [sflag:s12], $0x80  }
0x3f: {  	[sflag:s12] =	ssyncset.done $0x0  }
0x40: {  	[sflag:s12] =	ssyncadd.s32 $0xFFFFFF80  }
0x41: {  	[tilespmem:s15], [sflag:$0x1] =	stream.indirect.gather [hbm4b:s4+s14], $0x80, s3, s14, $0xb8;
	[tilespmem:$0x19200] =	vst v63  }
0x42: {  	s25 =	sadd.s32 $0x10, s25  }
0x43: {  	[tilespmem:s16], [sflag:$0x3] =	stream.linear.gather [hbm4b:s25+s3], $0x80, $0x38;
	[tilespmem:$0x19200] =	vst v63  }
0x44: {  	_ =	swait.ge [sflag:s12], $0x80  }
0x45: {  	[sflag:s12] =	ssyncset.done $0x0  }
0x46: {  	s24 =	sadd.s32 $0x10, s24;
	[sflag:s12] =	ssyncadd.s32 $0xFFFFFF80  }
0x47: {  	[tilespmem:s17], [sflag:$0x3] =	stream.linear.gather [hbm4b:s24+s3], $0x80, $0x38;
	[tilespmem:$0x19200] =	vst v63  }
0x48: {  	_ =	swait.ge [sflag:s12], $0x80  }
0x49: {  	[sflag:s12] =	ssyncset.done $0x0  }
0x4a: {  	[sflag:s12] =	ssyncadd.s32 $0xFFFFFF80  }
0x4b: {  	[tilespmem:s18], [sflag:$0x2] =	stream.indirect.gather [hbm4b:s4+s14], $0x80, s16, s14, $0xb8;
	[tilespmem:$0x19200] =	vst v63  }
0x4c: {  	_ =	swait.ge [sflag:s19], $0x2800  }
0x4d: {  	[sflag:s19] =	ssyncset.done $0x0  }
0x4e: {  	[sflag:s19] =	ssyncadd.s32 $0xFFFFD800  }
0x4f: {  	[spmem:s2] =	stream.indirect.scatter.add.f32 [tilespmem:s15], [sflag:$0x3], $0x80, s13, s14, $0xb8;
	[tilespmem:$0x19200] =	vst v63  }
0x50: {  	_ =	swait.ge [sflag:s12], $0x2800  }
0x51: {  	[sflag:s12] =	ssyncset.done $0x0  }
0x52: {  	[sflag:s12] =	ssyncadd.s32 $0xFFFFD800  }
0x53: {  	_ =	swait.ge [sflag:s20], $0x2800  }
.Ltmp0:
0x54: {  	[sflag:s20] =	ssyncset.done $0x0;
	(pc) =	sbr.rel @p0 .LBB2_2-.Ltmp0, $4  }
0x55: {  	[sflag:s20] =	ssyncadd.s32 $0xFFFFD800  }
0x56: {  	[spmem:s2] =	stream.indirect.scatter.add.f32 [tilespmem:s18], [sflag:$0x3], $0x80, s17, s14, $0xb8;
	[tilespmem:$0x19200] =	vst v63  }
0x57: {  	_ =	swait.ge [sflag:s12], $0x2800  }
0x58: {  	s24 =	smov.u32 s23;
	[sflag:s12] =	ssyncset.done $0x0  }
0x59: {  	s23 =	sadd.s32 s22, s9;
	[sflag:s12] =	ssyncadd.s32 $0xFFFFD800  }
0x5a: {  	[tilespmem:s3], [sflag:$0x3] =	stream.linear.gather [hbm4b:s23+s3], $0x80, $0x38;
	[tilespmem:$0x19200] =	vst v63  }
0x5b: {  	_ =	swait.ge [sflag:s12], $0x80  }
0x5c: {  	[sflag:s12] =	ssyncset.done $0x0  }
0x5d: {  	s31 =	sadd.s32 s22, s10;
	[sflag:s12] =	ssyncadd.s32 $0xFFFFFF80  }
0x5e: {  	[tilespmem:s13], [sflag:$0x3] =	stream.linear.gather [hbm4b:s31+s3], $0x80, $0x38;
	[tilespmem:$0x19200] =	vst v63  }
0x5f: {  	_ =	swait.ge [sflag:s12], $0x80  }
0x60: {  	[sflag:s12] =	ssyncset.done $0x0  }
0x61: {  	[sflag:s12] =	ssyncadd.s32 $0xFFFFFF80  }
0x62: {  	[tilespmem:s15], [sflag:$0x1] =	stream.indirect.gather [hbm4b:s4+s14], $0x80, s3, s14, $0xb8;
	[tilespmem:$0x19200] =	vst v63  }
0x63: {  	s23 =	sadd.s32 $0x10, s23  }
0x64: {  	[tilespmem:s16], [sflag:$0x3] =	stream.linear.gather [hbm4b:s23+s3], $0x80, $0x38;
	[tilespmem:$0x19200] =	vst v63  }
0x65: {  	_ =	swait.ge [sflag:s12], $0x80  }
0x66: {  	[sflag:s12] =	ssyncset.done $0x0  }
0x67: {  	s22 =	sadd.s32 $0x10, s31;
	[sflag:s12] =	ssyncadd.s32 $0xFFFFFF80  }
0x68: {  	[tilespmem:s17], [sflag:$0x3] =	stream.linear.gather [hbm4b:s22+s3], $0x80, $0x38;
	[tilespmem:$0x19200] =	vst v63  }
0x69: {  	_ =	swait.ge [sflag:s12], $0x80  }
0x6a: {  	[sflag:s12] =	ssyncset.done $0x0  }
0x6b: {  	[sflag:s12] =	ssyncadd.s32 $0xFFFFFF80  }
0x6c: {  	[tilespmem:s18], [sflag:$0x2] =	stream.indirect.gather [hbm4b:s4+s14], $0x80, s16, s14, $0xb8;
	[tilespmem:$0x19200] =	vst v63  }
0x6d: {  	_ =	swait.ge [sflag:s19], $0x2800  }
0x6e: {  	[sflag:s19] =	ssyncset.done $0x0  }
0x6f: {  	[sflag:s19] =	ssyncadd.s32 $0xFFFFD800  }
0x70: {  	[spmem:s2] =	stream.indirect.scatter.add.f32 [tilespmem:s15], [sflag:$0x3], $0x80, s13, s14, $0xb8;
	[tilespmem:$0x19200] =	vst v63  }
0x71: {  	_ =	swait.ge [sflag:s12], $0x2800  }
0x72: {  	[sflag:s12] =	ssyncset.done $0x0  }
0x73: {  	[sflag:s12] =	ssyncadd.s32 $0xFFFFD800  }
0x74: {  	_ =	swait.ge [sflag:s20], $0x2800  }
0x75: {  	[sflag:s20] =	ssyncset.done $0x0  }
0x76: {  	[sflag:s20] =	ssyncadd.s32 $0xFFFFD800  }
0x77: {  	[spmem:s2] =	stream.indirect.scatter.add.f32 [tilespmem:s18], [sflag:$0x3], $0x80, s17, s14, $0xb8;
	[tilespmem:$0x19200] =	vst v63  }
0x78: {  	_ =	swait.ge [sflag:s12], $0x2800  }
0x79: {  	s21 =	sadd.s32 $0x1, s21;
	[sflag:s12] =	ssyncset.done $0x0  }
0x7a: {  	p0 =	sne.s32 s21, s8;
	[sflag:s12] =	ssyncadd.s32 $0xFFFFD800  }
.Ltmp1:
0x7b: {  	[bflag:$0x0] =	sbarrier.arrive $0xFFFF;
	(pc) =	sbr.rel @p0 .LBB2_1-.Ltmp1, $4  }
0x7c: {  	[hbm:s7], [sflag:s6] =	dma.local [spmem:s11], $0x2800  }
0x7d: {  	_ =	swait.ge [sflag:s12], $0x2800  }
0x7e: {  	[sflag:s12] =	ssyncset.done $0x0  }
0x7f: {  	[sflag:s12] =	ssyncadd.s32 $0xFFFFD800  }
0x80: {  	_ =	sfence.sel $0x180000  }
0x81: {  	[bflag:$0x0] =	sbarrier.arrive $0xFFFF  }
0x82: {  	p0 =	sne.s32 s1, $0x0;
	_ =	strace $0x90000053  }
0x83: {  	s0 =	sadd.s32 @!p0 $0x100000, s0;
	[bflag:$0x2] =	sbarrier.arrive $0xFFFF  }
0x84: {  	[sflag:s0] =	ssyncadd.tile.s32 @!p0 $0x1;
	_ =	shalt  }
.Lfunc_end2:
_tile_overlayer_lowered:
.L_overlay_start_2:
0x85: {  	(tag) =	ssettag $0x2  }
0x86: {  	s0 =	rddreg [dreg:$0x0];
	s2 =	stileid.u32  }
0x87: {  	s1 =	rddreg [dreg:$0x1];
	p0 =	sne.s32 s2, $0x0  }
0x88: {  	s3 =	rddreg [dreg:$0x2];
	[bflag:$0x3] =	sbarrier.arrive $0xFFFF;
	s2 =	simm.s32 @!p0 $0x1C03  }
0x89: {  	[timem:s3], [sflag:s2] =	dma.local @!p0 [hbm:s0], s1  }
0x8a: {  	s0 =	simm.s32 @!p0 $0x3  }
0x8b: {  	_ =	swait.ge @!p0 [sflag:s0], s1  }
0x8c: {  	s1 =	ssub.s32 @!p0 $0x0, s1;
	[sflag:s0] =	ssyncset.done @!p0 $0x0  }
0x8d: {  	[sflag:s0] =	ssyncadd.s32 @!p0 s1  }
0x8e: {  	[bflag:$0x3] =	sbarrier.arrive $0xFFFF  }
0x8f: {  	_ =	shalt  }

</sc_bundles>
